<compile_context>
chip_gen: v7x
topology: tpu7x:2x2x1
jax: 0.10.2.dev20260603
libtpu: 0.0.44.dev20260713+nightly
codegen_flags: <defaults>
</compile_context>

<pallas_src>
import functools

import jax
import jax.numpy as jnp
import numpy as np
from jax import lax
from jax.experimental import pallas as pl
from jax.experimental.pallas import tpu as pltpu
from jax.experimental.pallas import tpu_sc as plsc

_B, _N, _CIN = 8, 4096, 16
_M = 1024
_R0, _R1 = 0.2, 0.4
_NS0, _NS1 = 16, 32
_EPS = 1e-5
_MBA = 512
_MB3 = 128
_MB2 = 128

_NC, _NSC = 2, 16
_NW = _NC * _NSC
_RPW = (_B * _M) // _NW
_RB = 16
_NBATCH = _RPW // _RB
_WPR = _N // 4 // 16

_JJ = np.arange(_N)
_PERM = (_JJ // 64) * 64 + 16 * (_JJ % 4) + (_JJ % 64) // 4


def _cumsum_lanes(x):
    lane = jax.lax.broadcasted_iota(jnp.int32, x.shape, 1)
    s = 1
    while s < x.shape[1]:
        shifted = pltpu.roll(x, s, 1)
        x = x + jnp.where(lane >= s, shifted, 0)
        s *= 2
    return x


def _k1_body(idx_ref, xyz_ref, feat_ref, xtp_ref, perm_ref, bd_ref,
             w0t_ref, w1t_ref,
             nx_ref, code_ref, stop_ref, tw0_ref, tw1_ref):
    j = pl.program_id(1)
    xyz = xyz_ref[...]

    @pl.when(j == 0)
    def _():
        dn = (((0,), (0,)), ((), ()))
        tw0_ref[...] = (
            jnp.dot(xyz, w0t_ref[0:3, :], preferred_element_type=jnp.float32)
            + lax.dot_general(feat_ref[...], w0t_ref[3:19, :], dn,
                              preferred_element_type=jnp.float32))
        tw1_ref[...] = (
            jnp.dot(xyz, w1t_ref[0:3, :], preferred_element_type=jnp.float32)
            + lax.dot_general(feat_ref[...], w1t_ref[3:19, :], dn,
                              preferred_element_type=jnp.float32))

    oh = (idx_ref[...] == perm_ref[...]).astype(jnp.float32)
    q = jnp.concatenate(
        [jnp.sum(oh * xtp_ref[d:d + 1, :], axis=1, keepdims=True)
         for d in range(3)], axis=1)
    nx_ref[...] = q

    qn = jnp.sum(q * q, axis=1, keepdims=True)
    pn = jnp.sum(xtp_ref[...] * xtp_ref[...], axis=0, keepdims=True)
    qp = jnp.dot(q, xtp_ref[...], preferred_element_type=jnp.float32)
    d2 = qn + pn - 2.0 * qp
    valid0 = d2 < np.float32(_R0 * _R0)
    valid1 = d2 < np.float32(_R1 * _R1)
    code_ref[...] = jnp.where(valid0, 3, jnp.where(valid1, 1, 0)
                              ).astype(jnp.int8)

    pack = jnp.where(valid0, np.float32(65537.0),
                     jnp.where(valid1, np.float32(1.0), np.float32(0.0)))
    chk = jnp.dot(pack, bd_ref[...],
                  preferred_element_type=jnp.float32)
    cum = _cumsum_lanes(chk.astype(jnp.int32))
    c0ch = jax.lax.shift_right_logical(cum, 16)
    c1ch = jnp.bitwise_and(cum, 65535)
    short = jnp.logical_or(c0ch < _NS0, c1ch < _NS1)
    need = jnp.sum(jnp.where(short, 1, 0), axis=1, keepdims=True) + 1
    stop_ref[...] = jnp.minimum(need, _WPR)


def _sc_body(words, stops, tw0, tw1, y0, y1,
             wbuf, sbuf, ib0, ib1, rv0, rv1, sem):
    wid = lax.axis_index("s") * _NC + lax.axis_index("c")
    row0 = wid * _RPW
    lanes = lax.iota(jnp.int32, 16)

    def batch_body(bi, carry):
        rowbase = row0 + bi * _RB
        pltpu.sync_copy(words.at[pl.ds(rowbase, _RB), :], wbuf)
        pltpu.sync_copy(stops.at[wid, pl.ds(bi * _RB, _RB)], sbuf)

        def zero16(i, c):
            ib1[pl.ds(i * 16, 16)] = jnp.zeros((16,), jnp.int32)
            return c
        lax.fori_loop(0, _RB * _NS1 // 16, zero16, 0)

        def zero0(i, c):
            ib0[pl.ds(i * 16, 16)] = jnp.zeros((16,), jnp.int32)
            return c
        lax.fori_loop(0, _RB * _NS0 // 16, zero0, 0)

        def row_body(r, c):
            rowg = rowbase + r
            b = lax.shift_right_logical(rowg, 10)
            bn = b * _N

            sv = sbuf[...]
            nv = jnp.max(jnp.where(lanes == r, sv, 0))

            def step(v, st):
                c0, c1 = st
                w = wbuf[r, pl.ds(v * 16, 16)]
                for t in range(4):
                    fld = jnp.bitwise_and(
                        lax.shift_right_logical(w, 8 * t), 255)
                    idxv = 64 * v + 16 * t + lanes
                    m1 = fld >= 1
                    h1 = jnp.where(m1, 1, 0)
                    pos1 = plsc.cumsum(h1) - 1 + c1
                    plsc.store_scatter(
                        ib1, [r * _NS1 + pos1], idxv,
                        mask=jnp.logical_and(m1, pos1 < _NS1))
                    c1 = c1 + jnp.sum(h1)
                    m0 = fld >= 2
                    h0 = jnp.where(m0, 1, 0)
                    pos0 = plsc.cumsum(h0) - 1 + c0
                    plsc.store_scatter(
                        ib0, [r * _NS0 + pos0], idxv,
                        mask=jnp.logical_and(m0, pos0 < _NS0))
                    c0 = c0 + jnp.sum(h0)
                return (c0, c1)

            c0, c1 = lax.fori_loop(0, nv, step, (0, 0))

            cur0 = ib0[pl.ds(r * _NS0, 16)]
            f0 = jnp.max(jnp.where(lanes == 0, cur0, 0))
            ib0[pl.ds(r * _NS0, 16)] = jnp.where(lanes < c0, cur0, f0) + bn
            cur1a = ib1[pl.ds(r * _NS1, 16)]
            f1 = jnp.max(jnp.where(lanes == 0, cur1a, 0))
            ib1[pl.ds(r * _NS1, 16)] = (
                jnp.where(lanes < c1, cur1a, f1) + bn)
            cur1b = ib1[pl.ds(r * _NS1 + 16, 16)]
            ib1[pl.ds(r * _NS1 + 16, 16)] = (
                jnp.where(lanes + 16 < c1, cur1b, f1) + bn)
            return c

        lax.fori_loop(0, _RB, row_body, 0)

        for ch in range(_RB * _NS0 // 128):
            pltpu.async_copy(tw0.at[ib0.at[pl.ds(ch * 128, 128)]],
                             rv0, sem).wait()
            pltpu.sync_copy(
                rv0, y0.at[pl.ds(rowbase * _NS0 + ch * 128, 128), :])
        for ch in range(_RB * _NS1 // 128):
            pltpu.async_copy(tw1.at[ib1.at[pl.ds(ch * 128, 128)]],
                             rv1, sem).wait()
            pltpu.sync_copy(
                rv1, y1.at[pl.ds(rowbase * _NS1 + ch * 128, 128), :])
        return carry

    lax.fori_loop(0, _NBATCH, batch_body, 0)


def _k3_body(y0r_ref, y1r_ref, nx_ref, w0t_ref, w1t_ref,
             y0_ref, y1_ref, st0_ref, st1_ref):
    b = pl.program_id(0)
    j = pl.program_id(1)

    @pl.when(jnp.logical_and(b == 0, j == 0))
    def _():
        st0_ref[...] = jnp.zeros_like(st0_ref)
        st1_ref[...] = jnp.zeros_like(st1_ref)

    q = nx_ref[...]

    def one_scale(yr_ref, wt_ref, y_ref, st_ref):
        center = jnp.dot(q, wt_ref[0:3, :],
                         preferred_element_type=jnp.float32)
        y3 = yr_ref[...] - center[:, None, :]
        y_ref[...] = y3
        t = jnp.sum(y3, axis=1)
        st_ref[0:1, :] += jnp.sum(t, axis=0)[None, :]
        t2 = jnp.sum(y3 * y3, axis=1)
        st_ref[1:2, :] += jnp.sum(t2, axis=0)[None, :]

    one_scale(y0r_ref, w0t_ref, y0_ref, st0_ref)
    one_scale(y1r_ref, w1t_ref, y1_ref, st1_ref)


def _k4_body(y0_ref, y1_ref, a0_ref, c0_ref, a1_ref, c1_ref,
             w0t_ref, w1t_ref,
             mx0_ref, mn0_ref, mx1_ref, mn1_ref, st0_ref, st1_ref):
    b = pl.program_id(0)
    j = pl.program_id(1)

    @pl.when(jnp.logical_and(b == 0, j == 0))
    def _():
        st0_ref[...] = jnp.zeros_like(st0_ref)
        st1_ref[...] = jnp.zeros_like(st1_ref)

    def one_scale(y_ref, a_ref, c_ref, wt_ref, mx_ref, mn_ref, st_ref, ns):
        y = y_ref[...]
        h = jnp.maximum(y * a_ref[...][:, None, :] + c_ref[...][:, None, :],
                        0.0)
        c1 = h.shape[2]
        wt = wt_ref[...]
        z = jnp.dot(h.reshape(_MB2 * ns, c1), wt,
                    preferred_element_type=jnp.float32)
        st_ref[0:1, :] += jnp.sum(z, axis=0)[None, :]
        st_ref[1:2, :] += jnp.sum(z * z, axis=0)[None, :]
        z3 = z.reshape(_MB2, ns, wt.shape[1])
        mx_ref[...] = jnp.max(z3, axis=1)
        mn_ref[...] = jnp.min(z3, axis=1)

    one_scale(y0_ref, a0_ref, c0_ref, w0t_ref, mx0_ref, mn0_ref, st0_ref, _NS0)
    one_scale(y1_ref, a1_ref, c1_ref, w1t_ref, mx1_ref, mn1_ref, st1_ref, _NS1)


def _k5_body(mx0_ref, mn0_ref, mx1_ref, mn1_ref,
             a0_ref, c0_ref, a1_ref, c1_ref, o_ref):
    def one_scale(mx_ref, mn_ref, a_ref, c_ref, lo, hi):
        a = a_ref[...]
        pooled = jnp.where(a >= 0.0, mx_ref[...], mn_ref[...])
        o = jnp.maximum(pooled * a + c_ref[...], 0.0)
        o_ref[lo:hi, :] = jnp.transpose(o, (1, 0))

    one_scale(mx0_ref, mn0_ref, a0_ref, c0_ref, 0, 32)
    one_scale(mx1_ref, mn1_ref, a1_ref, c1_ref, 32, 96)


def _finalize(st, cnt, g, bta):
    mean = st[0] / cnt
    var = st[1] / cnt - mean * mean
    scale = g / jnp.sqrt(var + _EPS)
    return (scale[None, :], (bta - mean * scale)[None, :])


def kernel(points_xyz, features, indices,
           w0_0, g0_0, b0_0, w0_1, g0_1, b0_1,
           w1_0, g1_0, b1_0, w1_1, g1_1, b1_1):
    f32 = jnp.float32
    xtp = jnp.transpose(points_xyz, (0, 2, 1))[:, :, _PERM]

    grid_a = (_B, _M // _MBA)
    bd = np.zeros((_N, 64), np.float32)
    bd[_JJ, _JJ // 64] = 1.0
    nx, code, stops, tw0, tw1 = pl.pallas_call(
        _k1_body,
        grid=grid_a,
        in_specs=[
            pl.BlockSpec((None, _MBA, 1), lambda b, j: (b, j, 0)),
            pl.BlockSpec((None, _N, 3), lambda b, j: (b, 0, 0)),
            pl.BlockSpec((None, _CIN, _N), lambda b, j: (b, 0, 0)),
            pl.BlockSpec((None, 3, _N), lambda b, j: (b, 0, 0)),
            pl.BlockSpec((1, _N), lambda b, j: (0, 0)),
            pl.BlockSpec((_N, 64), lambda b, j: (0, 0)),
            pl.BlockSpec((19, 16), lambda b, j: (0, 0)),
            pl.BlockSpec((19, 32), lambda b, j: (0, 0)),
        ],
        out_specs=[
            pl.BlockSpec((None, _MBA, 3), lambda b, j: (b, j, 0)),
            pl.BlockSpec((None, _MBA, _N), lambda b, j: (b, j, 0)),
            pl.BlockSpec((None, _MBA, 1), lambda b, j: (b, j, 0)),
            pl.BlockSpec((None, _N, 16), lambda b, j: (b, 0, 0)),
            pl.BlockSpec((None, _N, 32), lambda b, j: (b, 0, 0)),
        ],
        out_shape=[
            jax.ShapeDtypeStruct((_B, _M, 3), f32),
            jax.ShapeDtypeStruct((_B, _M, _N), jnp.int8),
            jax.ShapeDtypeStruct((_B, _M, 1), jnp.int32),
            jax.ShapeDtypeStruct((_B, _N, 16), f32),
            jax.ShapeDtypeStruct((_B, _N, 32), f32),
        ],
    )(indices.reshape(_B, _M, 1), points_xyz, features, xtp,
      jnp.asarray(_PERM.astype(np.int32)[None, :]),
      jnp.asarray(bd), w0_0.T, w1_0.T)

    words = lax.bitcast_convert_type(
        code.reshape(_B * _M, _N // 4, 4), jnp.int32)

    mesh = plsc.VectorSubcoreMesh(core_axis_name="c", subcore_axis_name="s")
    y0r, y1r = pl.kernel(
        _sc_body,
        mesh=mesh,
        compiler_params=pltpu.CompilerParams(needs_layout_passes=False,
                                             use_tc_tiling_on_sc=False),
        out_type=[
            jax.ShapeDtypeStruct((_B * _M * _NS0, 16), f32),
            jax.ShapeDtypeStruct((_B * _M * _NS1, 32), f32),
        ],
        scratch_types=[
            pltpu.VMEM((_RB, _N // 4), jnp.int32),
            pltpu.VMEM((_RB,), jnp.int32),
            pltpu.VMEM((_RB * _NS0,), jnp.int32),
            pltpu.VMEM((_RB * _NS1,), jnp.int32),
            pltpu.VMEM((128, 16), f32),
            pltpu.VMEM((128, 32), f32),
            pltpu.SemaphoreType.DMA,
        ],
    )(words, stops.reshape(_NW, _RPW),
      tw0.reshape(_B * _N, 16), tw1.reshape(_B * _N, 32))

    y0r = y0r.reshape(_B, _M, _NS0, 16)
    y1r = y1r.reshape(_B, _M, _NS1, 32)

    grid_3 = (_B, _M // _MB3)
    y0, y1, st0, st1 = pl.pallas_call(
        _k3_body,
        grid=grid_3,
        in_specs=[
            pl.BlockSpec((None, _MB3, _NS0, 16), lambda b, j: (b, j, 0, 0)),
            pl.BlockSpec((None, _MB3, _NS1, 32), lambda b, j: (b, j, 0, 0)),
            pl.BlockSpec((None, _MB3, 3), lambda b, j: (b, j, 0)),
            pl.BlockSpec((19, 16), lambda b, j: (0, 0)),
            pl.BlockSpec((19, 32), lambda b, j: (0, 0)),
        ],
        out_specs=[
            pl.BlockSpec((None, _MB3, _NS0, 16), lambda b, j: (b, j, 0, 0)),
            pl.BlockSpec((None, _MB3, _NS1, 32), lambda b, j: (b, j, 0, 0)),
            pl.BlockSpec((2, 16), lambda b, j: (0, 0)),
            pl.BlockSpec((2, 32), lambda b, j: (0, 0)),
        ],
        out_shape=[
            jax.ShapeDtypeStruct((_B, _M, _NS0, 16), f32),
            jax.ShapeDtypeStruct((_B, _M, _NS1, 32), f32),
            jax.ShapeDtypeStruct((2, 16), f32),
            jax.ShapeDtypeStruct((2, 32), f32),
        ],
    )(y0r, y1r, nx, w0_0.T, w1_0.T)

    cnt0 = np.float32(_B * _M * _NS0)
    cnt1 = np.float32(_B * _M * _NS1)
    a0, c0 = _finalize(st0, cnt0, g0_0, b0_0)
    a1, c1 = _finalize(st1, cnt1, g1_0, b1_0)

    grid_b = (_B, _M // _MB2)
    mx0, mn0, mx1, mn1, st20, st21 = pl.pallas_call(
        _k4_body,
        grid=grid_b,
        in_specs=[
            pl.BlockSpec((None, _MB2, _NS0, 16), lambda b, j: (b, j, 0, 0)),
            pl.BlockSpec((None, _MB2, _NS1, 32), lambda b, j: (b, j, 0, 0)),
            pl.BlockSpec((1, 16), lambda b, j: (0, 0)),
            pl.BlockSpec((1, 16), lambda b, j: (0, 0)),
            pl.BlockSpec((1, 32), lambda b, j: (0, 0)),
            pl.BlockSpec((1, 32), lambda b, j: (0, 0)),
            pl.BlockSpec((16, 32), lambda b, j: (0, 0)),
            pl.BlockSpec((32, 64), lambda b, j: (0, 0)),
        ],
        out_specs=[
            pl.BlockSpec((None, _MB2, 32), lambda b, j: (b, j, 0)),
            pl.BlockSpec((None, _MB2, 32), lambda b, j: (b, j, 0)),
            pl.BlockSpec((None, _MB2, 64), lambda b, j: (b, j, 0)),
            pl.BlockSpec((None, _MB2, 64), lambda b, j: (b, j, 0)),
            pl.BlockSpec((2, 32), lambda b, j: (0, 0)),
            pl.BlockSpec((2, 64), lambda b, j: (0, 0)),
        ],
        out_shape=[
            jax.ShapeDtypeStruct((_B, _M, 32), f32),
            jax.ShapeDtypeStruct((_B, _M, 32), f32),
            jax.ShapeDtypeStruct((_B, _M, 64), f32),
            jax.ShapeDtypeStruct((_B, _M, 64), f32),
            jax.ShapeDtypeStruct((2, 32), f32),
            jax.ShapeDtypeStruct((2, 64), f32),
        ],
    )(y0, y1, a0, c0, a1, c1, w0_1.T, w1_1.T)

    a20, c20 = _finalize(st20, cnt0, g0_1, b0_1)
    a21, c21 = _finalize(st21, cnt1, g1_1, b1_1)

    new_features = pl.pallas_call(
        _k5_body,
        grid=(_B,),
        in_specs=[
            pl.BlockSpec((None, _M, 32), lambda b: (b, 0, 0)),
            pl.BlockSpec((None, _M, 32), lambda b: (b, 0, 0)),
            pl.BlockSpec((None, _M, 64), lambda b: (b, 0, 0)),
            pl.BlockSpec((None, _M, 64), lambda b: (b, 0, 0)),
            pl.BlockSpec((1, 32), lambda b: (0, 0)),
            pl.BlockSpec((1, 32), lambda b: (0, 0)),
            pl.BlockSpec((1, 64), lambda b: (0, 0)),
            pl.BlockSpec((1, 64), lambda b: (0, 0)),
        ],
        out_specs=pl.BlockSpec((None, 96, _M), lambda b: (b, 0, 0)),
        out_shape=jax.ShapeDtypeStruct((_B, 96, _M), f32),
    )(mx0, mn0, mx1, mn1, a20, c20, a21, c21)

    return (nx, new_features, indices)

# --- scband reference (transcript-rebuilt; emitter-appended) ---
"""Pipeline reference for scband-point-samodule-msg-4209067950247 (READ-ONLY COPY).

The authoritative reference and input builder live on the scoring server;
editing this copy changes nothing except your own understanding.
"""

import jax, jax.numpy as jnp
import numpy as np

B, N, CIN = 8, 4096, 16
M = 1024
RADII = (0.2, 0.4)
NSAMPLES = (16, 32)
EPS = 1e-5


def setup_inputs(seed: int = 0) -> dict:
    key = jax.random.key(seed)
    ks = jax.random.split(key, 16)
    points_xyz = jax.random.uniform(ks[0], (B, N, 3), dtype=jnp.float32)
    features = jax.random.normal(ks[1], (B, CIN, N), dtype=jnp.float32)
    indices = jax.random.randint(ks[2], (B, M), 0, N)
    inp = {"points_xyz": points_xyz, "features": features, "indices": indices}
    # mlp_channels with use_xyz: in-channels get +3 -> scale0: 19->16->32, scale1: 19->32->64
    specs = [((16, 19), (32, 16)), ((32, 19), (64, 32))]
    ki = 3
    for s, layers in enumerate(specs):
        for l, (o, i) in enumerate(layers):
            inp[f"w{s}_{l}"] = jax.random.normal(ks[ki], (o, i), dtype=jnp.float32) * (1.0 / np.sqrt(i))
            ki += 1
            inp[f"g{s}_{l}"] = jnp.ones((o,), dtype=jnp.float32)
            inp[f"b{s}_{l}"] = jnp.zeros((o,), dtype=jnp.float32)
    return inp


def _ball_query(xyz, new_xyz, radius, nsample):
    n = xyz.shape[1]
    d2 = (jnp.sum(new_xyz ** 2, -1)[:, :, None]
          + jnp.sum(xyz ** 2, -1)[:, None, :]
          - 2.0 * jnp.einsum('bmd,bnd->bmn', new_xyz, xyz))
    valid = d2 < radius * radius
    cand = jnp.where(valid, jnp.arange(n)[None, None, :], n)
    cand = jnp.sort(cand, axis=-1)[:, :, :nsample]
    first = cand[:, :, :1]
    idx = jnp.where(cand == n, first, cand)
    idx = jnp.where(idx == n, 0, idx)
    return jax.lax.stop_gradient(idx)


def _scale(points_xyz, new_xyz, features, radius, nsample, params):
    bidx = jnp.arange(points_xyz.shape[0])[:, None, None]
    idx = _ball_query(points_xyz, new_xyz, radius, nsample)
    grouped_xyz = points_xyz[bidx, idx] - new_xyz[:, :, None, :]  # (B,M,ns,3)
    feat_t = jnp.transpose(features, (0, 2, 1))  # (B,N,C)
    grouped_feat = feat_t[bidx, idx]  # (B,M,ns,C)
    x = jnp.concatenate([grouped_xyz, grouped_feat], axis=-1)  # (B,M,ns,3+C)
    for (w, g, b) in params:
        x = jnp.einsum('bmsc,oc->bmso', x, w)  # 1x1 Conv2d, no bias (BN follows)
        mean = jnp.mean(x, axis=(0, 1, 2))
        var = jnp.var(x, axis=(0, 1, 2))  # biased, as torch BN training mode
        x = (x - mean) / jnp.sqrt(var + EPS) * g + b
        x = jnp.maximum(x, 0.0)
    x = jnp.max(x, axis=2)  # max_pool over samples -> (B,M,Cout)
    return jnp.transpose(x, (0, 2, 1))  # (B,Cout,M)


def reference(points_xyz, features, indices,
              w0_0, g0_0, b0_0, w0_1, g0_1, b0_1,
              w1_0, g1_0, b1_0, w1_1, g1_1, b1_1):
    bidx = jnp.arange(points_xyz.shape[0])[:, None]
    new_xyz = points_xyz[bidx, indices]  # gather_points -> (B,M,3)
    f0 = _scale(points_xyz, new_xyz, features, RADII[0], NSAMPLES[0],
                [(w0_0, g0_0, b0_0), (w0_1, g0_1, b0_1)])
    f1 = _scale(points_xyz, new_xyz, features, RADII[1], NSAMPLES[1],
                [(w1_0, g1_0, b1_0), (w1_1, g1_1, b1_1)])
    new_features = jnp.concatenate([f0, f1], axis=1)  # (B, 32+64, M)
    return (new_xyz, new_features, indices)

if __name__ == "__main__":
    import jax
    _d = setup_inputs()
    print(jax.jit(kernel)(*tuple(_d.values())))

</pallas_src>

<mosaic_0001>
#map = affine_map<(d0, d1) -> (0, 0)>
module attributes {stable_mosaic.version = 14 : i64} {
  func.func @_sc_body(%arg0: i32, %arg1: i32, %arg2: memref<8192x1024xi32, #tpu.memory_space<hbm>>, %arg3: memref<32x256xi32, #tpu.memory_space<hbm>>, %arg4: memref<32768x16xf32, #tpu.memory_space<hbm>>, %arg5: memref<32768x32xf32, #tpu.memory_space<hbm>>, %arg6: memref<131072x16xf32, #tpu.memory_space<hbm>>, %arg7: memref<262144x32xf32, #tpu.memory_space<hbm>>, %arg8: memref<16x1024xi32, #tpu.memory_space<vmem>>, %arg9: memref<16xi32, #tpu.memory_space<vmem>>, %arg10: memref<256xi32, #tpu.memory_space<vmem>>, %arg11: memref<512xi32, #tpu.memory_space<vmem>>, %arg12: memref<128x16xf32, #tpu.memory_space<vmem>>, %arg13: memref<128x32xf32, #tpu.memory_space<vmem>>, %arg14: memref<!tpu.dma_semaphore, #tpu.memory_space<semaphore_mem>>) attributes {dimension_semantics = [#tpu.dimension_semantics<core_parallel>, #tpu.dimension_semantics<subcore_parallel>], iteration_bounds = array<i64: 2, 16>, scalar_prefetch = 0 : i64, scratch_operands = 7 : i64, tpu.core_type = #tpu.core_type<sc_vector_subcore>, window_params = [{transform_indices = #map}, {transform_indices = #map}, {transform_indices = #map}, {transform_indices = #map}, {transform_indices = #map}, {transform_indices = #map}]} {
    %mul3A = arith.constant 2 : i32
    %mul3A_0 = arith.muli %arg1, %mul3A : i32
    %add3A = arith.addi %mul3A_0, %arg0 : i32
    %mul3A_1 = arith.constant 256 : i32
    %mul3A_2 = arith.muli %add3A, %mul3A_1 : i32
    %iota3A = tpu.iota {dimensions = array<i32: 0>} : vector<16xi32>
    %scan3A = arith.constant 0 : i32
    %scan3A_3 = arith.constant 0 : i32
    %scan3A_4 = arith.constant 16 : i32
    %scan3A_5 = arith.addi %scan3A_3, %scan3A_4 : i32
    %scan3A_6 = arith.constant 1 : i32
    scf.for %scan3A_8 = %scan3A_3 to %scan3A_5 step %scan3A_6  : i32 {
      %mul3A_9 = arith.constant 16 : i32
      %mul3A_10 = arith.muli %scan3A_8, %mul3A_9 : i32
      %add3A_11 = arith.addi %mul3A_2, %mul3A_10 : i32
      "tpu.region"() ({
        %run_scoped3A = tpu.sem_alloc : memref<!tpu.dma_semaphore, #tpu.memory_space<semaphore_mem>>
        %dma_start3A_114 = arith.constant 0 : i32
        %dma_start3A_115 = tpu.memref_slice %arg2[%add3A_11, %dma_start3A_114] : memref<8192x1024xi32, #tpu.memory_space<hbm>> -> memref<16x1024xi32, #tpu.memory_space<hbm>>
        %dma_start3A_116 = arith.constant 0 : i32
        %dma_start3A_117 = tpu.memref_slice %arg2[%add3A_11, %dma_start3A_116] : memref<8192x1024xi32, #tpu.memory_space<hbm>> -> memref<16x1024xi32, #tpu.memory_space<hbm>>
        tpu.enqueue_dma source(%dma_start3A_117 : memref<16x1024xi32, #tpu.memory_space<hbm>>) target(%arg8 : memref<16x1024xi32, #tpu.memory_space<vmem>>) target_semaphore(%run_scoped3A : memref<!tpu.dma_semaphore, #tpu.memory_space<semaphore_mem>>)
        %dma_wait3A_118 = arith.constant 0 : i32
        %dma_wait3A_119 = tpu.memref_slice %arg2[%add3A_11, %dma_wait3A_118] : memref<8192x1024xi32, #tpu.memory_space<hbm>> -> memref<16x1024xi32, #tpu.memory_space<hbm>>
        %dma_wait3A_120 = arith.constant 0 : i32
        %dma_wait3A_121 = tpu.memref_slice %arg2[%add3A_11, %dma_wait3A_120] : memref<8192x1024xi32, #tpu.memory_space<hbm>> -> memref<16x1024xi32, #tpu.memory_space<hbm>>
        tpu.wait_dma2 semaphore(%run_scoped3A : memref<!tpu.dma_semaphore, #tpu.memory_space<semaphore_mem>>) src(%dma_wait3A_121 : memref<16x1024xi32, #tpu.memory_space<hbm>>) dst(%arg8 : memref<16x1024xi32, #tpu.memory_space<vmem>>)
        tpu.yield
      }) : () -> ()
      %mul3A_12 = arith.constant 16 : i32
      %mul3A_13 = arith.muli %scan3A_8, %mul3A_12 : i32
      "tpu.region"() ({
        %run_scoped3A = tpu.sem_alloc : memref<!tpu.dma_semaphore, #tpu.memory_space<semaphore_mem>>
        %dma_start3A_114 = tpu.memref_slice %arg3[%add3A, %mul3A_13] : memref<32x256xi32, #tpu.memory_space<hbm>> -> memref<1x16xi32, #tpu.memory_space<hbm>>
        %dma_start3A_115 = tpu.memref_squeeze %dma_start3A_114 : memref<1x16xi32, #tpu.memory_space<hbm>> -> memref<16xi32, #tpu.memory_space<hbm>>
        %dma_start3A_116 = tpu.memref_slice %arg3[%add3A, %mul3A_13] : memref<32x256xi32, #tpu.memory_space<hbm>> -> memref<1x16xi32, #tpu.memory_space<hbm>>
        %dma_start3A_117 = tpu.memref_squeeze %dma_start3A_116 : memref<1x16xi32, #tpu.memory_space<hbm>> -> memref<16xi32, #tpu.memory_space<hbm>>
        tpu.enqueue_dma source(%dma_start3A_117 : memref<16xi32, #tpu.memory_space<hbm>>) target(%arg9 : memref<16xi32, #tpu.memory_space<vmem>>) target_semaphore(%run_scoped3A : memref<!tpu.dma_semaphore, #tpu.memory_space<semaphore_mem>>)
        %dma_wait3A_118 = tpu.memref_slice %arg3[%add3A, %mul3A_13] : memref<32x256xi32, #tpu.memory_space<hbm>> -> memref<1x16xi32, #tpu.memory_space<hbm>>
        %dma_wait3A_119 = tpu.memref_squeeze %dma_wait3A_118 : memref<1x16xi32, #tpu.memory_space<hbm>> -> memref<16xi32, #tpu.memory_space<hbm>>
        %dma_wait3A_120 = tpu.memref_slice %arg3[%add3A, %mul3A_13] : memref<32x256xi32, #tpu.memory_space<hbm>> -> memref<1x16xi32, #tpu.memory_space<hbm>>
        %dma_wait3A_121 = tpu.memref_squeeze %dma_wait3A_120 : memref<1x16xi32, #tpu.memory_space<hbm>> -> memref<16xi32, #tpu.memory_space<hbm>>
        tpu.wait_dma2 semaphore(%run_scoped3A : memref<!tpu.dma_semaphore, #tpu.memory_space<semaphore_mem>>) src(%dma_wait3A_121 : memref<16xi32, #tpu.memory_space<hbm>>) dst(%arg9 : memref<16xi32, #tpu.memory_space<vmem>>)
        tpu.yield
      }) : () -> ()
      %scan3A_14 = arith.constant 0 : i32
      %scan3A_15 = arith.constant 0 : i32
      %scan3A_16 = arith.constant 32 : i32
      %scan3A_17 = arith.addi %scan3A_15, %scan3A_16 : i32
      %scan3A_18 = arith.constant 1 : i32
      scf.for %scan3A_114 = %scan3A_15 to %scan3A_17 step %scan3A_18  : i32 {
        %broadcast_in_dim3A = arith.constant 0 : i32
        %broadcast_in_dim3A_115 = vector.broadcast %broadcast_in_dim3A : i32 to vector<16xi32>
        %mul3A_116 = arith.constant 16 : i32
        %mul3A_117 = arith.muli %scan3A_114, %mul3A_116 : i32
        %swap3A = arith.index_cast %mul3A_117 : i32 to index
        %swap3A_118 = tpu.vector_load %arg11[%swap3A] {strides = array<i32>} : memref<512xi32, #tpu.memory_space<vmem>>, vector<16xi32>,
        tpu.vector_store %arg11[%swap3A], %broadcast_in_dim3A_115 {strides = array<i32>} : memref<512xi32, #tpu.memory_space<vmem>>, vector<16xi32>,
      }
      %scan3A_19 = arith.constant 32 : i32
      %scan3A_20 = arith.constant 0 : i32
      %scan3A_21 = arith.constant 0 : i32
      %scan3A_22 = arith.constant 16 : i32
      %scan3A_23 = arith.addi %scan3A_21, %scan3A_22 : i32
      %scan3A_24 = arith.constant 1 : i32
      scf.for %scan3A_114 = %scan3A_21 to %scan3A_23 step %scan3A_24  : i32 {
        %broadcast_in_dim3A = arith.constant 0 : i32
        %broadcast_in_dim3A_115 = vector.broadcast %broadcast_in_dim3A : i32 to vector<16xi32>
        %mul3A_116 = arith.constant 16 : i32
        %mul3A_117 = arith.muli %scan3A_114, %mul3A_116 : i32
        %swap3A = arith.index_cast %mul3A_117 : i32 to index
        %swap3A_118 = tpu.vector_load %arg10[%swap3A] {strides = array<i32>} : memref<256xi32, #tpu.memory_space<vmem>>, vector<16xi32>,
        tpu.vector_store %arg10[%swap3A], %broadcast_in_dim3A_115 {strides = array<i32>} : memref<256xi32, #tpu.memory_space<vmem>>, vector<16xi32>,
      }
      %scan3A_25 = arith.constant 16 : i32
      %scan3A_26 = arith.constant 0 : i32
      %scan3A_27 = arith.constant 0 : i32
      %scan3A_28 = arith.constant 16 : i32
      %scan3A_29 = arith.addi %scan3A_27, %scan3A_28 : i32
      %scan3A_30 = arith.constant 1 : i32
      scf.for %scan3A_114 = %scan3A_27 to %scan3A_29 step %scan3A_30  : i32 {
        %add3A_115 = arith.addi %add3A_11, %scan3A_114 : i32
        %shift_right_logical3A = arith.constant 10 : i32
        %shift_right_logical3A_116 = arith.shrui %add3A_115, %shift_right_logical3A : i32
        %mul3A_117 = arith.constant 4096 : i32
        %mul3A_118 = arith.muli %shift_right_logical3A_116, %mul3A_117 : i32
        %get3A = arith.constant 0 : index
        %get3A_119 = tpu.vector_load %arg9[%get3A] {strides = array<i32>} : memref<16xi32, #tpu.memory_space<vmem>>, vector<16xi32>,
        %eq3A = vector.broadcast %scan3A_114 : i32 to vector<16xi32>
        %eq3A_120 = arith.cmpi eq, %iota3A, %eq3A : vector<16xi32>
        %jit3A = arith.constant 0 : i32
        %broadcast_in_dim3A = vector.broadcast %jit3A : i32 to vector<16xi32>
        %select_n3A = arith.select %eq3A_120, %get3A_119, %broadcast_in_dim3A : vector<16xi1>, vector<16xi32>
        %reduce_max3A = arith.constant true
        %reduce_max3A_121 = vector.broadcast %reduce_max3A : i1 to vector<16xi1>
        %reduce_max3A_122 = arith.constant -2147483648 : i32
        %reduce_max3A_123 = vector.broadcast %reduce_max3A_122 : i32 to vector<16xi32>
        %reduce_max3A_124 = arith.xori %select_n3A, %reduce_max3A_123 : vector<16xi32>
        %reduce_max3A_125 = tpu.scan <max>, %reduce_max3A_124 masked %reduce_max3A_121 : vector<16xi32>, vector<16xi1> -> vector<16xi32>
        %reduce_max3A_126 = arith.xori %reduce_max3A_125, %reduce_max3A_123 : vector<16xi32>
        %reduce_max3A_127 = vector.extract %reduce_max3A_126[15] : i32 from vector<16xi32>
        %while3A = arith.constant 0 : i32
        %while3A_128 = arith.constant 0 : i32
        %while3A_129 = arith.constant 0 : i32
        %while3A_130 = arith.subi %reduce_max3A_127, %while3A : i32
        %while3A_131 = arith.addi %while3A, %while3A_130 : i32
        %while3A_132 = arith.constant 1 : i32
        %while3A_133 = arith.divsi %while3A_130, %while3A_132 : i32
        %while3A_134 = arith.muli %while3A_133, %while3A_132 : i32
        %while3A_135 = arith.addi %while3A, %while3A_134 : i32
        %while3A_136 = arith.constant 1 : i32
        %while3A_137:2 = scf.for %while3A_215 = %while3A to %while3A_135 step %while3A_136 iter_args(%while3A_216 = %while3A_128, %while3A_217 = %while3A_129) -> (i32, i32)  : i32 {
          %mul3A_218 = arith.constant 16 : i32
          %mul3A_219 = arith.muli %while3A_215, %mul3A_218 : i32
          %get3A_220 = arith.index_cast %scan3A_114 : i32 to index
          %get3A_221 = arith.index_cast %mul3A_219 : i32 to index
          %get3A_222 = tpu.vector_load %arg8[%get3A_220, %get3A_221] {strides = array<i32>} : memref<16x1024xi32, #tpu.memory_space<vmem>>, vector<16xi32>,
          %shift_right_logical3A_223 = arith.constant 0 : i32
          %shift_right_logical3A_224 = vector.broadcast %shift_right_logical3A_223 : i32 to vector<16xi32>
          %shift_right_logical3A_225 = arith.shrui %get3A_222, %shift_right_logical3A_224 : vector<16xi32>
          %and3A = arith.constant 255 : i32
          %and3A_226 = vector.broadcast %and3A : i32 to vector<16xi32>
          %and3A_227 = arith.andi %shift_right_logical3A_225, %and3A_226 : vector<16xi32>
          %mul3A_228 = arith.constant 64 : i32
          %mul3A_229 = arith.muli %mul3A_228, %while3A_215 : i32
          %add3A_230 = arith.constant 0 : i32
          %add3A_231 = arith.addi %mul3A_229, %add3A_230 : i32
          %add3A_232 = vector.broadcast %add3A_231 : i32 to vector<16xi32>
          %add3A_233 = arith.addi %add3A_232, %iota3A : vector<16xi32>
          %ge3A = arith.constant 1 : i32
          %ge3A_234 = vector.broadcast %ge3A : i32 to vector<16xi32>
          %ge3A_235 = arith.cmpi sge, %and3A_227, %ge3A_234 : vector<16xi32>
          %jit3A_236 = arith.constant 1 : i32
          %jit3A_237 = arith.constant 0 : i32
          %broadcast_in_dim3A_238 = vector.broadcast %jit3A_236 : i32 to vector<16xi32>
          %broadcast_in_dim3A_239 = vector.broadcast %jit3A_237 : i32 to vector<16xi32>
          %select_n3A_240 = arith.select %ge3A_235, %broadcast_in_dim3A_238, %broadcast_in_dim3A_239 : vector<16xi1>, vector<16xi32>
          %broadcast_in_dim3A_241 = arith.constant true
          %broadcast_in_dim3A_242 = vector.broadcast %broadcast_in_dim3A_241 : i1 to vector<16xi1>
          %masked_cumsum3A = tpu.scan <sum>, %select_n3A_240 masked %broadcast_in_dim3A_242 : vector<16xi32>, vector<16xi1> -> vector<16xi32>
          %sub3A = arith.constant 1 : i32
          %sub3A_243 = vector.broadcast %sub3A : i32 to vector<16xi32>
          %sub3A_244 = arith.subi %masked_cumsum3A, %sub3A_243 : vector<16xi32>
          %add3A_245 = vector.broadcast %while3A_217 : i32 to vector<16xi32>
          %add3A_246 = arith.addi %sub3A_244, %add3A_245 : vector<16xi32>
          %mul3A_247 = arith.constant 32 : i32
          %mul3A_248 = arith.muli %scan3A_114, %mul3A_247 : i32
          %add3A_249 = vector.broadcast %mul3A_248 : i32 to vector<16xi32>
          %add3A_250 = arith.addi %add3A_249, %add3A_246 : vector<16xi32>
          %lt3A_251 = arith.constant 32 : i32
          %lt3A_252 = vector.broadcast %lt3A_251 : i32 to vector<16xi32>
          %lt3A_253 = arith.cmpi slt, %add3A_246, %lt3A_252 : vector<16xi32>
          %and3A_254 = arith.andi %ge3A_235, %lt3A_253 : vector<16xi1>
          tpu.vector_store_idx %arg11[%add3A_250], %add3A_233 masked %and3A_254 : memref<512xi32, #tpu.memory_space<vmem>>[vector<16xi32>], vector<16xi32>, vector<16xi1>
          %reduce_sum3A = arith.constant true
          %reduce_sum3A_255 = vector.broadcast %reduce_sum3A : i1 to vector<16xi1>
          %reduce_sum3A_256 = tpu.scan <sum>, %select_n3A_240 masked %reduce_sum3A_255 : vector<16xi32>, vector<16xi1> -> vector<16xi32>
          %reduce_sum3A_257 = vector.extract %reduce_sum3A_256[15] : i32 from vector<16xi32>
          %add3A_258 = arith.addi %while3A_217, %reduce_sum3A_257 : i32
          %ge3A_259 = arith.constant 2 : i32
          %ge3A_260 = vector.broadcast %ge3A_259 : i32 to vector<16xi32>
          %ge3A_261 = arith.cmpi sge, %and3A_227, %ge3A_260 : vector<16xi32>
          %jit3A_262 = arith.constant 1 : i32
          %jit3A_263 = arith.constant 0 : i32
          %broadcast_in_dim3A_264 = vector.broadcast %jit3A_262 : i32 to vector<16xi32>
          %broadcast_in_dim3A_265 = vector.broadcast %jit3A_263 : i32 to vector<16xi32>
          %select_n3A_266 = arith.select %ge3A_261, %broadcast_in_dim3A_264, %broadcast_in_dim3A_265 : vector<16xi1>, vector<16xi32>
          %broadcast_in_dim3A_267 = arith.constant true
          %broadcast_in_dim3A_268 = vector.broadcast %broadcast_in_dim3A_267 : i1 to vector<16xi1>
          %masked_cumsum3A_269 = tpu.scan <sum>, %select_n3A_266 masked %broadcast_in_dim3A_268 : vector<16xi32>, vector<16xi1> -> vector<16xi32>
          %sub3A_270 = arith.constant 1 : i32
          %sub3A_271 = vector.broadcast %sub3A_270 : i32 to vector<16xi32>
          %sub3A_272 = arith.subi %masked_cumsum3A_269, %sub3A_271 : vector<16xi32>
          %add3A_273 = vector.broadcast %while3A_216 : i32 to vector<16xi32>
          %add3A_274 = arith.addi %sub3A_272, %add3A_273 : vector<16xi32>
          %mul3A_275 = arith.constant 16 : i32
          %mul3A_276 = arith.muli %scan3A_114, %mul3A_275 : i32
          %add3A_277 = vector.broadcast %mul3A_276 : i32 to vector<16xi32>
          %add3A_278 = arith.addi %add3A_277, %add3A_274 : vector<16xi32>
          %lt3A_279 = arith.constant 16 : i32
          %lt3A_280 = vector.broadcast %lt3A_279 : i32 to vector<16xi32>
          %lt3A_281 = arith.cmpi slt, %add3A_274, %lt3A_280 : vector<16xi32>
          %and3A_282 = arith.andi %ge3A_261, %lt3A_281 : vector<16xi1>
          tpu.vector_store_idx %arg10[%add3A_278], %add3A_233 masked %and3A_282 : memref<256xi32, #tpu.memory_space<vmem>>[vector<16xi32>], vector<16xi32>, vector<16xi1>
          %reduce_sum3A_283 = arith.constant true
          %reduce_sum3A_284 = vector.broadcast %reduce_sum3A_283 : i1 to vector<16xi1>
          %reduce_sum3A_285 = tpu.scan <sum>, %select_n3A_266 masked %reduce_sum3A_284 : vector<16xi32>, vector<16xi1> -> vector<16xi32>
          %reduce_sum3A_286 = vector.extract %reduce_sum3A_285[15] : i32 from vector<16xi32>
          %add3A_287 = arith.addi %while3A_216, %reduce_sum3A_286 : i32
          %shift_right_logical3A_288 = arith.constant 8 : i32
          %shift_right_logical3A_289 = vector.broadcast %shift_right_logical3A_288 : i32 to vector<16xi32>
          %shift_right_logical3A_290 = arith.shrui %get3A_222, %shift_right_logical3A_289 : vector<16xi32>
          %and3A_291 = arith.constant 255 : i32
          %and3A_292 = vector.broadcast %and3A_291 : i32 to vector<16xi32>
          %and3A_293 = arith.andi %shift_right_logical3A_290, %and3A_292 : vector<16xi32>
          %mul3A_294 = arith.constant 64 : i32
          %mul3A_295 = arith.muli %mul3A_294, %while3A_215 : i32
          %add3A_296 = arith.constant 16 : i32
          %add3A_297 = arith.addi %mul3A_295, %add3A_296 : i32
          %add3A_298 = vector.broadcast %add3A_297 : i32 to vector<16xi32>
          %add3A_299 = arith.addi %add3A_298, %iota3A : vector<16xi32>
          %ge3A_300 = arith.constant 1 : i32
          %ge3A_301 = vector.broadcast %ge3A_300 : i32 to vector<16xi32>
          %ge3A_302 = arith.cmpi sge, %and3A_293, %ge3A_301 : vector<16xi32>
          %jit3A_303 = arith.constant 1 : i32
          %jit3A_304 = arith.constant 0 : i32
          %broadcast_in_dim3A_305 = vector.broadcast %jit3A_303 : i32 to vector<16xi32>
          %broadcast_in_dim3A_306 = vector.broadcast %jit3A_304 : i32 to vector<16xi32>
          %select_n3A_307 = arith.select %ge3A_302, %broadcast_in_dim3A_305, %broadcast_in_dim3A_306 : vector<16xi1>, vector<16xi32>
          %broadcast_in_dim3A_308 = arith.constant true
          %broadcast_in_dim3A_309 = vector.broadcast %broadcast_in_dim3A_308 : i1 to vector<16xi1>
          %masked_cumsum3A_310 = tpu.scan <sum>, %select_n3A_307 masked %broadcast_in_dim3A_309 : vector<16xi32>, vector<16xi1> -> vector<16xi32>
          %sub3A_311 = arith.constant 1 : i32
          %sub3A_312 = vector.broadcast %sub3A_311 : i32 to vector<16xi32>
          %sub3A_313 = arith.subi %masked_cumsum3A_310, %sub3A_312 : vector<16xi32>
          %add3A_314 = vector.broadcast %add3A_258 : i32 to vector<16xi32>
          %add3A_315 = arith.addi %sub3A_313, %add3A_314 : vector<16xi32>
          %mul3A_316 = arith.constant 32 : i32
          %mul3A_317 = arith.muli %scan3A_114, %mul3A_316 : i32
          %add3A_318 = vector.broadcast %mul3A_317 : i32 to vector<16xi32>
          %add3A_319 = arith.addi %add3A_318, %add3A_315 : vector<16xi32>
          %lt3A_320 = arith.constant 32 : i32
          %lt3A_321 = vector.broadcast %lt3A_320 : i32 to vector<16xi32>
          %lt3A_322 = arith.cmpi slt, %add3A_315, %lt3A_321 : vector<16xi32>
          %and3A_323 = arith.andi %ge3A_302, %lt3A_322 : vector<16xi1>
          tpu.vector_store_idx %arg11[%add3A_319], %add3A_299 masked %and3A_323 : memref<512xi32, #tpu.memory_space<vmem>>[vector<16xi32>], vector<16xi32>, vector<16xi1>
          %reduce_sum3A_324 = arith.constant true
          %reduce_sum3A_325 = vector.broadcast %reduce_sum3A_324 : i1 to vector<16xi1>
          %reduce_sum3A_326 = tpu.scan <sum>, %select_n3A_307 masked %reduce_sum3A_325 : vector<16xi32>, vector<16xi1> -> vector<16xi32>
          %reduce_sum3A_327 = vector.extract %reduce_sum3A_326[15] : i32 from vector<16xi32>
          %add3A_328 = arith.addi %add3A_258, %reduce_sum3A_327 : i32
          %ge3A_329 = arith.constant 2 : i32
          %ge3A_330 = vector.broadcast %ge3A_329 : i32 to vector<16xi32>
          %ge3A_331 = arith.cmpi sge, %and3A_293, %ge3A_330 : vector<16xi32>
          %jit3A_332 = arith.constant 1 : i32
          %jit3A_333 = arith.constant 0 : i32
          %broadcast_in_dim3A_334 = vector.broadcast %jit3A_332 : i32 to vector<16xi32>
          %broadcast_in_dim3A_335 = vector.broadcast %jit3A_333 : i32 to vector<16xi32>
          %select_n3A_336 = arith.select %ge3A_331, %broadcast_in_dim3A_334, %broadcast_in_dim3A_335 : vector<16xi1>, vector<16xi32>
          %broadcast_in_dim3A_337 = arith.constant true
          %broadcast_in_dim3A_338 = vector.broadcast %broadcast_in_dim3A_337 : i1 to vector<16xi1>
          %masked_cumsum3A_339 = tpu.scan <sum>, %select_n3A_336 masked %broadcast_in_dim3A_338 : vector<16xi32>, vector<16xi1> -> vector<16xi32>
          %sub3A_340 = arith.constant 1 : i32
          %sub3A_341 = vector.broadcast %sub3A_340 : i32 to vector<16xi32>
          %sub3A_342 = arith.subi %masked_cumsum3A_339, %sub3A_341 : vector<16xi32>
          %add3A_343 = vector.broadcast %add3A_287 : i32 to vector<16xi32>
          %add3A_344 = arith.addi %sub3A_342, %add3A_343 : vector<16xi32>
          %mul3A_345 = arith.constant 16 : i32
          %mul3A_346 = arith.muli %scan3A_114, %mul3A_345 : i32
          %add3A_347 = vector.broadcast %mul3A_346 : i32 to vector<16xi32>
          %add3A_348 = arith.addi %add3A_347, %add3A_344 : vector<16xi32>
          %lt3A_349 = arith.constant 16 : i32
          %lt3A_350 = vector.broadcast %lt3A_349 : i32 to vector<16xi32>
          %lt3A_351 = arith.cmpi slt, %add3A_344, %lt3A_350 : vector<16xi32>
          %and3A_352 = arith.andi %ge3A_331, %lt3A_351 : vector<16xi1>
          tpu.vector_store_idx %arg10[%add3A_348], %add3A_299 masked %and3A_352 : memref<256xi32, #tpu.memory_space<vmem>>[vector<16xi32>], vector<16xi32>, vector<16xi1>
          %reduce_sum3A_353 = arith.constant true
          %reduce_sum3A_354 = vector.broadcast %reduce_sum3A_353 : i1 to vector<16xi1>
          %reduce_sum3A_355 = tpu.scan <sum>, %select_n3A_336 masked %reduce_sum3A_354 : vector<16xi32>, vector<16xi1> -> vector<16xi32>
          %reduce_sum3A_356 = vector.extract %reduce_sum3A_355[15] : i32 from vector<16xi32>
          %add3A_357 = arith.addi %add3A_287, %reduce_sum3A_356 : i32
          %shift_right_logical3A_358 = arith.constant 16 : i32
          %shift_right_logical3A_359 = vector.broadcast %shift_right_logical3A_358 : i32 to vector<16xi32>
          %shift_right_logical3A_360 = arith.shrui %get3A_222, %shift_right_logical3A_359 : vector<16xi32>
          %and3A_361 = arith.constant 255 : i32
          %and3A_362 = vector.broadcast %and3A_361 : i32 to vector<16xi32>
          %and3A_363 = arith.andi %shift_right_logical3A_360, %and3A_362 : vector<16xi32>
          %mul3A_364 = arith.constant 64 : i32
          %mul3A_365 = arith.muli %mul3A_364, %while3A_215 : i32
          %add3A_366 = arith.constant 32 : i32
          %add3A_367 = arith.addi %mul3A_365, %add3A_366 : i32
          %add3A_368 = vector.broadcast %add3A_367 : i32 to vector<16xi32>
          %add3A_369 = arith.addi %add3A_368, %iota3A : vector<16xi32>
          %ge3A_370 = arith.constant 1 : i32
          %ge3A_371 = vector.broadcast %ge3A_370 : i32 to vector<16xi32>
          %ge3A_372 = arith.cmpi sge, %and3A_363, %ge3A_371 : vector<16xi32>
          %jit3A_373 = arith.constant 1 : i32
          %jit3A_374 = arith.constant 0 : i32
          %broadcast_in_dim3A_375 = vector.broadcast %jit3A_373 : i32 to vector<16xi32>
          %broadcast_in_dim3A_376 = vector.broadcast %jit3A_374 : i32 to vector<16xi32>
          %select_n3A_377 = arith.select %ge3A_372, %broadcast_in_dim3A_375, %broadcast_in_dim3A_376 : vector<16xi1>, vector<16xi32>
          %broadcast_in_dim3A_378 = arith.constant true
          %broadcast_in_dim3A_379 = vector.broadcast %broadcast_in_dim3A_378 : i1 to vector<16xi1>
          %masked_cumsum3A_380 = tpu.scan <sum>, %select_n3A_377 masked %broadcast_in_dim3A_379 : vector<16xi32>, vector<16xi1> -> vector<16xi32>
          %sub3A_381 = arith.constant 1 : i32
          %sub3A_382 = vector.broadcast %sub3A_381 : i32 to vector<16xi32>
          %sub3A_383 = arith.subi %masked_cumsum3A_380, %sub3A_382 : vector<16xi32>
          %add3A_384 = vector.broadcast %add3A_328 : i32 to vector<16xi32>
          %add3A_385 = arith.addi %sub3A_383, %add3A_384 : vector<16xi32>
          %mul3A_386 = arith.constant 32 : i32
          %mul3A_387 = arith.muli %scan3A_114, %mul3A_386 : i32
          %add3A_388 = vector.broadcast %mul3A_387 : i32 to vector<16xi32>
          %add3A_389 = arith.addi %add3A_388, %add3A_385 : vector<16xi32>
          %lt3A_390 = arith.constant 32 : i32
          %lt3A_391 = vector.broadcast %lt3A_390 : i32 to vector<16xi32>
          %lt3A_392 = arith.cmpi slt, %add3A_385, %lt3A_391 : vector<16xi32>
          %and3A_393 = arith.andi %ge3A_372, %lt3A_392 : vector<16xi1>
          tpu.vector_store_idx %arg11[%add3A_389], %add3A_369 masked %and3A_393 : memref<512xi32, #tpu.memory_space<vmem>>[vector<16xi32>], vector<16xi32>, vector<16xi1>
          %reduce_sum3A_394 = arith.constant true
          %reduce_sum3A_395 = vector.broadcast %reduce_sum3A_394 : i1 to vector<16xi1>
          %reduce_sum3A_396 = tpu.scan <sum>, %select_n3A_377 masked %reduce_sum3A_395 : vector<16xi32>, vector<16xi1> -> vector<16xi32>
          %reduce_sum3A_397 = vector.extract %reduce_sum3A_396[15] : i32 from vector<16xi32>
          %add3A_398 = arith.addi %add3A_328, %reduce_sum3A_397 : i32
          %ge3A_399 = arith.constant 2 : i32
          %ge3A_400 = vector.broadcast %ge3A_399 : i32 to vector<16xi32>
          %ge3A_401 = arith.cmpi sge, %and3A_363, %ge3A_400 : vector<16xi32>
          %jit3A_402 = arith.constant 1 : i32
          %jit3A_403 = arith.constant 0 : i32
          %broadcast_in_dim3A_404 = vector.broadcast %jit3A_402 : i32 to vector<16xi32>
          %broadcast_in_dim3A_405 = vector.broadcast %jit3A_403 : i32 to vector<16xi32>
          %select_n3A_406 = arith.select %ge3A_401, %broadcast_in_dim3A_404, %broadcast_in_dim3A_405 : vector<16xi1>, vector<16xi32>
          %broadcast_in_dim3A_407 = arith.constant true
          %broadcast_in_dim3A_408 = vector.broadcast %broadcast_in_dim3A_407 : i1 to vector<16xi1>
          %masked_cumsum3A_409 = tpu.scan <sum>, %select_n3A_406 masked %broadcast_in_dim3A_408 : vector<16xi32>, vector<16xi1> -> vector<16xi32>
          %sub3A_410 = arith.constant 1 : i32
          %sub3A_411 = vector.broadcast %sub3A_410 : i32 to vector<16xi32>
          %sub3A_412 = arith.subi %masked_cumsum3A_409, %sub3A_411 : vector<16xi32>
          %add3A_413 = vector.broadcast %add3A_357 : i32 to vector<16xi32>
          %add3A_414 = arith.addi %sub3A_412, %add3A_413 : vector<16xi32>
          %mul3A_415 = arith.constant 16 : i32
          %mul3A_416 = arith.muli %scan3A_114, %mul3A_415 : i32
          %add3A_417 = vector.broadcast %mul3A_416 : i32 to vector<16xi32>
          %add3A_418 = arith.addi %add3A_417, %add3A_414 : vector<16xi32>
          %lt3A_419 = arith.constant 16 : i32
          %lt3A_420 = vector.broadcast %lt3A_419 : i32 to vector<16xi32>
          %lt3A_421 = arith.cmpi slt, %add3A_414, %lt3A_420 : vector<16xi32>
          %and3A_422 = arith.andi %ge3A_401, %lt3A_421 : vector<16xi1>
          tpu.vector_store_idx %arg10[%add3A_418], %add3A_369 masked %and3A_422 : memref<256xi32, #tpu.memory_space<vmem>>[vector<16xi32>], vector<16xi32>, vector<16xi1>
          %reduce_sum3A_423 = arith.constant true
          %reduce_sum3A_424 = vector.broadcast %reduce_sum3A_423 : i1 to vector<16xi1>
          %reduce_sum3A_425 = tpu.scan <sum>, %select_n3A_406 masked %reduce_sum3A_424 : vector<16xi32>, vector<16xi1> -> vector<16xi32>
          %reduce_sum3A_426 = vector.extract %reduce_sum3A_425[15] : i32 from vector<16xi32>
          %add3A_427 = arith.addi %add3A_357, %reduce_sum3A_426 : i32
          %shift_right_logical3A_428 = arith.constant 24 : i32
          %shift_right_logical3A_429 = vector.broadcast %shift_right_logical3A_428 : i32 to vector<16xi32>
          %shift_right_logical3A_430 = arith.shrui %get3A_222, %shift_right_logical3A_429 : vector<16xi32>
          %and3A_431 = arith.constant 255 : i32
          %and3A_432 = vector.broadcast %and3A_431 : i32 to vector<16xi32>
          %and3A_433 = arith.andi %shift_right_logical3A_430, %and3A_432 : vector<16xi32>
          %mul3A_434 = arith.constant 64 : i32
          %mul3A_435 = arith.muli %mul3A_434, %while3A_215 : i32
          %add3A_436 = arith.constant 48 : i32
          %add3A_437 = arith.addi %mul3A_435, %add3A_436 : i32
          %add3A_438 = vector.broadcast %add3A_437 : i32 to vector<16xi32>
          %add3A_439 = arith.addi %add3A_438, %iota3A : vector<16xi32>
          %ge3A_440 = arith.constant 1 : i32
          %ge3A_441 = vector.broadcast %ge3A_440 : i32 to vector<16xi32>
          %ge3A_442 = arith.cmpi sge, %and3A_433, %ge3A_441 : vector<16xi32>
          %jit3A_443 = arith.constant 1 : i32
          %jit3A_444 = arith.constant 0 : i32
          %broadcast_in_dim3A_445 = vector.broadcast %jit3A_443 : i32 to vector<16xi32>
          %broadcast_in_dim3A_446 = vector.broadcast %jit3A_444 : i32 to vector<16xi32>
          %select_n3A_447 = arith.select %ge3A_442, %broadcast_in_dim3A_445, %broadcast_in_dim3A_446 : vector<16xi1>, vector<16xi32>
          %broadcast_in_dim3A_448 = arith.constant true
          %broadcast_in_dim3A_449 = vector.broadcast %broadcast_in_dim3A_448 : i1 to vector<16xi1>
          %masked_cumsum3A_450 = tpu.scan <sum>, %select_n3A_447 masked %broadcast_in_dim3A_449 : vector<16xi32>, vector<16xi1> -> vector<16xi32>
          %sub3A_451 = arith.constant 1 : i32
          %sub3A_452 = vector.broadcast %sub3A_451 : i32 to vector<16xi32>
          %sub3A_453 = arith.subi %masked_cumsum3A_450, %sub3A_452 : vector<16xi32>
          %add3A_454 = vector.broadcast %add3A_398 : i32 to vector<16xi32>
          %add3A_455 = arith.addi %sub3A_453, %add3A_454 : vector<16xi32>
          %mul3A_456 = arith.constant 32 : i32
          %mul3A_457 = arith.muli %scan3A_114, %mul3A_456 : i32
          %add3A_458 = vector.broadcast %mul3A_457 : i32 to vector<16xi32>
          %add3A_459 = arith.addi %add3A_458, %add3A_455 : vector<16xi32>
          %lt3A_460 = arith.constant 32 : i32
          %lt3A_461 = vector.broadcast %lt3A_460 : i32 to vector<16xi32>
          %lt3A_462 = arith.cmpi slt, %add3A_455, %lt3A_461 : vector<16xi32>
          %and3A_463 = arith.andi %ge3A_442, %lt3A_462 : vector<16xi1>
          tpu.vector_store_idx %arg11[%add3A_459], %add3A_439 masked %and3A_463 : memref<512xi32, #tpu.memory_space<vmem>>[vector<16xi32>], vector<16xi32>, vector<16xi1>
          %reduce_sum3A_464 = arith.constant true
          %reduce_sum3A_465 = vector.broadcast %reduce_sum3A_464 : i1 to vector<16xi1>
          %reduce_sum3A_466 = tpu.scan <sum>, %select_n3A_447 masked %reduce_sum3A_465 : vector<16xi32>, vector<16xi1> -> vector<16xi32>
          %reduce_sum3A_467 = vector.extract %reduce_sum3A_466[15] : i32 from vector<16xi32>
          %add3A_468 = arith.addi %add3A_398, %reduce_sum3A_467 : i32
          %ge3A_469 = arith.constant 2 : i32
          %ge3A_470 = vector.broadcast %ge3A_469 : i32 to vector<16xi32>
          %ge3A_471 = arith.cmpi sge, %and3A_433, %ge3A_470 : vector<16xi32>
          %jit3A_472 = arith.constant 1 : i32
          %jit3A_473 = arith.constant 0 : i32
          %broadcast_in_dim3A_474 = vector.broadcast %jit3A_472 : i32 to vector<16xi32>
          %broadcast_in_dim3A_475 = vector.broadcast %jit3A_473 : i32 to vector<16xi32>
          %select_n3A_476 = arith.select %ge3A_471, %broadcast_in_dim3A_474, %broadcast_in_dim3A_475 : vector<16xi1>, vector<16xi32>
          %broadcast_in_dim3A_477 = arith.constant true
          %broadcast_in_dim3A_478 = vector.broadcast %broadcast_in_dim3A_477 : i1 to vector<16xi1>
          %masked_cumsum3A_479 = tpu.scan <sum>, %select_n3A_476 masked %broadcast_in_dim3A_478 : vector<16xi32>, vector<16xi1> -> vector<16xi32>
          %sub3A_480 = arith.constant 1 : i32
          %sub3A_481 = vector.broadcast %sub3A_480 : i32 to vector<16xi32>
          %sub3A_482 = arith.subi %masked_cumsum3A_479, %sub3A_481 : vector<16xi32>
          %add3A_483 = vector.broadcast %add3A_427 : i32 to vector<16xi32>
          %add3A_484 = arith.addi %sub3A_482, %add3A_483 : vector<16xi32>
          %mul3A_485 = arith.constant 16 : i32
          %mul3A_486 = arith.muli %scan3A_114, %mul3A_485 : i32
          %add3A_487 = vector.broadcast %mul3A_486 : i32 to vector<16xi32>
          %add3A_488 = arith.addi %add3A_487, %add3A_484 : vector<16xi32>
          %lt3A_489 = arith.constant 16 : i32
          %lt3A_490 = vector.broadcast %lt3A_489 : i32 to vector<16xi32>
          %lt3A_491 = arith.cmpi slt, %add3A_484, %lt3A_490 : vector<16xi32>
          %and3A_492 = arith.andi %ge3A_471, %lt3A_491 : vector<16xi1>
          tpu.vector_store_idx %arg10[%add3A_488], %add3A_439 masked %and3A_492 : memref<256xi32, #tpu.memory_space<vmem>>[vector<16xi32>], vector<16xi32>, vector<16xi1>
          %reduce_sum3A_493 = arith.constant true
          %reduce_sum3A_494 = vector.broadcast %reduce_sum3A_493 : i1 to vector<16xi1>
          %reduce_sum3A_495 = tpu.scan <sum>, %select_n3A_476 masked %reduce_sum3A_494 : vector<16xi32>, vector<16xi1> -> vector<16xi32>
          %reduce_sum3A_496 = vector.extract %reduce_sum3A_495[15] : i32 from vector<16xi32>
          %add3A_497 = arith.addi %add3A_427, %reduce_sum3A_496 : i32
          scf.yield %add3A_497, %add3A_468 : i32, i32
        }
        %while3A_138 = arith.constant 1 : i32
        %while3A_139:2 = scf.for %while3A_215 = %while3A_135 to %while3A_131 step %while3A_138 iter_args(%while3A_216 = %while3A_137#0, %while3A_217 = %while3A_137#1) -> (i32, i32)  : i32 {
          %mul3A_218 = arith.constant 16 : i32
          %mul3A_219 = arith.muli %while3A_215, %mul3A_218 : i32
          %get3A_220 = arith.index_cast %scan3A_114 : i32 to index
          %get3A_221 = arith.index_cast %mul3A_219 : i32 to index
          %get3A_222 = tpu.vector_load %arg8[%get3A_220, %get3A_221] {strides = array<i32>} : memref<16x1024xi32, #tpu.memory_space<vmem>>, vector<16xi32>,
          %shift_right_logical3A_223 = arith.constant 0 : i32
          %shift_right_logical3A_224 = vector.broadcast %shift_right_logical3A_223 : i32 to vector<16xi32>
          %shift_right_logical3A_225 = arith.shrui %get3A_222, %shift_right_logical3A_224 : vector<16xi32>
          %and3A = arith.constant 255 : i32
          %and3A_226 = vector.broadcast %and3A : i32 to vector<16xi32>
          %and3A_227 = arith.andi %shift_right_logical3A_225, %and3A_226 : vector<16xi32>
          %mul3A_228 = arith.constant 64 : i32
          %mul3A_229 = arith.muli %mul3A_228, %while3A_215 : i32
          %add3A_230 = arith.constant 0 : i32
          %add3A_231 = arith.addi %mul3A_229, %add3A_230 : i32
          %add3A_232 = vector.broadcast %add3A_231 : i32 to vector<16xi32>
          %add3A_233 = arith.addi %add3A_232, %iota3A : vector<16xi32>
          %ge3A = arith.constant 1 : i32
          %ge3A_234 = vector.broadcast %ge3A : i32 to vector<16xi32>
          %ge3A_235 = arith.cmpi sge, %and3A_227, %ge3A_234 : vector<16xi32>
          %jit3A_236 = arith.constant 1 : i32
          %jit3A_237 = arith.constant 0 : i32
          %broadcast_in_dim3A_238 = vector.broadcast %jit3A_236 : i32 to vector<16xi32>
          %broadcast_in_dim3A_239 = vector.broadcast %jit3A_237 : i32 to vector<16xi32>
          %select_n3A_240 = arith.select %ge3A_235, %broadcast_in_dim3A_238, %broadcast_in_dim3A_239 : vector<16xi1>, vector<16xi32>
          %broadcast_in_dim3A_241 = arith.constant true
          %broadcast_in_dim3A_242 = vector.broadcast %broadcast_in_dim3A_241 : i1 to vector<16xi1>
          %masked_cumsum3A = tpu.scan <sum>, %select_n3A_240 masked %broadcast_in_dim3A_242 : vector<16xi32>, vector<16xi1> -> vector<16xi32>
          %sub3A = arith.constant 1 : i32
          %sub3A_243 = vector.broadcast %sub3A : i32 to vector<16xi32>
          %sub3A_244 = arith.subi %masked_cumsum3A, %sub3A_243 : vector<16xi32>
          %add3A_245 = vector.broadcast %while3A_217 : i32 to vector<16xi32>
          %add3A_246 = arith.addi %sub3A_244, %add3A_245 : vector<16xi32>
          %mul3A_247 = arith.constant 32 : i32
          %mul3A_248 = arith.muli %scan3A_114, %mul3A_247 : i32
          %add3A_249 = vector.broadcast %mul3A_248 : i32 to vector<16xi32>
          %add3A_250 = arith.addi %add3A_249, %add3A_246 : vector<16xi32>
          %lt3A_251 = arith.constant 32 : i32
          %lt3A_252 = vector.broadcast %lt3A_251 : i32 to vector<16xi32>
          %lt3A_253 = arith.cmpi slt, %add3A_246, %lt3A_252 : vector<16xi32>
          %and3A_254 = arith.andi %ge3A_235, %lt3A_253 : vector<16xi1>
          tpu.vector_store_idx %arg11[%add3A_250], %add3A_233 masked %and3A_254 : memref<512xi32, #tpu.memory_space<vmem>>[vector<16xi32>], vector<16xi32>, vector<16xi1>
          %reduce_sum3A = arith.constant true
          %reduce_sum3A_255 = vector.broadcast %reduce_sum3A : i1 to vector<16xi1>
          %reduce_sum3A_256 = tpu.scan <sum>, %select_n3A_240 masked %reduce_sum3A_255 : vector<16xi32>, vector<16xi1> -> vector<16xi32>
          %reduce_sum3A_257 = vector.extract %reduce_sum3A_256[15] : i32 from vector<16xi32>
          %add3A_258 = arith.addi %while3A_217, %reduce_sum3A_257 : i32
          %ge3A_259 = arith.constant 2 : i32
          %ge3A_260 = vector.broadcast %ge3A_259 : i32 to vector<16xi32>
          %ge3A_261 = arith.cmpi sge, %and3A_227, %ge3A_260 : vector<16xi32>
          %jit3A_262 = arith.constant 1 : i32
          %jit3A_263 = arith.constant 0 : i32
          %broadcast_in_dim3A_264 = vector.broadcast %jit3A_262 : i32 to vector<16xi32>
          %broadcast_in_dim3A_265 = vector.broadcast %jit3A_263 : i32 to vector<16xi32>
          %select_n3A_266 = arith.select %ge3A_261, %broadcast_in_dim3A_264, %broadcast_in_dim3A_265 : vector<16xi1>, vector<16xi32>
          %broadcast_in_dim3A_267 = arith.constant true
          %broadcast_in_dim3A_268 = vector.broadcast %broadcast_in_dim3A_267 : i1 to vector<16xi1>
          %masked_cumsum3A_269 = tpu.scan <sum>, %select_n3A_266 masked %broadcast_in_dim3A_268 : vector<16xi32>, vector<16xi1> -> vector<16xi32>
          %sub3A_270 = arith.constant 1 : i32
          %sub3A_271 = vector.broadcast %sub3A_270 : i32 to vector<16xi32>
          %sub3A_272 = arith.subi %masked_cumsum3A_269, %sub3A_271 : vector<16xi32>
          %add3A_273 = vector.broadcast %while3A_216 : i32 to vector<16xi32>
          %add3A_274 = arith.addi %sub3A_272, %add3A_273 : vector<16xi32>
          %mul3A_275 = arith.constant 16 : i32
          %mul3A_276 = arith.muli %scan3A_114, %mul3A_275 : i32
          %add3A_277 = vector.broadcast %mul3A_276 : i32 to vector<16xi32>
          %add3A_278 = arith.addi %add3A_277, %add3A_274 : vector<16xi32>
          %lt3A_279 = arith.constant 16 : i32
          %lt3A_280 = vector.broadcast %lt3A_279 : i32 to vector<16xi32>
          %lt3A_281 = arith.cmpi slt, %add3A_274, %lt3A_280 : vector<16xi32>
          %and3A_282 = arith.andi %ge3A_261, %lt3A_281 : vector<16xi1>
          tpu.vector_store_idx %arg10[%add3A_278], %add3A_233 masked %and3A_282 : memref<256xi32, #tpu.memory_space<vmem>>[vector<16xi32>], vector<16xi32>, vector<16xi1>
          %reduce_sum3A_283 = arith.constant true
          %reduce_sum3A_284 = vector.broadcast %reduce_sum3A_283 : i1 to vector<16xi1>
          %reduce_sum3A_285 = tpu.scan <sum>, %select_n3A_266 masked %reduce_sum3A_284 : vector<16xi32>, vector<16xi1> -> vector<16xi32>
          %reduce_sum3A_286 = vector.extract %reduce_sum3A_285[15] : i32 from vector<16xi32>
          %add3A_287 = arith.addi %while3A_216, %reduce_sum3A_286 : i32
          %shift_right_logical3A_288 = arith.constant 8 : i32
          %shift_right_logical3A_289 = vector.broadcast %shift_right_logical3A_288 : i32 to vector<16xi32>
          %shift_right_logical3A_290 = arith.shrui %get3A_222, %shift_right_logical3A_289 : vector<16xi32>
          %and3A_291 = arith.constant 255 : i32
          %and3A_292 = vector.broadcast %and3A_291 : i32 to vector<16xi32>
          %and3A_293 = arith.andi %shift_right_logical3A_290, %and3A_292 : vector<16xi32>
          %mul3A_294 = arith.constant 64 : i32
          %mul3A_295 = arith.muli %mul3A_294, %while3A_215 : i32
          %add3A_296 = arith.constant 16 : i32
          %add3A_297 = arith.addi %mul3A_295, %add3A_296 : i32
          %add3A_298 = vector.broadcast %add3A_297 : i32 to vector<16xi32>
          %add3A_299 = arith.addi %add3A_298, %iota3A : vector<16xi32>
          %ge3A_300 = arith.constant 1 : i32
          %ge3A_301 = vector.broadcast %ge3A_300 : i32 to vector<16xi32>
          %ge3A_302 = arith.cmpi sge, %and3A_293, %ge3A_301 : vector<16xi32>
          %jit3A_303 = arith.constant 1 : i32
          %jit3A_304 = arith.constant 0 : i32
          %broadcast_in_dim3A_305 = vector.broadcast %jit3A_303 : i32 to vector<16xi32>
          %broadcast_in_dim3A_306 = vector.broadcast %jit3A_304 : i32 to vector<16xi32>
          %select_n3A_307 = arith.select %ge3A_302, %broadcast_in_dim3A_305, %broadcast_in_dim3A_306 : vector<16xi1>, vector<16xi32>
          %broadcast_in_dim3A_308 = arith.constant true
          %broadcast_in_dim3A_309 = vector.broadcast %broadcast_in_dim3A_308 : i1 to vector<16xi1>
          %masked_cumsum3A_310 = tpu.scan <sum>, %select_n3A_307 masked %broadcast_in_dim3A_309 : vector<16xi32>, vector<16xi1> -> vector<16xi32>
          %sub3A_311 = arith.constant 1 : i32
          %sub3A_312 = vector.broadcast %sub3A_311 : i32 to vector<16xi32>
          %sub3A_313 = arith.subi %masked_cumsum3A_310, %sub3A_312 : vector<16xi32>
          %add3A_314 = vector.broadcast %add3A_258 : i32 to vector<16xi32>
          %add3A_315 = arith.addi %sub3A_313, %add3A_314 : vector<16xi32>
          %mul3A_316 = arith.constant 32 : i32
          %mul3A_317 = arith.muli %scan3A_114, %mul3A_316 : i32
          %add3A_318 = vector.broadcast %mul3A_317 : i32 to vector<16xi32>
          %add3A_319 = arith.addi %add3A_318, %add3A_315 : vector<16xi32>
          %lt3A_320 = arith.constant 32 : i32
          %lt3A_321 = vector.broadcast %lt3A_320 : i32 to vector<16xi32>
          %lt3A_322 = arith.cmpi slt, %add3A_315, %lt3A_321 : vector<16xi32>
          %and3A_323 = arith.andi %ge3A_302, %lt3A_322 : vector<16xi1>
          tpu.vector_store_idx %arg11[%add3A_319], %add3A_299 masked %and3A_323 : memref<512xi32, #tpu.memory_space<vmem>>[vector<16xi32>], vector<16xi32>, vector<16xi1>
          %reduce_sum3A_324 = arith.constant true
          %reduce_sum3A_325 = vector.broadcast %reduce_sum3A_324 : i1 to vector<16xi1>
          %reduce_sum3A_326 = tpu.scan <sum>, %select_n3A_307 masked %reduce_sum3A_325 : vector<16xi32>, vector<16xi1> -> vector<16xi32>
          %reduce_sum3A_327 = vector.extract %reduce_sum3A_326[15] : i32 from vector<16xi32>
          %add3A_328 = arith.addi %add3A_258, %reduce_sum3A_327 : i32
          %ge3A_329 = arith.constant 2 : i32
          %ge3A_330 = vector.broadcast %ge3A_329 : i32 to vector<16xi32>
          %ge3A_331 = arith.cmpi sge, %and3A_293, %ge3A_330 : vector<16xi32>
          %jit3A_332 = arith.constant 1 : i32
          %jit3A_333 = arith.constant 0 : i32
          %broadcast_in_dim3A_334 = vector.broadcast %jit3A_332 : i32 to vector<16xi32>
          %broadcast_in_dim3A_335 = vector.broadcast %jit3A_333 : i32 to vector<16xi32>
          %select_n3A_336 = arith.select %ge3A_331, %broadcast_in_dim3A_334, %broadcast_in_dim3A_335 : vector<16xi1>, vector<16xi32>
          %broadcast_in_dim3A_337 = arith.constant true
          %broadcast_in_dim3A_338 = vector.broadcast %broadcast_in_dim3A_337 : i1 to vector<16xi1>
          %masked_cumsum3A_339 = tpu.scan <sum>, %select_n3A_336 masked %broadcast_in_dim3A_338 : vector<16xi32>, vector<16xi1> -> vector<16xi32>
          %sub3A_340 = arith.constant 1 : i32
          %sub3A_341 = vector.broadcast %sub3A_340 : i32 to vector<16xi32>
          %sub3A_342 = arith.subi %masked_cumsum3A_339, %sub3A_341 : vector<16xi32>
          %add3A_343 = vector.broadcast %add3A_287 : i32 to vector<16xi32>
          %add3A_344 = arith.addi %sub3A_342, %add3A_343 : vector<16xi32>
          %mul3A_345 = arith.constant 16 : i32
          %mul3A_346 = arith.muli %scan3A_114, %mul3A_345 : i32
          %add3A_347 = vector.broadcast %mul3A_346 : i32 to vector<16xi32>
          %add3A_348 = arith.addi %add3A_347, %add3A_344 : vector<16xi32>
          %lt3A_349 = arith.constant 16 : i32
          %lt3A_350 = vector.broadcast %lt3A_349 : i32 to vector<16xi32>
          %lt3A_351 = arith.cmpi slt, %add3A_344, %lt3A_350 : vector<16xi32>
          %and3A_352 = arith.andi %ge3A_331, %lt3A_351 : vector<16xi1>
          tpu.vector_store_idx %arg10[%add3A_348], %add3A_299 masked %and3A_352 : memref<256xi32, #tpu.memory_space<vmem>>[vector<16xi32>], vector<16xi32>, vector<16xi1>
          %reduce_sum3A_353 = arith.constant true
          %reduce_sum3A_354 = vector.broadcast %reduce_sum3A_353 : i1 to vector<16xi1>
          %reduce_sum3A_355 = tpu.scan <sum>, %select_n3A_336 masked %reduce_sum3A_354 : vector<16xi32>, vector<16xi1> -> vector<16xi32>
          %reduce_sum3A_356 = vector.extract %reduce_sum3A_355[15] : i32 from vector<16xi32>
          %add3A_357 = arith.addi %add3A_287, %reduce_sum3A_356 : i32
          %shift_right_logical3A_358 = arith.constant 16 : i32
          %shift_right_logical3A_359 = vector.broadcast %shift_right_logical3A_358 : i32 to vector<16xi32>
          %shift_right_logical3A_360 = arith.shrui %get3A_222, %shift_right_logical3A_359 : vector<16xi32>
          %and3A_361 = arith.constant 255 : i32
          %and3A_362 = vector.broadcast %and3A_361 : i32 to vector<16xi32>
          %and3A_363 = arith.andi %shift_right_logical3A_360, %and3A_362 : vector<16xi32>
          %mul3A_364 = arith.constant 64 : i32
          %mul3A_365 = arith.muli %mul3A_364, %while3A_215 : i32
          %add3A_366 = arith.constant 32 : i32
          %add3A_367 = arith.addi %mul3A_365, %add3A_366 : i32
          %add3A_368 = vector.broadcast %add3A_367 : i32 to vector<16xi32>
          %add3A_369 = arith.addi %add3A_368, %iota3A : vector<16xi32>
          %ge3A_370 = arith.constant 1 : i32
          %ge3A_371 = vector.broadcast %ge3A_370 : i32 to vector<16xi32>
          %ge3A_372 = arith.cmpi sge, %and3A_363, %ge3A_371 : vector<16xi32>
          %jit3A_373 = arith.constant 1 : i32
          %jit3A_374 = arith.constant 0 : i32
          %broadcast_in_dim3A_375 = vector.broadcast %jit3A_373 : i32 to vector<16xi32>
          %broadcast_in_dim3A_376 = vector.broadcast %jit3A_374 : i32 to vector<16xi32>
          %select_n3A_377 = arith.select %ge3A_372, %broadcast_in_dim3A_375, %broadcast_in_dim3A_376 : vector<16xi1>, vector<16xi32>
          %broadcast_in_dim3A_378 = arith.constant true
          %broadcast_in_dim3A_379 = vector.broadcast %broadcast_in_dim3A_378 : i1 to vector<16xi1>
          %masked_cumsum3A_380 = tpu.scan <sum>, %select_n3A_377 masked %broadcast_in_dim3A_379 : vector<16xi32>, vector<16xi1> -> vector<16xi32>
          %sub3A_381 = arith.constant 1 : i32
          %sub3A_382 = vector.broadcast %sub3A_381 : i32 to vector<16xi32>
          %sub3A_383 = arith.subi %masked_cumsum3A_380, %sub3A_382 : vector<16xi32>
          %add3A_384 = vector.broadcast %add3A_328 : i32 to vector<16xi32>
          %add3A_385 = arith.addi %sub3A_383, %add3A_384 : vector<16xi32>
          %mul3A_386 = arith.constant 32 : i32
          %mul3A_387 = arith.muli %scan3A_114, %mul3A_386 : i32
          %add3A_388 = vector.broadcast %mul3A_387 : i32 to vector<16xi32>
          %add3A_389 = arith.addi %add3A_388, %add3A_385 : vector<16xi32>
          %lt3A_390 = arith.constant 32 : i32
          %lt3A_391 = vector.broadcast %lt3A_390 : i32 to vector<16xi32>
          %lt3A_392 = arith.cmpi slt, %add3A_385, %lt3A_391 : vector<16xi32>
          %and3A_393 = arith.andi %ge3A_372, %lt3A_392 : vector<16xi1>
          tpu.vector_store_idx %arg11[%add3A_389], %add3A_369 masked %and3A_393 : memref<512xi32, #tpu.memory_space<vmem>>[vector<16xi32>], vector<16xi32>, vector<16xi1>
          %reduce_sum3A_394 = arith.constant true
          %reduce_sum3A_395 = vector.broadcast %reduce_sum3A_394 : i1 to vector<16xi1>
          %reduce_sum3A_396 = tpu.scan <sum>, %select_n3A_377 masked %reduce_sum3A_395 : vector<16xi32>, vector<16xi1> -> vector<16xi32>
          %reduce_sum3A_397 = vector.extract %reduce_sum3A_396[15] : i32 from vector<16xi32>
          %add3A_398 = arith.addi %add3A_328, %reduce_sum3A_397 : i32
          %ge3A_399 = arith.constant 2 : i32
          %ge3A_400 = vector.broadcast %ge3A_399 : i32 to vector<16xi32>
          %ge3A_401 = arith.cmpi sge, %and3A_363, %ge3A_400 : vector<16xi32>
          %jit3A_402 = arith.constant 1 : i32
          %jit3A_403 = arith.constant 0 : i32
          %broadcast_in_dim3A_404 = vector.broadcast %jit3A_402 : i32 to vector<16xi32>
          %broadcast_in_dim3A_405 = vector.broadcast %jit3A_403 : i32 to vector<16xi32>
          %select_n3A_406 = arith.select %ge3A_401, %broadcast_in_dim3A_404, %broadcast_in_dim3A_405 : vector<16xi1>, vector<16xi32>
          %broadcast_in_dim3A_407 = arith.constant true
          %broadcast_in_dim3A_408 = vector.broadcast %broadcast_in_dim3A_407 : i1 to vector<16xi1>
          %masked_cumsum3A_409 = tpu.scan <sum>, %select_n3A_406 masked %broadcast_in_dim3A_408 : vector<16xi32>, vector<16xi1> -> vector<16xi32>
          %sub3A_410 = arith.constant 1 : i32
          %sub3A_411 = vector.broadcast %sub3A_410 : i32 to vector<16xi32>
          %sub3A_412 = arith.subi %masked_cumsum3A_409, %sub3A_411 : vector<16xi32>
          %add3A_413 = vector.broadcast %add3A_357 : i32 to vector<16xi32>
          %add3A_414 = arith.addi %sub3A_412, %add3A_413 : vector<16xi32>
          %mul3A_415 = arith.constant 16 : i32
          %mul3A_416 = arith.muli %scan3A_114, %mul3A_415 : i32
          %add3A_417 = vector.broadcast %mul3A_416 : i32 to vector<16xi32>
          %add3A_418 = arith.addi %add3A_417, %add3A_414 : vector<16xi32>
          %lt3A_419 = arith.constant 16 : i32
          %lt3A_420 = vector.broadcast %lt3A_419 : i32 to vector<16xi32>
          %lt3A_421 = arith.cmpi slt, %add3A_414, %lt3A_420 : vector<16xi32>
          %and3A_422 = arith.andi %ge3A_401, %lt3A_421 : vector<16xi1>
          tpu.vector_store_idx %arg10[%add3A_418], %add3A_369 masked %and3A_422 : memref<256xi32, #tpu.memory_space<vmem>>[vector<16xi32>], vector<16xi32>, vector<16xi1>
          %reduce_sum3A_423 = arith.constant true
          %reduce_sum3A_424 = vector.broadcast %reduce_sum3A_423 : i1 to vector<16xi1>
          %reduce_sum3A_425 = tpu.scan <sum>, %select_n3A_406 masked %reduce_sum3A_424 : vector<16xi32>, vector<16xi1> -> vector<16xi32>
          %reduce_sum3A_426 = vector.extract %reduce_sum3A_425[15] : i32 from vector<16xi32>
          %add3A_427 = arith.addi %add3A_357, %reduce_sum3A_426 : i32
          %shift_right_logical3A_428 = arith.constant 24 : i32
          %shift_right_logical3A_429 = vector.broadcast %shift_right_logical3A_428 : i32 to vector<16xi32>
          %shift_right_logical3A_430 = arith.shrui %get3A_222, %shift_right_logical3A_429 : vector<16xi32>
          %and3A_431 = arith.constant 255 : i32
          %and3A_432 = vector.broadcast %and3A_431 : i32 to vector<16xi32>
          %and3A_433 = arith.andi %shift_right_logical3A_430, %and3A_432 : vector<16xi32>
          %mul3A_434 = arith.constant 64 : i32
          %mul3A_435 = arith.muli %mul3A_434, %while3A_215 : i32
          %add3A_436 = arith.constant 48 : i32
          %add3A_437 = arith.addi %mul3A_435, %add3A_436 : i32
          %add3A_438 = vector.broadcast %add3A_437 : i32 to vector<16xi32>
          %add3A_439 = arith.addi %add3A_438, %iota3A : vector<16xi32>
          %ge3A_440 = arith.constant 1 : i32
          %ge3A_441 = vector.broadcast %ge3A_440 : i32 to vector<16xi32>
          %ge3A_442 = arith.cmpi sge, %and3A_433, %ge3A_441 : vector<16xi32>
          %jit3A_443 = arith.constant 1 : i32
          %jit3A_444 = arith.constant 0 : i32
          %broadcast_in_dim3A_445 = vector.broadcast %jit3A_443 : i32 to vector<16xi32>
          %broadcast_in_dim3A_446 = vector.broadcast %jit3A_444 : i32 to vector<16xi32>
          %select_n3A_447 = arith.select %ge3A_442, %broadcast_in_dim3A_445, %broadcast_in_dim3A_446 : vector<16xi1>, vector<16xi32>
          %broadcast_in_dim3A_448 = arith.constant true
          %broadcast_in_dim3A_449 = vector.broadcast %broadcast_in_dim3A_448 : i1 to vector<16xi1>
          %masked_cumsum3A_450 = tpu.scan <sum>, %select_n3A_447 masked %broadcast_in_dim3A_449 : vector<16xi32>, vector<16xi1> -> vector<16xi32>
          %sub3A_451 = arith.constant 1 : i32
          %sub3A_452 = vector.broadcast %sub3A_451 : i32 to vector<16xi32>
          %sub3A_453 = arith.subi %masked_cumsum3A_450, %sub3A_452 : vector<16xi32>
          %add3A_454 = vector.broadcast %add3A_398 : i32 to vector<16xi32>
          %add3A_455 = arith.addi %sub3A_453, %add3A_454 : vector<16xi32>
          %mul3A_456 = arith.constant 32 : i32
          %mul3A_457 = arith.muli %scan3A_114, %mul3A_456 : i32
          %add3A_458 = vector.broadcast %mul3A_457 : i32 to vector<16xi32>
          %add3A_459 = arith.addi %add3A_458, %add3A_455 : vector<16xi32>
          %lt3A_460 = arith.constant 32 : i32
          %lt3A_461 = vector.broadcast %lt3A_460 : i32 to vector<16xi32>
          %lt3A_462 = arith.cmpi slt, %add3A_455, %lt3A_461 : vector<16xi32>
          %and3A_463 = arith.andi %ge3A_442, %lt3A_462 : vector<16xi1>
          tpu.vector_store_idx %arg11[%add3A_459], %add3A_439 masked %and3A_463 : memref<512xi32, #tpu.memory_space<vmem>>[vector<16xi32>], vector<16xi32>, vector<16xi1>
          %reduce_sum3A_464 = arith.constant true
          %reduce_sum3A_465 = vector.broadcast %reduce_sum3A_464 : i1 to vector<16xi1>
          %reduce_sum3A_466 = tpu.scan <sum>, %select_n3A_447 masked %reduce_sum3A_465 : vector<16xi32>, vector<16xi1> -> vector<16xi32>
          %reduce_sum3A_467 = vector.extract %reduce_sum3A_466[15] : i32 from vector<16xi32>
          %add3A_468 = arith.addi %add3A_398, %reduce_sum3A_467 : i32
          %ge3A_469 = arith.constant 2 : i32
          %ge3A_470 = vector.broadcast %ge3A_469 : i32 to vector<16xi32>
          %ge3A_471 = arith.cmpi sge, %and3A_433, %ge3A_470 : vector<16xi32>
          %jit3A_472 = arith.constant 1 : i32
          %jit3A_473 = arith.constant 0 : i32
          %broadcast_in_dim3A_474 = vector.broadcast %jit3A_472 : i32 to vector<16xi32>
          %broadcast_in_dim3A_475 = vector.broadcast %jit3A_473 : i32 to vector<16xi32>
          %select_n3A_476 = arith.select %ge3A_471, %broadcast_in_dim3A_474, %broadcast_in_dim3A_475 : vector<16xi1>, vector<16xi32>
          %broadcast_in_dim3A_477 = arith.constant true
          %broadcast_in_dim3A_478 = vector.broadcast %broadcast_in_dim3A_477 : i1 to vector<16xi1>
          %masked_cumsum3A_479 = tpu.scan <sum>, %select_n3A_476 masked %broadcast_in_dim3A_478 : vector<16xi32>, vector<16xi1> -> vector<16xi32>
          %sub3A_480 = arith.constant 1 : i32
          %sub3A_481 = vector.broadcast %sub3A_480 : i32 to vector<16xi32>
          %sub3A_482 = arith.subi %masked_cumsum3A_479, %sub3A_481 : vector<16xi32>
          %add3A_483 = vector.broadcast %add3A_427 : i32 to vector<16xi32>
          %add3A_484 = arith.addi %sub3A_482, %add3A_483 : vector<16xi32>
          %mul3A_485 = arith.constant 16 : i32
          %mul3A_486 = arith.muli %scan3A_114, %mul3A_485 : i32
          %add3A_487 = vector.broadcast %mul3A_486 : i32 to vector<16xi32>
          %add3A_488 = arith.addi %add3A_487, %add3A_484 : vector<16xi32>
          %lt3A_489 = arith.constant 16 : i32
          %lt3A_490 = vector.broadcast %lt3A_489 : i32 to vector<16xi32>
          %lt3A_491 = arith.cmpi slt, %add3A_484, %lt3A_490 : vector<16xi32>
          %and3A_492 = arith.andi %ge3A_471, %lt3A_491 : vector<16xi1>
          tpu.vector_store_idx %arg10[%add3A_488], %add3A_439 masked %and3A_492 : memref<256xi32, #tpu.memory_space<vmem>>[vector<16xi32>], vector<16xi32>, vector<16xi1>
          %reduce_sum3A_493 = arith.constant true
          %reduce_sum3A_494 = vector.broadcast %reduce_sum3A_493 : i1 to vector<16xi1>
          %reduce_sum3A_495 = tpu.scan <sum>, %select_n3A_476 masked %reduce_sum3A_494 : vector<16xi32>, vector<16xi1> -> vector<16xi32>
          %reduce_sum3A_496 = vector.extract %reduce_sum3A_495[15] : i32 from vector<16xi32>
          %add3A_497 = arith.addi %add3A_427, %reduce_sum3A_496 : i32
          scf.yield %add3A_497, %add3A_468 : i32, i32
        }
        %mul3A_140 = arith.constant 16 : i32
        %mul3A_141 = arith.muli %scan3A_114, %mul3A_140 : i32
        %get3A_142 = arith.index_cast %mul3A_141 : i32 to index
        %get3A_143 = tpu.vector_load %arg10[%get3A_142] {strides = array<i32>} : memref<256xi32, #tpu.memory_space<vmem>>, vector<16xi32>,
        %eq3A_144 = arith.constant 0 : i32
        %eq3A_145 = vector.broadcast %eq3A_144 : i32 to vector<16xi32>
        %eq3A_146 = arith.cmpi eq, %iota3A, %eq3A_145 : vector<16xi32>
        %jit3A_147 = arith.constant 0 : i32
        %broadcast_in_dim3A_148 = vector.broadcast %jit3A_147 : i32 to vector<16xi32>
        %select_n3A_149 = arith.select %eq3A_146, %get3A_143, %broadcast_in_dim3A_148 : vector<16xi1>, vector<16xi32>
        %reduce_max3A_150 = arith.constant true
        %reduce_max3A_151 = vector.broadcast %reduce_max3A_150 : i1 to vector<16xi1>
        %reduce_max3A_152 = arith.constant -2147483648 : i32
        %reduce_max3A_153 = vector.broadcast %reduce_max3A_152 : i32 to vector<16xi32>
        %reduce_max3A_154 = arith.xori %select_n3A_149, %reduce_max3A_153 : vector<16xi32>
        %reduce_max3A_155 = tpu.scan <max>, %reduce_max3A_154 masked %reduce_max3A_151 : vector<16xi32>, vector<16xi1> -> vector<16xi32>
        %reduce_max3A_156 = arith.xori %reduce_max3A_155, %reduce_max3A_153 : vector<16xi32>
        %reduce_max3A_157 = vector.extract %reduce_max3A_156[15] : i32 from vector<16xi32>
        %lt3A = vector.broadcast %while3A_139#0 : i32 to vector<16xi32>
        %lt3A_158 = arith.cmpi slt, %iota3A, %lt3A : vector<16xi32>
        %broadcast_in_dim3A_159 = vector.broadcast %reduce_max3A_157 : i32 to vector<16xi32>
        %select_n3A_160 = arith.select %lt3A_158, %get3A_143, %broadcast_in_dim3A_159 : vector<16xi1>, vector<16xi32>
        %add3A_161 = vector.broadcast %mul3A_118 : i32 to vector<16xi32>
        %add3A_162 = arith.addi %select_n3A_160, %add3A_161 : vector<16xi32>
        %mul3A_163 = arith.constant 16 : i32
        %mul3A_164 = arith.muli %scan3A_114, %mul3A_163 : i32
        %swap3A = arith.index_cast %mul3A_164 : i32 to index
        %swap3A_165 = tpu.vector_load %arg10[%swap3A] {strides = array<i32>} : memref<256xi32, #tpu.memory_space<vmem>>, vector<16xi32>,
        tpu.vector_store %arg10[%swap3A], %add3A_162 {strides = array<i32>} : memref<256xi32, #tpu.memory_space<vmem>>, vector<16xi32>,
        %mul3A_166 = arith.constant 32 : i32
        %mul3A_167 = arith.muli %scan3A_114, %mul3A_166 : i32
        %get3A_168 = arith.index_cast %mul3A_167 : i32 to index
        %get3A_169 = tpu.vector_load %arg11[%get3A_168] {strides = array<i32>} : memref<512xi32, #tpu.memory_space<vmem>>, vector<16xi32>,
        %eq3A_170 = arith.constant 0 : i32
        %eq3A_171 = vector.broadcast %eq3A_170 : i32 to vector<16xi32>
        %eq3A_172 = arith.cmpi eq, %iota3A, %eq3A_171 : vector<16xi32>
        %jit3A_173 = arith.constant 0 : i32
        %broadcast_in_dim3A_174 = vector.broadcast %jit3A_173 : i32 to vector<16xi32>
        %select_n3A_175 = arith.select %eq3A_172, %get3A_169, %broadcast_in_dim3A_174 : vector<16xi1>, vector<16xi32>
        %reduce_max3A_176 = arith.constant true
        %reduce_max3A_177 = vector.broadcast %reduce_max3A_176 : i1 to vector<16xi1>
        %reduce_max3A_178 = arith.constant -2147483648 : i32
        %reduce_max3A_179 = vector.broadcast %reduce_max3A_178 : i32 to vector<16xi32>
        %reduce_max3A_180 = arith.xori %select_n3A_175, %reduce_max3A_179 : vector<16xi32>
        %reduce_max3A_181 = tpu.scan <max>, %reduce_max3A_180 masked %reduce_max3A_177 : vector<16xi32>, vector<16xi1> -> vector<16xi32>
        %reduce_max3A_182 = arith.xori %reduce_max3A_181, %reduce_max3A_179 : vector<16xi32>
        %reduce_max3A_183 = vector.extract %reduce_max3A_182[15] : i32 from vector<16xi32>
        %lt3A_184 = vector.broadcast %while3A_139#1 : i32 to vector<16xi32>
        %lt3A_185 = arith.cmpi slt, %iota3A, %lt3A_184 : vector<16xi32>
        %broadcast_in_dim3A_186 = vector.broadcast %reduce_max3A_183 : i32 to vector<16xi32>
        %select_n3A_187 = arith.select %lt3A_185, %get3A_169, %broadcast_in_dim3A_186 : vector<16xi1>, vector<16xi32>
        %add3A_188 = vector.broadcast %mul3A_118 : i32 to vector<16xi32>
        %add3A_189 = arith.addi %select_n3A_187, %add3A_188 : vector<16xi32>
        %mul3A_190 = arith.constant 32 : i32
        %mul3A_191 = arith.muli %scan3A_114, %mul3A_190 : i32
        %swap3A_192 = arith.index_cast %mul3A_191 : i32 to index
        %swap3A_193 = tpu.vector_load %arg11[%swap3A_192] {strides = array<i32>} : memref<512xi32, #tpu.memory_space<vmem>>, vector<16xi32>,
        tpu.vector_store %arg11[%swap3A_192], %add3A_189 {strides = array<i32>} : memref<512xi32, #tpu.memory_space<vmem>>, vector<16xi32>,
        %mul3A_194 = arith.constant 32 : i32
        %mul3A_195 = arith.muli %scan3A_114, %mul3A_194 : i32
        %add3A_196 = arith.constant 16 : i32
        %add3A_197 = arith.addi %mul3A_195, %add3A_196 : i32
        %get3A_198 = arith.index_cast %add3A_197 : i32 to index
        %get3A_199 = tpu.vector_load %arg11[%get3A_198] {strides = array<i32>} : memref<512xi32, #tpu.memory_space<vmem>>, vector<16xi32>,
        %add3A_200 = arith.constant 16 : i32
        %add3A_201 = vector.broadcast %add3A_200 : i32 to vector<16xi32>
        %add3A_202 = arith.addi %iota3A, %add3A_201 : vector<16xi32>
        %lt3A_203 = vector.broadcast %while3A_139#1 : i32 to vector<16xi32>
        %lt3A_204 = arith.cmpi slt, %add3A_202, %lt3A_203 : vector<16xi32>
        %broadcast_in_dim3A_205 = vector.broadcast %reduce_max3A_183 : i32 to vector<16xi32>
        %select_n3A_206 = arith.select %lt3A_204, %get3A_199, %broadcast_in_dim3A_205 : vector<16xi1>, vector<16xi32>
        %add3A_207 = vector.broadcast %mul3A_118 : i32 to vector<16xi32>
        %add3A_208 = arith.addi %select_n3A_206, %add3A_207 : vector<16xi32>
        %mul3A_209 = arith.constant 32 : i32
        %mul3A_210 = arith.muli %scan3A_114, %mul3A_209 : i32
        %add3A_211 = arith.constant 16 : i32
        %add3A_212 = arith.addi %mul3A_210, %add3A_211 : i32
        %swap3A_213 = arith.index_cast %add3A_212 : i32 to index
        %swap3A_214 = tpu.vector_load %arg11[%swap3A_213] {strides = array<i32>} : memref<512xi32, #tpu.memory_space<vmem>>, vector<16xi32>,
        tpu.vector_store %arg11[%swap3A_213], %add3A_208 {strides = array<i32>} : memref<512xi32, #tpu.memory_space<vmem>>, vector<16xi32>,
      }
      %scan3A_31 = arith.constant 16 : i32
      %dma_start3A = arith.constant 0 : i32
      %dma_start3A_32 = tpu.memref_slice %arg10[%dma_start3A] : memref<256xi32, #tpu.memory_space<vmem>> -> memref<128xi32, #tpu.memory_space<vmem>>
      %dma_start3A_33 = arith.constant 0 : i32
      %dma_start3A_34 = arith.constant 0 : i32
      %dma_start3A_35 = tpu.memref_slice %arg4[%dma_start3A_33, %dma_start3A_34] : memref<32768x16xf32, #tpu.memory_space<hbm>> -> memref<32768x16xf32, #tpu.memory_space<hbm>>
      tpu.enqueue_indirect_dma source(%dma_start3A_35 : memref<32768x16xf32, #tpu.memory_space<hbm>>) target(%arg12 : memref<128x16xf32, #tpu.memory_space<vmem>>) offsets(%dma_start3A_32 : memref<128xi32, #tpu.memory_space<vmem>>) semaphore(%arg14 : memref<!tpu.dma_semaphore, #tpu.memory_space<semaphore_mem>>)
      %dma_wait3A = arith.constant 0 : i32
      %dma_wait3A_36 = tpu.memref_slice %arg10[%dma_wait3A] : memref<256xi32, #tpu.memory_space<vmem>> -> memref<128xi32, #tpu.memory_space<vmem>>
      %dma_wait3A_37 = arith.constant 0 : i32
      %dma_wait3A_38 = arith.constant 0 : i32
      %dma_wait3A_39 = tpu.memref_slice %arg4[%dma_wait3A_37, %dma_wait3A_38] : memref<32768x16xf32, #tpu.memory_space<hbm>> -> memref<32768x16xf32, #tpu.memory_space<hbm>>
      tpu.wait_indirect_dma semaphore(%arg14 : memref<!tpu.dma_semaphore, #tpu.memory_space<semaphore_mem>>) src(%dma_wait3A_39 : memref<32768x16xf32, #tpu.memory_space<hbm>>) dst(%arg12 : memref<128x16xf32, #tpu.memory_space<vmem>>)
      %mul3A_40 = arith.constant 16 : i32
      %mul3A_41 = arith.muli %add3A_11, %mul3A_40 : i32
      %add3A_42 = arith.constant 0 : i32
      %add3A_43 = arith.addi %mul3A_41, %add3A_42 : i32
      "tpu.region"() ({
        %run_scoped3A = tpu.sem_alloc : memref<!tpu.dma_semaphore, #tpu.memory_space<semaphore_mem>>
        %dma_start3A_114 = arith.constant 0 : i32
        %dma_start3A_115 = tpu.memref_slice %arg6[%add3A_43, %dma_start3A_114] : memref<131072x16xf32, #tpu.memory_space<hbm>> -> memref<128x16xf32, #tpu.memory_space<hbm>>
        %dma_start3A_116 = arith.constant 0 : i32
        %dma_start3A_117 = tpu.memref_slice %arg6[%add3A_43, %dma_start3A_116] : memref<131072x16xf32, #tpu.memory_space<hbm>> -> memref<128x16xf32, #tpu.memory_space<hbm>>
        tpu.enqueue_dma source(%arg12 : memref<128x16xf32, #tpu.memory_space<vmem>>) target(%dma_start3A_117 : memref<128x16xf32, #tpu.memory_space<hbm>>) target_semaphore(%run_scoped3A : memref<!tpu.dma_semaphore, #tpu.memory_space<semaphore_mem>>)
        %dma_wait3A_118 = arith.constant 0 : i32
        %dma_wait3A_119 = tpu.memref_slice %arg6[%add3A_43, %dma_wait3A_118] : memref<131072x16xf32, #tpu.memory_space<hbm>> -> memref<128x16xf32, #tpu.memory_space<hbm>>
        %dma_wait3A_120 = arith.constant 0 : i32
        %dma_wait3A_121 = tpu.memref_slice %arg6[%add3A_43, %dma_wait3A_120] : memref<131072x16xf32, #tpu.memory_space<hbm>> -> memref<128x16xf32, #tpu.memory_space<hbm>>
        tpu.wait_dma2 semaphore(%run_scoped3A : memref<!tpu.dma_semaphore, #tpu.memory_space<semaphore_mem>>) src(%arg12 : memref<128x16xf32, #tpu.memory_space<vmem>>) dst(%dma_wait3A_121 : memref<128x16xf32, #tpu.memory_space<hbm>>)
        tpu.yield
      }) : () -> ()
      %dma_start3A_44 = arith.constant 128 : i32
      %dma_start3A_45 = tpu.memref_slice %arg10[%dma_start3A_44] : memref<256xi32, #tpu.memory_space<vmem>> -> memref<128xi32, #tpu.memory_space<vmem>>
      %dma_start3A_46 = arith.constant 0 : i32
      %dma_start3A_47 = arith.constant 0 : i32
      %dma_start3A_48 = tpu.memref_slice %arg4[%dma_start3A_46, %dma_start3A_47] : memref<32768x16xf32, #tpu.memory_space<hbm>> -> memref<32768x16xf32, #tpu.memory_space<hbm>>
      tpu.enqueue_indirect_dma source(%dma_start3A_48 : memref<32768x16xf32, #tpu.memory_space<hbm>>) target(%arg12 : memref<128x16xf32, #tpu.memory_space<vmem>>) offsets(%dma_start3A_45 : memref<128xi32, #tpu.memory_space<vmem>>) semaphore(%arg14 : memref<!tpu.dma_semaphore, #tpu.memory_space<semaphore_mem>>)
      %dma_wait3A_49 = arith.constant 128 : i32
      %dma_wait3A_50 = tpu.memref_slice %arg10[%dma_wait3A_49] : memref<256xi32, #tpu.memory_space<vmem>> -> memref<128xi32, #tpu.memory_space<vmem>>
      %dma_wait3A_51 = arith.constant 0 : i32
      %dma_wait3A_52 = arith.constant 0 : i32
      %dma_wait3A_53 = tpu.memref_slice %arg4[%dma_wait3A_51, %dma_wait3A_52] : memref<32768x16xf32, #tpu.memory_space<hbm>> -> memref<32768x16xf32, #tpu.memory_space<hbm>>
      tpu.wait_indirect_dma semaphore(%arg14 : memref<!tpu.dma_semaphore, #tpu.memory_space<semaphore_mem>>) src(%dma_wait3A_53 : memref<32768x16xf32, #tpu.memory_space<hbm>>) dst(%arg12 : memref<128x16xf32, #tpu.memory_space<vmem>>)
      %mul3A_54 = arith.constant 16 : i32
      %mul3A_55 = arith.muli %add3A_11, %mul3A_54 : i32
      %add3A_56 = arith.constant 128 : i32
      %add3A_57 = arith.addi %mul3A_55, %add3A_56 : i32
      "tpu.region"() ({
        %run_scoped3A = tpu.sem_alloc : memref<!tpu.dma_semaphore, #tpu.memory_space<semaphore_mem>>
        %dma_start3A_114 = arith.constant 0 : i32
        %dma_start3A_115 = tpu.memref_slice %arg6[%add3A_57, %dma_start3A_114] : memref<131072x16xf32, #tpu.memory_space<hbm>> -> memref<128x16xf32, #tpu.memory_space<hbm>>
        %dma_start3A_116 = arith.constant 0 : i32
        %dma_start3A_117 = tpu.memref_slice %arg6[%add3A_57, %dma_start3A_116] : memref<131072x16xf32, #tpu.memory_space<hbm>> -> memref<128x16xf32, #tpu.memory_space<hbm>>
        tpu.enqueue_dma source(%arg12 : memref<128x16xf32, #tpu.memory_space<vmem>>) target(%dma_start3A_117 : memref<128x16xf32, #tpu.memory_space<hbm>>) target_semaphore(%run_scoped3A : memref<!tpu.dma_semaphore, #tpu.memory_space<semaphore_mem>>)
        %dma_wait3A_118 = arith.constant 0 : i32
        %dma_wait3A_119 = tpu.memref_slice %arg6[%add3A_57, %dma_wait3A_118] : memref<131072x16xf32, #tpu.memory_space<hbm>> -> memref<128x16xf32, #tpu.memory_space<hbm>>
        %dma_wait3A_120 = arith.constant 0 : i32
        %dma_wait3A_121 = tpu.memref_slice %arg6[%add3A_57, %dma_wait3A_120] : memref<131072x16xf32, #tpu.memory_space<hbm>> -> memref<128x16xf32, #tpu.memory_space<hbm>>
        tpu.wait_dma2 semaphore(%run_scoped3A : memref<!tpu.dma_semaphore, #tpu.memory_space<semaphore_mem>>) src(%arg12 : memref<128x16xf32, #tpu.memory_space<vmem>>) dst(%dma_wait3A_121 : memref<128x16xf32, #tpu.memory_space<hbm>>)
        tpu.yield
      }) : () -> ()
      %dma_start3A_58 = arith.constant 0 : i32
      %dma_start3A_59 = tpu.memref_slice %arg11[%dma_start3A_58] : memref<512xi32, #tpu.memory_space<vmem>> -> memref<128xi32, #tpu.memory_space<vmem>>
      %dma_start3A_60 = arith.constant 0 : i32
      %dma_start3A_61 = arith.constant 0 : i32
      %dma_start3A_62 = tpu.memref_slice %arg5[%dma_start3A_60, %dma_start3A_61] : memref<32768x32xf32, #tpu.memory_space<hbm>> -> memref<32768x32xf32, #tpu.memory_space<hbm>>
      tpu.enqueue_indirect_dma source(%dma_start3A_62 : memref<32768x32xf32, #tpu.memory_space<hbm>>) target(%arg13 : memref<128x32xf32, #tpu.memory_space<vmem>>) offsets(%dma_start3A_59 : memref<128xi32, #tpu.memory_space<vmem>>) semaphore(%arg14 : memref<!tpu.dma_semaphore, #tpu.memory_space<semaphore_mem>>)
      %dma_wait3A_63 = arith.constant 0 : i32
      %dma_wait3A_64 = tpu.memref_slice %arg11[%dma_wait3A_63] : memref<512xi32, #tpu.memory_space<vmem>> -> memref<128xi32, #tpu.memory_space<vmem>>
      %dma_wait3A_65 = arith.constant 0 : i32
      %dma_wait3A_66 = arith.constant 0 : i32
      %dma_wait3A_67 = tpu.memref_slice %arg5[%dma_wait3A_65, %dma_wait3A_66] : memref<32768x32xf32, #tpu.memory_space<hbm>> -> memref<32768x32xf32, #tpu.memory_space<hbm>>
      tpu.wait_indirect_dma semaphore(%arg14 : memref<!tpu.dma_semaphore, #tpu.memory_space<semaphore_mem>>) src(%dma_wait3A_67 : memref<32768x32xf32, #tpu.memory_space<hbm>>) dst(%arg13 : memref<128x32xf32, #tpu.memory_space<vmem>>)
      %mul3A_68 = arith.constant 32 : i32
      %mul3A_69 = arith.muli %add3A_11, %mul3A_68 : i32
      %add3A_70 = arith.constant 0 : i32
      %add3A_71 = arith.addi %mul3A_69, %add3A_70 : i32
      "tpu.region"() ({
        %run_scoped3A = tpu.sem_alloc : memref<!tpu.dma_semaphore, #tpu.memory_space<semaphore_mem>>
        %dma_start3A_114 = arith.constant 0 : i32
        %dma_start3A_115 = tpu.memref_slice %arg7[%add3A_71, %dma_start3A_114] : memref<262144x32xf32, #tpu.memory_space<hbm>> -> memref<128x32xf32, #tpu.memory_space<hbm>>
        %dma_start3A_116 = arith.constant 0 : i32
        %dma_start3A_117 = tpu.memref_slice %arg7[%add3A_71, %dma_start3A_116] : memref<262144x32xf32, #tpu.memory_space<hbm>> -> memref<128x32xf32, #tpu.memory_space<hbm>>
        tpu.enqueue_dma source(%arg13 : memref<128x32xf32, #tpu.memory_space<vmem>>) target(%dma_start3A_117 : memref<128x32xf32, #tpu.memory_space<hbm>>) target_semaphore(%run_scoped3A : memref<!tpu.dma_semaphore, #tpu.memory_space<semaphore_mem>>)
        %dma_wait3A_118 = arith.constant 0 : i32
        %dma_wait3A_119 = tpu.memref_slice %arg7[%add3A_71, %dma_wait3A_118] : memref<262144x32xf32, #tpu.memory_space<hbm>> -> memref<128x32xf32, #tpu.memory_space<hbm>>
        %dma_wait3A_120 = arith.constant 0 : i32
        %dma_wait3A_121 = tpu.memref_slice %arg7[%add3A_71, %dma_wait3A_120] : memref<262144x32xf32, #tpu.memory_space<hbm>> -> memref<128x32xf32, #tpu.memory_space<hbm>>
        tpu.wait_dma2 semaphore(%run_scoped3A : memref<!tpu.dma_semaphore, #tpu.memory_space<semaphore_mem>>) src(%arg13 : memref<128x32xf32, #tpu.memory_space<vmem>>) dst(%dma_wait3A_121 : memref<128x32xf32, #tpu.memory_space<hbm>>)
        tpu.yield
      }) : () -> ()
      %dma_start3A_72 = arith.constant 128 : i32
      %dma_start3A_73 = tpu.memref_slice %arg11[%dma_start3A_72] : memref<512xi32, #tpu.memory_space<vmem>> -> memref<128xi32, #tpu.memory_space<vmem>>
      %dma_start3A_74 = arith.constant 0 : i32
      %dma_start3A_75 = arith.constant 0 : i32
      %dma_start3A_76 = tpu.memref_slice %arg5[%dma_start3A_74, %dma_start3A_75] : memref<32768x32xf32, #tpu.memory_space<hbm>> -> memref<32768x32xf32, #tpu.memory_space<hbm>>
      tpu.enqueue_indirect_dma source(%dma_start3A_76 : memref<32768x32xf32, #tpu.memory_space<hbm>>) target(%arg13 : memref<128x32xf32, #tpu.memory_space<vmem>>) offsets(%dma_start3A_73 : memref<128xi32, #tpu.memory_space<vmem>>) semaphore(%arg14 : memref<!tpu.dma_semaphore, #tpu.memory_space<semaphore_mem>>)
      %dma_wait3A_77 = arith.constant 128 : i32
      %dma_wait3A_78 = tpu.memref_slice %arg11[%dma_wait3A_77] : memref<512xi32, #tpu.memory_space<vmem>> -> memref<128xi32, #tpu.memory_space<vmem>>
      %dma_wait3A_79 = arith.constant 0 : i32
      %dma_wait3A_80 = arith.constant 0 : i32
      %dma_wait3A_81 = tpu.memref_slice %arg5[%dma_wait3A_79, %dma_wait3A_80] : memref<32768x32xf32, #tpu.memory_space<hbm>> -> memref<32768x32xf32, #tpu.memory_space<hbm>>
      tpu.wait_indirect_dma semaphore(%arg14 : memref<!tpu.dma_semaphore, #tpu.memory_space<semaphore_mem>>) src(%dma_wait3A_81 : memref<32768x32xf32, #tpu.memory_space<hbm>>) dst(%arg13 : memref<128x32xf32, #tpu.memory_space<vmem>>)
      %mul3A_82 = arith.constant 32 : i32
      %mul3A_83 = arith.muli %add3A_11, %mul3A_82 : i32
      %add3A_84 = arith.constant 128 : i32
      %add3A_85 = arith.addi %mul3A_83, %add3A_84 : i32
      "tpu.region"() ({
        %run_scoped3A = tpu.sem_alloc : memref<!tpu.dma_semaphore, #tpu.memory_space<semaphore_mem>>
        %dma_start3A_114 = arith.constant 0 : i32
        %dma_start3A_115 = tpu.memref_slice %arg7[%add3A_85, %dma_start3A_114] : memref<262144x32xf32, #tpu.memory_space<hbm>> -> memref<128x32xf32, #tpu.memory_space<hbm>>
        %dma_start3A_116 = arith.constant 0 : i32
        %dma_start3A_117 = tpu.memref_slice %arg7[%add3A_85, %dma_start3A_116] : memref<262144x32xf32, #tpu.memory_space<hbm>> -> memref<128x32xf32, #tpu.memory_space<hbm>>
        tpu.enqueue_dma source(%arg13 : memref<128x32xf32, #tpu.memory_space<vmem>>) target(%dma_start3A_117 : memref<128x32xf32, #tpu.memory_space<hbm>>) target_semaphore(%run_scoped3A : memref<!tpu.dma_semaphore, #tpu.memory_space<semaphore_mem>>)
        %dma_wait3A_118 = arith.constant 0 : i32
        %dma_wait3A_119 = tpu.memref_slice %arg7[%add3A_85, %dma_wait3A_118] : memref<262144x32xf32, #tpu.memory_space<hbm>> -> memref<128x32xf32, #tpu.memory_space<hbm>>
        %dma_wait3A_120 = arith.constant 0 : i32
        %dma_wait3A_121 = tpu.memref_slice %arg7[%add3A_85, %dma_wait3A_120] : memref<262144x32xf32, #tpu.memory_space<hbm>> -> memref<128x32xf32, #tpu.memory_space<hbm>>
        tpu.wait_dma2 semaphore(%run_scoped3A : memref<!tpu.dma_semaphore, #tpu.memory_space<semaphore_mem>>) src(%arg13 : memref<128x32xf32, #tpu.memory_space<vmem>>) dst(%dma_wait3A_121 : memref<128x32xf32, #tpu.memory_space<hbm>>)
        tpu.yield
      }) : () -> ()
      %dma_start3A_86 = arith.constant 256 : i32
      %dma_start3A_87 = tpu.memref_slice %arg11[%dma_start3A_86] : memref<512xi32, #tpu.memory_space<vmem>> -> memref<128xi32, #tpu.memory_space<vmem>>
      %dma_start3A_88 = arith.constant 0 : i32
      %dma_start3A_89 = arith.constant 0 : i32
      %dma_start3A_90 = tpu.memref_slice %arg5[%dma_start3A_88, %dma_start3A_89] : memref<32768x32xf32, #tpu.memory_space<hbm>> -> memref<32768x32xf32, #tpu.memory_space<hbm>>
      tpu.enqueue_indirect_dma source(%dma_start3A_90 : memref<32768x32xf32, #tpu.memory_space<hbm>>) target(%arg13 : memref<128x32xf32, #tpu.memory_space<vmem>>) offsets(%dma_start3A_87 : memref<128xi32, #tpu.memory_space<vmem>>) semaphore(%arg14 : memref<!tpu.dma_semaphore, #tpu.memory_space<semaphore_mem>>)
      %dma_wait3A_91 = arith.constant 256 : i32
      %dma_wait3A_92 = tpu.memref_slice %arg11[%dma_wait3A_91] : memref<512xi32, #tpu.memory_space<vmem>> -> memref<128xi32, #tpu.memory_space<vmem>>
      %dma_wait3A_93 = arith.constant 0 : i32
      %dma_wait3A_94 = arith.constant 0 : i32
      %dma_wait3A_95 = tpu.memref_slice %arg5[%dma_wait3A_93, %dma_wait3A_94] : memref<32768x32xf32, #tpu.memory_space<hbm>> -> memref<32768x32xf32, #tpu.memory_space<hbm>>
      tpu.wait_indirect_dma semaphore(%arg14 : memref<!tpu.dma_semaphore, #tpu.memory_space<semaphore_mem>>) src(%dma_wait3A_95 : memref<32768x32xf32, #tpu.memory_space<hbm>>) dst(%arg13 : memref<128x32xf32, #tpu.memory_space<vmem>>)
      %mul3A_96 = arith.constant 32 : i32
      %mul3A_97 = arith.muli %add3A_11, %mul3A_96 : i32
      %add3A_98 = arith.constant 256 : i32
      %add3A_99 = arith.addi %mul3A_97, %add3A_98 : i32
      "tpu.region"() ({
        %run_scoped3A = tpu.sem_alloc : memref<!tpu.dma_semaphore, #tpu.memory_space<semaphore_mem>>
        %dma_start3A_114 = arith.constant 0 : i32
        %dma_start3A_115 = tpu.memref_slice %arg7[%add3A_99, %dma_start3A_114] : memref<262144x32xf32, #tpu.memory_space<hbm>> -> memref<128x32xf32, #tpu.memory_space<hbm>>
        %dma_start3A_116 = arith.constant 0 : i32
        %dma_start3A_117 = tpu.memref_slice %arg7[%add3A_99, %dma_start3A_116] : memref<262144x32xf32, #tpu.memory_space<hbm>> -> memref<128x32xf32, #tpu.memory_space<hbm>>
        tpu.enqueue_dma source(%arg13 : memref<128x32xf32, #tpu.memory_space<vmem>>) target(%dma_start3A_117 : memref<128x32xf32, #tpu.memory_space<hbm>>) target_semaphore(%run_scoped3A : memref<!tpu.dma_semaphore, #tpu.memory_space<semaphore_mem>>)
        %dma_wait3A_118 = arith.constant 0 : i32
        %dma_wait3A_119 = tpu.memref_slice %arg7[%add3A_99, %dma_wait3A_118] : memref<262144x32xf32, #tpu.memory_space<hbm>> -> memref<128x32xf32, #tpu.memory_space<hbm>>
        %dma_wait3A_120 = arith.constant 0 : i32
        %dma_wait3A_121 = tpu.memref_slice %arg7[%add3A_99, %dma_wait3A_120] : memref<262144x32xf32, #tpu.memory_space<hbm>> -> memref<128x32xf32, #tpu.memory_space<hbm>>
        tpu.wait_dma2 semaphore(%run_scoped3A : memref<!tpu.dma_semaphore, #tpu.memory_space<semaphore_mem>>) src(%arg13 : memref<128x32xf32, #tpu.memory_space<vmem>>) dst(%dma_wait3A_121 : memref<128x32xf32, #tpu.memory_space<hbm>>)
        tpu.yield
      }) : () -> ()
      %dma_start3A_100 = arith.constant 384 : i32
      %dma_start3A_101 = tpu.memref_slice %arg11[%dma_start3A_100] : memref<512xi32, #tpu.memory_space<vmem>> -> memref<128xi32, #tpu.memory_space<vmem>>
      %dma_start3A_102 = arith.constant 0 : i32
      %dma_start3A_103 = arith.constant 0 : i32
      %dma_start3A_104 = tpu.memref_slice %arg5[%dma_start3A_102, %dma_start3A_103] : memref<32768x32xf32, #tpu.memory_space<hbm>> -> memref<32768x32xf32, #tpu.memory_space<hbm>>
      tpu.enqueue_indirect_dma source(%dma_start3A_104 : memref<32768x32xf32, #tpu.memory_space<hbm>>) target(%arg13 : memref<128x32xf32, #tpu.memory_space<vmem>>) offsets(%dma_start3A_101 : memref<128xi32, #tpu.memory_space<vmem>>) semaphore(%arg14 : memref<!tpu.dma_semaphore, #tpu.memory_space<semaphore_mem>>)
      %dma_wait3A_105 = arith.constant 384 : i32
      %dma_wait3A_106 = tpu.memref_slice %arg11[%dma_wait3A_105] : memref<512xi32, #tpu.memory_space<vmem>> -> memref<128xi32, #tpu.memory_space<vmem>>
      %dma_wait3A_107 = arith.constant 0 : i32
      %dma_wait3A_108 = arith.constant 0 : i32
      %dma_wait3A_109 = tpu.memref_slice %arg5[%dma_wait3A_107, %dma_wait3A_108] : memref<32768x32xf32, #tpu.memory_space<hbm>> -> memref<32768x32xf32, #tpu.memory_space<hbm>>
      tpu.wait_indirect_dma semaphore(%arg14 : memref<!tpu.dma_semaphore, #tpu.memory_space<semaphore_mem>>) src(%dma_wait3A_109 : memref<32768x32xf32, #tpu.memory_space<hbm>>) dst(%arg13 : memref<128x32xf32, #tpu.memory_space<vmem>>)
      %mul3A_110 = arith.constant 32 : i32
      %mul3A_111 = arith.muli %add3A_11, %mul3A_110 : i32
      %add3A_112 = arith.constant 384 : i32
      %add3A_113 = arith.addi %mul3A_111, %add3A_112 : i32
      "tpu.region"() ({
        %run_scoped3A = tpu.sem_alloc : memref<!tpu.dma_semaphore, #tpu.memory_space<semaphore_mem>>
        %dma_start3A_114 = arith.constant 0 : i32
        %dma_start3A_115 = tpu.memref_slice %arg7[%add3A_113, %dma_start3A_114] : memref<262144x32xf32, #tpu.memory_space<hbm>> -> memref<128x32xf32, #tpu.memory_space<hbm>>
        %dma_start3A_116 = arith.constant 0 : i32
        %dma_start3A_117 = tpu.memref_slice %arg7[%add3A_113, %dma_start3A_116] : memref<262144x32xf32, #tpu.memory_space<hbm>> -> memref<128x32xf32, #tpu.memory_space<hbm>>
        tpu.enqueue_dma source(%arg13 : memref<128x32xf32, #tpu.memory_space<vmem>>) target(%dma_start3A_117 : memref<128x32xf32, #tpu.memory_space<hbm>>) target_semaphore(%run_scoped3A : memref<!tpu.dma_semaphore, #tpu.memory_space<semaphore_mem>>)
        %dma_wait3A_118 = arith.constant 0 : i32
        %dma_wait3A_119 = tpu.memref_slice %arg7[%add3A_113, %dma_wait3A_118] : memref<262144x32xf32, #tpu.memory_space<hbm>> -> memref<128x32xf32, #tpu.memory_space<hbm>>
        %dma_wait3A_120 = arith.constant 0 : i32
        %dma_wait3A_121 = tpu.memref_slice %arg7[%add3A_113, %dma_wait3A_120] : memref<262144x32xf32, #tpu.memory_space<hbm>> -> memref<128x32xf32, #tpu.memory_space<hbm>>
        tpu.wait_dma2 semaphore(%run_scoped3A : memref<!tpu.dma_semaphore, #tpu.memory_space<semaphore_mem>>) src(%arg13 : memref<128x32xf32, #tpu.memory_space<vmem>>) dst(%dma_wait3A_121 : memref<128x32xf32, #tpu.memory_space<hbm>>)
        tpu.yield
      }) : () -> ()
    }
    %scan3A_7 = arith.constant 16 : i32
    return
  }
}

module attributes {stable_mosaic.version = 14 : i64} {
  func.func @_k1_body(%arg0: i32, %arg1: i32, %arg2: memref<1x512x1xi32, #tpu.memory_space<vmem>>, %arg3: memref<1x4096x3xf32, #tpu.memory_space<vmem>>, %arg4: memref<1x16x4096xf32, #tpu.memory_space<vmem>>, %arg5: memref<1x3x4096xf32, #tpu.memory_space<vmem>>, %arg6: memref<1x4096xi32, #tpu.memory_space<vmem>>, %arg7: memref<4096x64xf32, #tpu.memory_space<vmem>>, %arg8: memref<19x16xf32, #tpu.memory_space<vmem>>, %arg9: memref<19x32xf32, #tpu.memory_space<vmem>>, %arg10: memref<1x512x3xf32, #tpu.memory_space<vmem>>, %arg11: memref<1x512x4096xi8, #tpu.memory_space<vmem>>, %arg12: memref<1x512x1xi32, #tpu.memory_space<vmem>>, %arg13: memref<1x4096x16xf32, #tpu.memory_space<vmem>>, %arg14: memref<1x4096x32xf32, #tpu.memory_space<vmem>>) attributes {dimension_semantics = [#tpu.dimension_semantics<arbitrary>, #tpu.dimension_semantics<arbitrary>], iteration_bounds = array<i64: 8, 2>, scalar_prefetch = 0 : i64, scratch_operands = 0 : i64, tpu.core_type = #tpu.core_type<tc>, window_params = [{transform_indices = @transform_0, window_bounds = array<i64: 1, 512, 1>}, {transform_indices = @transform_1, window_bounds = array<i64: 1, 4096, 3>}, {transform_indices = @transform_2, window_bounds = array<i64: 1, 16, 4096>}, {transform_indices = @transform_3, window_bounds = array<i64: 1, 3, 4096>}, {pipeline_mode = #tpu.pipeline_mode<synchronous>, transform_indices = @transform_4, window_bounds = array<i64: 1, 4096>}, {pipeline_mode = #tpu.pipeline_mode<synchronous>, transform_indices = @transform_5, window_bounds = array<i64: 4096, 64>}, {pipeline_mode = #tpu.pipeline_mode<synchronous>, transform_indices = @transform_6, window_bounds = array<i64: 19, 16>}, {pipeline_mode = #tpu.pipeline_mode<synchronous>, transform_indices = @transform_7, window_bounds = array<i64: 19, 32>}, {transform_indices = @transform_8, window_bounds = array<i64: 1, 512, 3>}, {transform_indices = @transform_9, window_bounds = array<i64: 1, 512, 4096>}, {transform_indices = @transform_10, window_bounds = array<i64: 1, 512, 1>}, {transform_indices = @transform_11, window_bounds = array<i64: 1, 4096, 16>}, {transform_indices = @transform_12, window_bounds = array<i64: 1, 4096, 32>}]} {
    %get3A = arith.constant 0 : index
    %get3A_0 = arith.constant 0 : index
    %get3A_1 = arith.constant 0 : index
    %get3A_2 = vector.load %arg3[%get3A, %get3A_0, %get3A_1] : memref<1x4096x3xf32, #tpu.memory_space<vmem>>, vector<1x4096x3xf32>
    %get3A_3 = vector.shape_cast %get3A_2 : vector<1x4096x3xf32> to vector<4096x3xf32>
    %eq3A = arith.constant 0 : i32
    %eq3A_4 = arith.cmpi eq, %arg1, %eq3A : i32
    %convert_element_type3A = arith.extui %eq3A_4 : i1 to i32
    %cond3A = arith.constant 0 : i32
    %cond3A_5 = arith.cmpi ne, %convert_element_type3A, %cond3A : i32
    scf.if %cond3A_5 {
      %get3A_193 = arith.constant 0 : index
      %get3A_194 = arith.constant 0 : index
      %get3A_195 = vector.load %arg8[%get3A_193, %get3A_194] : memref<19x16xf32, #tpu.memory_space<vmem>>, vector<3x16xf32>
      %dot_general3A_196 = arith.constant dense<0.000000e+00> : vector<4096x16xf32>
      %dot_general3A_197 = tpu.matmul %get3A_3, %get3A_195, %dot_general3A_196 {dimension_numbers = #tpu.dot_dimension_numbers<[1], [0], [0], [1], [0, 0, 1, 1], [], []>, transpose_lhs_hint = false} : vector<4096x3xf32>, vector<3x16xf32>, vector<4096x16xf32> -> vector<4096x16xf32>
      %get3A_198 = arith.constant 0 : index
      %get3A_199 = arith.constant 0 : index
      %get3A_200 = arith.constant 0 : index
      %get3A_201 = vector.load %arg4[%get3A_198, %get3A_199, %get3A_200] : memref<1x16x4096xf32, #tpu.memory_space<vmem>>, vector<1x16x4096xf32>
      %get3A_202 = vector.shape_cast %get3A_201 : vector<1x16x4096xf32> to vector<16x4096xf32>
      %get3A_203 = arith.constant 3 : index
      %get3A_204 = arith.constant 0 : index
      %get3A_205 = vector.load %arg8[%get3A_203, %get3A_204] : memref<19x16xf32, #tpu.memory_space<vmem>>, vector<16x16xf32>
      %dot_general3A_206 = arith.constant dense<0.000000e+00> : vector<4096x16xf32>
      %dot_general3A_207 = tpu.matmul %get3A_202, %get3A_205, %dot_general3A_206 {dimension_numbers = #tpu.dot_dimension_numbers<[0], [0], [1], [1], [0, 1, 1, 1], [], []>, transpose_lhs_hint = false} : vector<16x4096xf32>, vector<16x16xf32>, vector<4096x16xf32> -> vector<4096x16xf32>
      %add3A_208 = arith.addf %dot_general3A_197, %dot_general3A_207 : vector<4096x16xf32>
      %swap3A_209 = arith.constant 0 : index
      %swap3A_210 = arith.constant 0 : index
      %swap3A_211 = arith.constant 0 : index
      %swap3A_212 = vector.load %arg13[%swap3A_209, %swap3A_210, %swap3A_211] : memref<1x4096x16xf32, #tpu.memory_space<vmem>>, vector<1x4096x16xf32>
      %swap3A_213 = vector.shape_cast %swap3A_212 : vector<1x4096x16xf32> to vector<4096x16xf32>
      %swap3A_214 = vector.shape_cast %add3A_208 : vector<4096x16xf32> to vector<1x4096x16xf32>
      tpu.vector_store %arg13[%swap3A_209, %swap3A_210, %swap3A_211], %swap3A_214 {strides = array<i32>} : memref<1x4096x16xf32, #tpu.memory_space<vmem>>, vector<1x4096x16xf32>,
      %get3A_215 = arith.constant 0 : index
      %get3A_216 = arith.constant 0 : index
      %get3A_217 = vector.load %arg9[%get3A_215, %get3A_216] : memref<19x32xf32, #tpu.memory_space<vmem>>, vector<3x32xf32>
      %dot_general3A_218 = arith.constant dense<0.000000e+00> : vector<4096x32xf32>
      %dot_general3A_219 = tpu.matmul %get3A_3, %get3A_217, %dot_general3A_218 {dimension_numbers = #tpu.dot_dimension_numbers<[1], [0], [0], [1], [0, 0, 1, 1], [], []>, transpose_lhs_hint = false} : vector<4096x3xf32>, vector<3x32xf32>, vector<4096x32xf32> -> vector<4096x32xf32>
      %get3A_220 = arith.constant 0 : index
      %get3A_221 = arith.constant 0 : index
      %get3A_222 = arith.constant 0 : index
      %get3A_223 = vector.load %arg4[%get3A_220, %get3A_221, %get3A_222] : memref<1x16x4096xf32, #tpu.memory_space<vmem>>, vector<1x16x4096xf32>
      %get3A_224 = vector.shape_cast %get3A_223 : vector<1x16x4096xf32> to vector<16x4096xf32>
      %get3A_225 = arith.constant 3 : index
      %get3A_226 = arith.constant 0 : index
      %get3A_227 = vector.load %arg9[%get3A_225, %get3A_226] : memref<19x32xf32, #tpu.memory_space<vmem>>, vector<16x32xf32>
      %dot_general3A_228 = arith.constant dense<0.000000e+00> : vector<4096x32xf32>
      %dot_general3A_229 = tpu.matmul %get3A_224, %get3A_227, %dot_general3A_228 {dimension_numbers = #tpu.dot_dimension_numbers<[0], [0], [1], [1], [0, 1, 1, 1], [], []>, transpose_lhs_hint = false} : vector<16x4096xf32>, vector<16x32xf32>, vector<4096x32xf32> -> vector<4096x32xf32>
      %add3A_230 = arith.addf %dot_general3A_219, %dot_general3A_229 : vector<4096x32xf32>
      %swap3A_231 = arith.constant 0 : index
      %swap3A_232 = arith.constant 0 : index
      %swap3A_233 = arith.constant 0 : index
      %swap3A_234 = vector.load %arg14[%swap3A_231, %swap3A_232, %swap3A_233] : memref<1x4096x32xf32, #tpu.memory_space<vmem>>, vector<1x4096x32xf32>
      %swap3A_235 = vector.shape_cast %swap3A_234 : vector<1x4096x32xf32> to vector<4096x32xf32>
      %swap3A_236 = vector.shape_cast %add3A_230 : vector<4096x32xf32> to vector<1x4096x32xf32>
      tpu.vector_store %arg14[%swap3A_231, %swap3A_232, %swap3A_233], %swap3A_236 {strides = array<i32>} : memref<1x4096x32xf32, #tpu.memory_space<vmem>>, vector<1x4096x32xf32>,
    } else {
    }
    %get3A_6 = arith.constant 0 : index
    %get3A_7 = arith.constant 0 : index
    %get3A_8 = arith.constant 0 : index
    %get3A_9 = vector.load %arg2[%get3A_6, %get3A_7, %get3A_8] : memref<1x512x1xi32, #tpu.memory_space<vmem>>, vector<1x512x1xi32>
    %get3A_10 = vector.shape_cast %get3A_9 : vector<1x512x1xi32> to vector<512x1xi32>
    %get3A_11 = arith.constant 0 : index
    %get3A_12 = arith.constant 0 : index
    %get3A_13 = vector.load %arg6[%get3A_11, %get3A_12] : memref<1x4096xi32, #tpu.memory_space<vmem>>, vector<1x4096xi32>
    %eq3A_14 = vector.broadcast %get3A_10 : vector<512x1xi32> to vector<512x4096xi32>
    %eq3A_15 = vector.broadcast %get3A_13 : vector<1x4096xi32> to vector<512x4096xi32>
    %eq3A_16 = arith.cmpi eq, %eq3A_14, %eq3A_15 : vector<512x4096xi32>
    %convert_element_type3A_17 = arith.extui %eq3A_16 : vector<512x4096xi1> to vector<512x4096xi32>
    %convert_element_type3A_18 = arith.sitofp %convert_element_type3A_17 : vector<512x4096xi32> to vector<512x4096xf32>
    %get3A_19 = arith.constant 0 : index
    %get3A_20 = arith.constant 0 : index
    %get3A_21 = arith.constant 0 : index
    %get3A_22 = vector.load %arg5[%get3A_19, %get3A_20, %get3A_21] : memref<1x3x4096xf32, #tpu.memory_space<vmem>>, vector<1x1x4096xf32>
    %get3A_23 = vector.shape_cast %get3A_22 : vector<1x1x4096xf32> to vector<1x4096xf32>
    %mul3A = vector.broadcast %get3A_23 : vector<1x4096xf32> to vector<512x4096xf32>
    %mul3A_24 = arith.mulf %convert_element_type3A_18, %mul3A : vector<512x4096xf32>
    %reduce_sum3A = arith.constant dense<0.000000e+00> : vector<512xf32>
    %reduce_sum3A_25 = vector.multi_reduction <add>, %mul3A_24, %reduce_sum3A [1] : vector<512x4096xf32> to vector<512xf32>
    %broadcast_in_dim3A = vector.shape_cast %reduce_sum3A_25 : vector<512xf32> to vector<512x1xf32>
    %get3A_26 = arith.constant 0 : index
    %get3A_27 = arith.constant 1 : index
    %get3A_28 = arith.constant 0 : index
    %get3A_29 = vector.load %arg5[%get3A_26, %get3A_27, %get3A_28] : memref<1x3x4096xf32, #tpu.memory_space<vmem>>, vector<1x1x4096xf32>
    %get3A_30 = vector.shape_cast %get3A_29 : vector<1x1x4096xf32> to vector<1x4096xf32>
    %mul3A_31 = vector.broadcast %get3A_30 : vector<1x4096xf32> to vector<512x4096xf32>
    %mul3A_32 = arith.mulf %convert_element_type3A_18, %mul3A_31 : vector<512x4096xf32>
    %reduce_sum3A_33 = arith.constant dense<0.000000e+00> : vector<512xf32>
    %reduce_sum3A_34 = vector.multi_reduction <add>, %mul3A_32, %reduce_sum3A_33 [1] : vector<512x4096xf32> to vector<512xf32>
    %broadcast_in_dim3A_35 = vector.shape_cast %reduce_sum3A_34 : vector<512xf32> to vector<512x1xf32>
    %get3A_36 = arith.constant 0 : index
    %get3A_37 = arith.constant 2 : index
    %get3A_38 = arith.constant 0 : index
    %get3A_39 = vector.load %arg5[%get3A_36, %get3A_37, %get3A_38] : memref<1x3x4096xf32, #tpu.memory_space<vmem>>, vector<1x1x4096xf32>
    %get3A_40 = vector.shape_cast %get3A_39 : vector<1x1x4096xf32> to vector<1x4096xf32>
    %mul3A_41 = vector.broadcast %get3A_40 : vector<1x4096xf32> to vector<512x4096xf32>
    %mul3A_42 = arith.mulf %convert_element_type3A_18, %mul3A_41 : vector<512x4096xf32>
    %reduce_sum3A_43 = arith.constant dense<0.000000e+00> : vector<512xf32>
    %reduce_sum3A_44 = vector.multi_reduction <add>, %mul3A_42, %reduce_sum3A_43 [1] : vector<512x4096xf32> to vector<512xf32>
    %broadcast_in_dim3A_45 = vector.shape_cast %reduce_sum3A_44 : vector<512xf32> to vector<512x1xf32>
    %concatenate3A = tpu.concatenate %broadcast_in_dim3A, %broadcast_in_dim3A_35, %broadcast_in_dim3A_45 in 1 : vector<512x1xf32>, vector<512x1xf32>, vector<512x1xf32> -> vector<512x3xf32>
    %swap3A = arith.constant 0 : index
    %swap3A_46 = arith.constant 0 : index
    %swap3A_47 = arith.constant 0 : index
    %swap3A_48 = vector.load %arg10[%swap3A, %swap3A_46, %swap3A_47] : memref<1x512x3xf32, #tpu.memory_space<vmem>>, vector<1x512x3xf32>
    %swap3A_49 = vector.shape_cast %swap3A_48 : vector<1x512x3xf32> to vector<512x3xf32>
    %swap3A_50 = vector.shape_cast %concatenate3A : vector<512x3xf32> to vector<1x512x3xf32>
    tpu.vector_store %arg10[%swap3A, %swap3A_46, %swap3A_47], %swap3A_50 {strides = array<i32>} : memref<1x512x3xf32, #tpu.memory_space<vmem>>, vector<1x512x3xf32>,
    %mul3A_51 = arith.mulf %concatenate3A, %concatenate3A : vector<512x3xf32>
    %reduce_sum3A_52 = arith.constant dense<0.000000e+00> : vector<512xf32>
    %reduce_sum3A_53 = vector.multi_reduction <add>, %mul3A_51, %reduce_sum3A_52 [1] : vector<512x3xf32> to vector<512xf32>
    %broadcast_in_dim3A_54 = vector.shape_cast %reduce_sum3A_53 : vector<512xf32> to vector<512x1xf32>
    %get3A_55 = arith.constant 0 : index
    %get3A_56 = arith.constant 0 : index
    %get3A_57 = arith.constant 0 : index
    %get3A_58 = vector.load %arg5[%get3A_55, %get3A_56, %get3A_57] : memref<1x3x4096xf32, #tpu.memory_space<vmem>>, vector<1x3x4096xf32>
    %get3A_59 = vector.shape_cast %get3A_58 : vector<1x3x4096xf32> to vector<3x4096xf32>
    %get3A_60 = arith.constant 0 : index
    %get3A_61 = arith.constant 0 : index
    %get3A_62 = arith.constant 0 : index
    %get3A_63 = vector.load %arg5[%get3A_60, %get3A_61, %get3A_62] : memref<1x3x4096xf32, #tpu.memory_space<vmem>>, vector<1x3x4096xf32>
    %get3A_64 = vector.shape_cast %get3A_63 : vector<1x3x4096xf32> to vector<3x4096xf32>
    %mul3A_65 = arith.mulf %get3A_59, %get3A_64 : vector<3x4096xf32>
    %reduce_sum3A_66 = arith.constant dense<0.000000e+00> : vector<4096xf32>
    %reduce_sum3A_67 = vector.multi_reduction <add>, %mul3A_65, %reduce_sum3A_66 [0] : vector<3x4096xf32> to vector<4096xf32>
    %broadcast_in_dim3A_68 = vector.shape_cast %reduce_sum3A_67 : vector<4096xf32> to vector<1x4096xf32>
    %get3A_69 = arith.constant 0 : index
    %get3A_70 = arith.constant 0 : index
    %get3A_71 = arith.constant 0 : index
    %get3A_72 = vector.load %arg5[%get3A_69, %get3A_70, %get3A_71] : memref<1x3x4096xf32, #tpu.memory_space<vmem>>, vector<1x3x4096xf32>
    %get3A_73 = vector.shape_cast %get3A_72 : vector<1x3x4096xf32> to vector<3x4096xf32>
    %dot_general3A = arith.constant dense<0.000000e+00> : vector<512x4096xf32>
    %dot_general3A_74 = tpu.matmul %concatenate3A, %get3A_73, %dot_general3A {dimension_numbers = #tpu.dot_dimension_numbers<[1], [0], [0], [1], [0, 0, 1, 1], [], []>, transpose_lhs_hint = false} : vector<512x3xf32>, vector<3x4096xf32>, vector<512x4096xf32> -> vector<512x4096xf32>
    %add3A = vector.broadcast %broadcast_in_dim3A_54 : vector<512x1xf32> to vector<512x4096xf32>
    %add3A_75 = vector.broadcast %broadcast_in_dim3A_68 : vector<1x4096xf32> to vector<512x4096xf32>
    %add3A_76 = arith.addf %add3A, %add3A_75 : vector<512x4096xf32>
    %mul3A_77 = arith.constant 2.000000e+00 : f32
    %mul3A_78 = vector.broadcast %mul3A_77 : f32 to vector<512x4096xf32>
    %mul3A_79 = arith.mulf %mul3A_78, %dot_general3A_74 : vector<512x4096xf32>
    %sub3A = arith.subf %add3A_76, %mul3A_79 : vector<512x4096xf32>
    %lt3A = arith.constant 4.000000e-02 : f32
    %lt3A_80 = vector.broadcast %lt3A : f32 to vector<512x4096xf32>
    %lt3A_81 = arith.cmpf olt, %sub3A, %lt3A_80 : vector<512x4096xf32>
    %lt3A_82 = arith.constant 1.600000e-01 : f32
    %lt3A_83 = vector.broadcast %lt3A_82 : f32 to vector<512x4096xf32>
    %lt3A_84 = arith.cmpf olt, %sub3A, %lt3A_83 : vector<512x4096xf32>
    %jit3A = arith.constant 1 : i32
    %jit3A_85 = arith.constant 0 : i32
    %broadcast_in_dim3A_86 = vector.broadcast %jit3A : i32 to vector<512x4096xi32>
    %broadcast_in_dim3A_87 = vector.broadcast %jit3A_85 : i32 to vector<512x4096xi32>
    %select_n3A = arith.select %lt3A_84, %broadcast_in_dim3A_86, %broadcast_in_dim3A_87 : vector<512x4096xi1>, vector<512x4096xi32>
    %jit3A_88 = arith.constant 3 : i32
    %broadcast_in_dim3A_89 = vector.broadcast %jit3A_88 : i32 to vector<512x4096xi32>
    %select_n3A_90 = arith.select %lt3A_81, %broadcast_in_dim3A_89, %select_n3A : vector<512x4096xi1>, vector<512x4096xi32>
    %convert_element_type3A_91 = arith.trunci %select_n3A_90 : vector<512x4096xi32> to vector<512x4096xi8>
    %swap3A_92 = arith.constant 0 : index
    %swap3A_93 = arith.constant 0 : index
    %swap3A_94 = arith.constant 0 : index
    %swap3A_95 = vector.load %arg11[%swap3A_92, %swap3A_93, %swap3A_94] : memref<1x512x4096xi8, #tpu.memory_space<vmem>>, vector<1x512x4096xi8>
    %swap3A_96 = vector.shape_cast %swap3A_95 : vector<1x512x4096xi8> to vector<512x4096xi8>
    %swap3A_97 = vector.shape_cast %convert_element_type3A_91 : vector<512x4096xi8> to vector<1x512x4096xi8>
    tpu.vector_store %arg11[%swap3A_92, %swap3A_93, %swap3A_94], %swap3A_97 {strides = array<i32>} : memref<1x512x4096xi8, #tpu.memory_space<vmem>>, vector<1x512x4096xi8>,
    %jit3A_98 = arith.constant 1.000000e+00 : f32
    %jit3A_99 = arith.constant 0.000000e+00 : f32
    %broadcast_in_dim3A_100 = vector.broadcast %jit3A_98 : f32 to vector<512x4096xf32>
    %broadcast_in_dim3A_101 = vector.broadcast %jit3A_99 : f32 to vector<512x4096xf32>
    %select_n3A_102 = arith.select %lt3A_84, %broadcast_in_dim3A_100, %broadcast_in_dim3A_101 : vector<512x4096xi1>, vector<512x4096xf32>
    %jit3A_103 = arith.constant 6.553700e+04 : f32
    %broadcast_in_dim3A_104 = vector.broadcast %jit3A_103 : f32 to vector<512x4096xf32>
    %select_n3A_105 = arith.select %lt3A_81, %broadcast_in_dim3A_104, %select_n3A_102 : vector<512x4096xi1>, vector<512x4096xf32>
    %get3A_106 = arith.constant 0 : index
    %get3A_107 = arith.constant 0 : index
    %get3A_108 = vector.load %arg7[%get3A_106, %get3A_107] : memref<4096x64xf32, #tpu.memory_space<vmem>>, vector<4096x64xf32>
    %dot_general3A_109 = arith.constant dense<0.000000e+00> : vector<512x64xf32>
    %dot_general3A_110 = tpu.matmul %select_n3A_105, %get3A_108, %dot_general3A_109 {dimension_numbers = #tpu.dot_dimension_numbers<[1], [0], [0], [1], [0, 0, 1, 1], [], []>, transpose_lhs_hint = false} : vector<512x4096xf32>, vector<4096x64xf32>, vector<512x64xf32> -> vector<512x64xf32>
    %convert_element_type3A_111 = arith.fptosi %dot_general3A_110 : vector<512x64xf32> to vector<512x64xi32>
    %iota3A = tpu.iota {dimensions = array<i32: 1>} : vector<512x64xi32>
    %roll3A = arith.constant 1 : i32
    %roll3A_112 = tpu.dynamic_rotate %convert_element_type3A_111 by %roll3A dim 1 : vector<512x64xi32>, i32 -> vector<512x64xi32>
    %ge3A = arith.constant 1 : i32
    %ge3A_113 = vector.broadcast %ge3A : i32 to vector<512x64xi32>
    %ge3A_114 = arith.cmpi sge, %iota3A, %ge3A_113 : vector<512x64xi32>
    %jit3A_115 = arith.constant 0 : i32
    %broadcast_in_dim3A_116 = vector.broadcast %jit3A_115 : i32 to vector<512x64xi32>
    %select_n3A_117 = arith.select %ge3A_114, %roll3A_112, %broadcast_in_dim3A_116 : vector<512x64xi1>, vector<512x64xi32>
    %add3A_118 = arith.addi %convert_element_type3A_111, %select_n3A_117 : vector<512x64xi32>
    %roll3A_119 = arith.constant 2 : i32
    %roll3A_120 = tpu.dynamic_rotate %add3A_118 by %roll3A_119 dim 1 : vector<512x64xi32>, i32 -> vector<512x64xi32>
    %ge3A_121 = arith.constant 2 : i32
    %ge3A_122 = vector.broadcast %ge3A_121 : i32 to vector<512x64xi32>
    %ge3A_123 = arith.cmpi sge, %iota3A, %ge3A_122 : vector<512x64xi32>
    %jit3A_124 = arith.constant 0 : i32
    %broadcast_in_dim3A_125 = vector.broadcast %jit3A_124 : i32 to vector<512x64xi32>
    %select_n3A_126 = arith.select %ge3A_123, %roll3A_120, %broadcast_in_dim3A_125 : vector<512x64xi1>, vector<512x64xi32>
    %add3A_127 = arith.addi %add3A_118, %select_n3A_126 : vector<512x64xi32>
    %roll3A_128 = arith.constant 4 : i32
    %roll3A_129 = tpu.dynamic_rotate %add3A_127 by %roll3A_128 dim 1 : vector<512x64xi32>, i32 -> vector<512x64xi32>
    %ge3A_130 = arith.constant 4 : i32
    %ge3A_131 = vector.broadcast %ge3A_130 : i32 to vector<512x64xi32>
    %ge3A_132 = arith.cmpi sge, %iota3A, %ge3A_131 : vector<512x64xi32>
    %jit3A_133 = arith.constant 0 : i32
    %broadcast_in_dim3A_134 = vector.broadcast %jit3A_133 : i32 to vector<512x64xi32>
    %select_n3A_135 = arith.select %ge3A_132, %roll3A_129, %broadcast_in_dim3A_134 : vector<512x64xi1>, vector<512x64xi32>
    %add3A_136 = arith.addi %add3A_127, %select_n3A_135 : vector<512x64xi32>
    %roll3A_137 = arith.constant 8 : i32
    %roll3A_138 = tpu.dynamic_rotate %add3A_136 by %roll3A_137 dim 1 : vector<512x64xi32>, i32 -> vector<512x64xi32>
    %ge3A_139 = arith.constant 8 : i32
    %ge3A_140 = vector.broadcast %ge3A_139 : i32 to vector<512x64xi32>
    %ge3A_141 = arith.cmpi sge, %iota3A, %ge3A_140 : vector<512x64xi32>
    %jit3A_142 = arith.constant 0 : i32
    %broadcast_in_dim3A_143 = vector.broadcast %jit3A_142 : i32 to vector<512x64xi32>
    %select_n3A_144 = arith.select %ge3A_141, %roll3A_138, %broadcast_in_dim3A_143 : vector<512x64xi1>, vector<512x64xi32>
    %add3A_145 = arith.addi %add3A_136, %select_n3A_144 : vector<512x64xi32>
    %roll3A_146 = arith.constant 16 : i32
    %roll3A_147 = tpu.dynamic_rotate %add3A_145 by %roll3A_146 dim 1 : vector<512x64xi32>, i32 -> vector<512x64xi32>
    %ge3A_148 = arith.constant 16 : i32
    %ge3A_149 = vector.broadcast %ge3A_148 : i32 to vector<512x64xi32>
    %ge3A_150 = arith.cmpi sge, %iota3A, %ge3A_149 : vector<512x64xi32>
    %jit3A_151 = arith.constant 0 : i32
    %broadcast_in_dim3A_152 = vector.broadcast %jit3A_151 : i32 to vector<512x64xi32>
    %select_n3A_153 = arith.select %ge3A_150, %roll3A_147, %broadcast_in_dim3A_152 : vector<512x64xi1>, vector<512x64xi32>
    %add3A_154 = arith.addi %add3A_145, %select_n3A_153 : vector<512x64xi32>
    %roll3A_155 = arith.constant 32 : i32
    %roll3A_156 = tpu.dynamic_rotate %add3A_154 by %roll3A_155 dim 1 : vector<512x64xi32>, i32 -> vector<512x64xi32>
    %ge3A_157 = arith.constant 32 : i32
    %ge3A_158 = vector.broadcast %ge3A_157 : i32 to vector<512x64xi32>
    %ge3A_159 = arith.cmpi sge, %iota3A, %ge3A_158 : vector<512x64xi32>
    %jit3A_160 = arith.constant 0 : i32
    %broadcast_in_dim3A_161 = vector.broadcast %jit3A_160 : i32 to vector<512x64xi32>
    %select_n3A_162 = arith.select %ge3A_159, %roll3A_156, %broadcast_in_dim3A_161 : vector<512x64xi1>, vector<512x64xi32>
    %add3A_163 = arith.addi %add3A_154, %select_n3A_162 : vector<512x64xi32>
    %shift_right_logical3A = arith.constant 16 : i32
    %shift_right_logical3A_164 = vector.broadcast %shift_right_logical3A : i32 to vector<512x64xi32>
    %shift_right_logical3A_165 = arith.shrui %add3A_163, %shift_right_logical3A_164 : vector<512x64xi32>
    %and3A = arith.constant 65535 : i32
    %and3A_166 = vector.broadcast %and3A : i32 to vector<512x64xi32>
    %and3A_167 = arith.andi %add3A_163, %and3A_166 : vector<512x64xi32>
    %lt3A_168 = arith.constant 16 : i32
    %lt3A_169 = vector.broadcast %lt3A_168 : i32 to vector<512x64xi32>
    %lt3A_170 = arith.cmpi slt, %shift_right_logical3A_165, %lt3A_169 : vector<512x64xi32>
    %lt3A_171 = arith.constant 32 : i32
    %lt3A_172 = vector.broadcast %lt3A_171 : i32 to vector<512x64xi32>
    %lt3A_173 = arith.cmpi slt, %and3A_167, %lt3A_172 : vector<512x64xi32>
    %or3A = arith.ori %lt3A_170, %lt3A_173 : vector<512x64xi1>
    %jit3A_174 = arith.constant 1 : i32
    %jit3A_175 = arith.constant 0 : i32
    %broadcast_in_dim3A_176 = vector.broadcast %jit3A_174 : i32 to vector<512x64xi32>
    %broadcast_in_dim3A_177 = vector.broadcast %jit3A_175 : i32 to vector<512x64xi32>
    %select_n3A_178 = arith.select %or3A, %broadcast_in_dim3A_176, %broadcast_in_dim3A_177 : vector<512x64xi1>, vector<512x64xi32>
    %reduce_sum3A_179 = arith.constant dense<0> : vector<512xi32>
    %reduce_sum3A_180 = vector.multi_reduction <add>, %select_n3A_178, %reduce_sum3A_179 [1] : vector<512x64xi32> to vector<512xi32>
    %broadcast_in_dim3A_181 = vector.shape_cast %reduce_sum3A_180 : vector<512xi32> to vector<512x1xi32>
    %add3A_182 = arith.constant 1 : i32
    %add3A_183 = vector.broadcast %add3A_182 : i32 to vector<512x1xi32>
    %add3A_184 = arith.addi %broadcast_in_dim3A_181, %add3A_183 : vector<512x1xi32>
    %min3A = arith.constant 64 : i32
    %min3A_185 = vector.broadcast %min3A : i32 to vector<512x1xi32>
    %min3A_186 = arith.minsi %add3A_184, %min3A_185 : vector<512x1xi32>
    %swap3A_187 = arith.constant 0 : index
    %swap3A_188 = arith.constant 0 : index
    %swap3A_189 = arith.constant 0 : index
    %swap3A_190 = vector.load %arg12[%swap3A_187, %swap3A_188, %swap3A_189] : memref<1x512x1xi32, #tpu.memory_space<vmem>>, vector<1x512x1xi32>
    %swap3A_191 = vector.shape_cast %swap3A_190 : vector<1x512x1xi32> to vector<512x1xi32>
    %swap3A_192 = vector.shape_cast %min3A_186 : vector<512x1xi32> to vector<1x512x1xi32>
    tpu.vector_store %arg12[%swap3A_187, %swap3A_188, %swap3A_189], %swap3A_192 {strides = array<i32>} : memref<1x512x1xi32, #tpu.memory_space<vmem>>, vector<1x512x1xi32>,
    return
  }
  func.func @transform_0(%arg0: i32, %arg1: i32) -> (i32, i32, i32) {
    %c0_i32 = arith.constant 0 : i32
    %c0_i32_0 = arith.constant 0 : i32
    return %arg0, %arg1, %c0_i32 : i32, i32, i32
  }
  func.func @transform_1(%arg0: i32, %arg1: i32) -> (i32, i32, i32) {
    %c0_i32 = arith.constant 0 : i32
    %c0_i32_0 = arith.constant 0 : i32
    %c0_i32_1 = arith.constant 0 : i32
    return %arg0, %c0_i32, %c0_i32_0 : i32, i32, i32
  }
  func.func @transform_2(%arg0: i32, %arg1: i32) -> (i32, i32, i32) {
    %c0_i32 = arith.constant 0 : i32
    %c0_i32_0 = arith.constant 0 : i32
    %c0_i32_1 = arith.constant 0 : i32
    return %arg0, %c0_i32, %c0_i32_0 : i32, i32, i32
  }
  func.func @transform_3(%arg0: i32, %arg1: i32) -> (i32, i32, i32) {
    %c0_i32 = arith.constant 0 : i32
    %c0_i32_0 = arith.constant 0 : i32
    %c0_i32_1 = arith.constant 0 : i32
    return %arg0, %c0_i32, %c0_i32_0 : i32, i32, i32
  }
  func.func @transform_4(%arg0: i32, %arg1: i32) -> (i32, i32) {
    %c0_i32 = arith.constant 0 : i32
    %c0_i32_0 = arith.constant 0 : i32
    %c0_i32_1 = arith.constant 0 : i32
    return %c0_i32, %c0_i32_0 : i32, i32
  }
  func.func @transform_5(%arg0: i32, %arg1: i32) -> (i32, i32) {
    %c0_i32 = arith.constant 0 : i32
    %c0_i32_0 = arith.constant 0 : i32
    %c0_i32_1 = arith.constant 0 : i32
    return %c0_i32, %c0_i32_0 : i32, i32
  }
  func.func @transform_6(%arg0: i32, %arg1: i32) -> (i32, i32) {
    %c0_i32 = arith.constant 0 : i32
    %c0_i32_0 = arith.constant 0 : i32
    %c0_i32_1 = arith.constant 0 : i32
    return %c0_i32, %c0_i32_0 : i32, i32
  }
  func.func @transform_7(%arg0: i32, %arg1: i32) -> (i32, i32) {
    %c0_i32 = arith.constant 0 : i32
    %c0_i32_0 = arith.constant 0 : i32
    %c0_i32_1 = arith.constant 0 : i32
    return %c0_i32, %c0_i32_0 : i32, i32
  }
  func.func @transform_8(%arg0: i32, %arg1: i32) -> (i32, i32, i32) {
    %c0_i32 = arith.constant 0 : i32
    %c0_i32_0 = arith.constant 0 : i32
    return %arg0, %arg1, %c0_i32 : i32, i32, i32
  }
  func.func @transform_9(%arg0: i32, %arg1: i32) -> (i32, i32, i32) {
    %c0_i32 = arith.constant 0 : i32
    %c0_i32_0 = arith.constant 0 : i32
    return %arg0, %arg1, %c0_i32 : i32, i32, i32
  }
  func.func @transform_10(%arg0: i32, %arg1: i32) -> (i32, i32, i32) {
    %c0_i32 = arith.constant 0 : i32
    %c0_i32_0 = arith.constant 0 : i32
    return %arg0, %arg1, %c0_i32 : i32, i32, i32
  }
  func.func @transform_11(%arg0: i32, %arg1: i32) -> (i32, i32, i32) {
    %c0_i32 = arith.constant 0 : i32
    %c0_i32_0 = arith.constant 0 : i32
    %c0_i32_1 = arith.constant 0 : i32
    return %arg0, %c0_i32, %c0_i32_0 : i32, i32, i32
  }
  func.func @transform_12(%arg0: i32, %arg1: i32) -> (i32, i32, i32) {
    %c0_i32 = arith.constant 0 : i32
    %c0_i32_0 = arith.constant 0 : i32
    %c0_i32_1 = arith.constant 0 : i32
    return %arg0, %c0_i32, %c0_i32_0 : i32, i32, i32
  }
}

module attributes {stable_mosaic.version = 14 : i64} {
  func.func @_k3_body(%arg0: i32, %arg1: i32, %arg2: memref<1x128x16x16xf32, #tpu.memory_space<vmem>>, %arg3: memref<1x128x32x32xf32, #tpu.memory_space<vmem>>, %arg4: memref<1x128x3xf32, #tpu.memory_space<vmem>>, %arg5: memref<19x16xf32, #tpu.memory_space<vmem>>, %arg6: memref<19x32xf32, #tpu.memory_space<vmem>>, %arg7: memref<1x128x16x16xf32, #tpu.memory_space<vmem>>, %arg8: memref<1x128x32x32xf32, #tpu.memory_space<vmem>>, %arg9: memref<2x16xf32, #tpu.memory_space<vmem>>, %arg10: memref<2x32xf32, #tpu.memory_space<vmem>>) attributes {dimension_semantics = [#tpu.dimension_semantics<arbitrary>, #tpu.dimension_semantics<arbitrary>], iteration_bounds = array<i64: 8, 8>, scalar_prefetch = 0 : i64, scratch_operands = 0 : i64, tpu.core_type = #tpu.core_type<tc>, window_params = [{transform_indices = @transform_0, window_bounds = array<i64: 1, 128, 16, 16>}, {transform_indices = @transform_1, window_bounds = array<i64: 1, 128, 32, 32>}, {transform_indices = @transform_2, window_bounds = array<i64: 1, 128, 3>}, {pipeline_mode = #tpu.pipeline_mode<synchronous>, transform_indices = @transform_3, window_bounds = array<i64: 19, 16>}, {pipeline_mode = #tpu.pipeline_mode<synchronous>, transform_indices = @transform_4, window_bounds = array<i64: 19, 32>}, {transform_indices = @transform_5, window_bounds = array<i64: 1, 128, 16, 16>}, {transform_indices = @transform_6, window_bounds = array<i64: 1, 128, 32, 32>}, {pipeline_mode = #tpu.pipeline_mode<synchronous>, transform_indices = @transform_7, window_bounds = array<i64: 2, 16>}, {pipeline_mode = #tpu.pipeline_mode<synchronous>, transform_indices = @transform_8, window_bounds = array<i64: 2, 32>}]} {
    %eq3A = arith.constant 0 : i32
    %eq3A_0 = arith.cmpi eq, %arg0, %eq3A : i32
    %eq3A_1 = arith.constant 0 : i32
    %eq3A_2 = arith.cmpi eq, %arg1, %eq3A_1 : i32
    %and3A = arith.andi %eq3A_0, %eq3A_2 : i1
    %convert_element_type3A = arith.extui %and3A : i1 to i32
    %cond3A = arith.constant 0 : i32
    %cond3A_3 = arith.cmpi ne, %convert_element_type3A, %cond3A : i32
    scf.if %cond3A_3 {
      %broadcast_in_dim3A_93 = arith.constant 0.000000e+00 : f32
      %broadcast_in_dim3A_94 = vector.broadcast %broadcast_in_dim3A_93 : f32 to vector<2x16xf32>
      %swap3A_95 = arith.constant 0 : index
      %swap3A_96 = arith.constant 0 : index
      %swap3A_97 = vector.load %arg9[%swap3A_95, %swap3A_96] : memref<2x16xf32, #tpu.memory_space<vmem>>, vector<2x16xf32>
      tpu.vector_store %arg9[%swap3A_95, %swap3A_96], %broadcast_in_dim3A_94 {strides = array<i32>} : memref<2x16xf32, #tpu.memory_space<vmem>>, vector<2x16xf32>,
      %broadcast_in_dim3A_98 = arith.constant 0.000000e+00 : f32
      %broadcast_in_dim3A_99 = vector.broadcast %broadcast_in_dim3A_98 : f32 to vector<2x32xf32>
      %swap3A_100 = arith.constant 0 : index
      %swap3A_101 = arith.constant 0 : index
      %swap3A_102 = vector.load %arg10[%swap3A_100, %swap3A_101] : memref<2x32xf32, #tpu.memory_space<vmem>>, vector<2x32xf32>
      tpu.vector_store %arg10[%swap3A_100, %swap3A_101], %broadcast_in_dim3A_99 {strides = array<i32>} : memref<2x32xf32, #tpu.memory_space<vmem>>, vector<2x32xf32>,
    } else {
    }
    %get3A = arith.constant 0 : index
    %get3A_4 = arith.constant 0 : index
    %get3A_5 = arith.constant 0 : index
    %get3A_6 = vector.load %arg4[%get3A, %get3A_4, %get3A_5] : memref<1x128x3xf32, #tpu.memory_space<vmem>>, vector<1x128x3xf32>
    %get3A_7 = vector.shape_cast %get3A_6 : vector<1x128x3xf32> to vector<128x3xf32>
    %get3A_8 = arith.constant 0 : index
    %get3A_9 = arith.constant 0 : index
    %get3A_10 = vector.load %arg5[%get3A_8, %get3A_9] : memref<19x16xf32, #tpu.memory_space<vmem>>, vector<3x16xf32>
    %dot_general3A = arith.constant dense<0.000000e+00> : vector<128x16xf32>
    %dot_general3A_11 = tpu.matmul %get3A_7, %get3A_10, %dot_general3A {dimension_numbers = #tpu.dot_dimension_numbers<[1], [0], [0], [1], [0, 0, 1, 1], [], []>, transpose_lhs_hint = false} : vector<128x3xf32>, vector<3x16xf32>, vector<128x16xf32> -> vector<128x16xf32>
    %get3A_12 = arith.constant 0 : index
    %get3A_13 = arith.constant 0 : index
    %get3A_14 = arith.constant 0 : index
    %get3A_15 = arith.constant 0 : index
    %get3A_16 = vector.load %arg2[%get3A_12, %get3A_13, %get3A_14, %get3A_15] : memref<1x128x16x16xf32, #tpu.memory_space<vmem>>, vector<1x128x16x16xf32>
    %get3A_17 = vector.shape_cast %get3A_16 : vector<1x128x16x16xf32> to vector<128x16x16xf32>
    %broadcast_in_dim3A = vector.shape_cast %dot_general3A_11 : vector<128x16xf32> to vector<128x1x16xf32>
    %sub3A = vector.broadcast %broadcast_in_dim3A : vector<128x1x16xf32> to vector<128x16x16xf32>
    %sub3A_18 = arith.subf %get3A_17, %sub3A : vector<128x16x16xf32>
    %swap3A = arith.constant 0 : index
    %swap3A_19 = arith.constant 0 : index
    %swap3A_20 = arith.constant 0 : index
    %swap3A_21 = arith.constant 0 : index
    %swap3A_22 = vector.load %arg7[%swap3A, %swap3A_19, %swap3A_20, %swap3A_21] : memref<1x128x16x16xf32, #tpu.memory_space<vmem>>, vector<1x128x16x16xf32>
    %swap3A_23 = vector.shape_cast %swap3A_22 : vector<1x128x16x16xf32> to vector<128x16x16xf32>
    %swap3A_24 = vector.shape_cast %sub3A_18 : vector<128x16x16xf32> to vector<1x128x16x16xf32>
    tpu.vector_store %arg7[%swap3A, %swap3A_19, %swap3A_20, %swap3A_21], %swap3A_24 {strides = array<i32>} : memref<1x128x16x16xf32, #tpu.memory_space<vmem>>, vector<1x128x16x16xf32>,
    %reduce_sum3A = arith.constant dense<0.000000e+00> : vector<128x16xf32>
    %reduce_sum3A_25 = vector.multi_reduction <add>, %sub3A_18, %reduce_sum3A [1] : vector<128x16x16xf32> to vector<128x16xf32>
    %get3A_26 = arith.constant 0 : index
    %get3A_27 = arith.constant 0 : index
    %get3A_28 = vector.load %arg9[%get3A_26, %get3A_27] : memref<2x16xf32, #tpu.memory_space<vmem>>, vector<1x16xf32>
    %reduce_sum3A_29 = arith.constant dense<0.000000e+00> : vector<16xf32>
    %reduce_sum3A_30 = vector.multi_reduction <add>, %reduce_sum3A_25, %reduce_sum3A_29 [0] : vector<128x16xf32> to vector<16xf32>
    %broadcast_in_dim3A_31 = vector.shape_cast %reduce_sum3A_30 : vector<16xf32> to vector<1x16xf32>
    %add3A = arith.addf %get3A_28, %broadcast_in_dim3A_31 : vector<1x16xf32>
    %swap3A_32 = arith.constant 0 : index
    %swap3A_33 = arith.constant 0 : index
    %swap3A_34 = vector.load %arg9[%swap3A_32, %swap3A_33] : memref<2x16xf32, #tpu.memory_space<vmem>>, vector<1x16xf32>
    tpu.vector_store %arg9[%swap3A_32, %swap3A_33], %add3A {strides = array<i32>} : memref<2x16xf32, #tpu.memory_space<vmem>>, vector<1x16xf32>,
    %mul3A = arith.mulf %sub3A_18, %sub3A_18 : vector<128x16x16xf32>
    %reduce_sum3A_35 = arith.constant dense<0.000000e+00> : vector<128x16xf32>
    %reduce_sum3A_36 = vector.multi_reduction <add>, %mul3A, %reduce_sum3A_35 [1] : vector<128x16x16xf32> to vector<128x16xf32>
    %get3A_37 = arith.constant 1 : index
    %get3A_38 = arith.constant 0 : index
    %get3A_39 = vector.load %arg9[%get3A_37, %get3A_38] : memref<2x16xf32, #tpu.memory_space<vmem>>, vector<1x16xf32>
    %reduce_sum3A_40 = arith.constant dense<0.000000e+00> : vector<16xf32>
    %reduce_sum3A_41 = vector.multi_reduction <add>, %reduce_sum3A_36, %reduce_sum3A_40 [0] : vector<128x16xf32> to vector<16xf32>
    %broadcast_in_dim3A_42 = vector.shape_cast %reduce_sum3A_41 : vector<16xf32> to vector<1x16xf32>
    %add3A_43 = arith.addf %get3A_39, %broadcast_in_dim3A_42 : vector<1x16xf32>
    %swap3A_44 = arith.constant 1 : index
    %swap3A_45 = arith.constant 0 : index
    %swap3A_46 = vector.load %arg9[%swap3A_44, %swap3A_45] : memref<2x16xf32, #tpu.memory_space<vmem>>, vector<1x16xf32>
    tpu.vector_store %arg9[%swap3A_44, %swap3A_45], %add3A_43 {strides = array<i32>} : memref<2x16xf32, #tpu.memory_space<vmem>>, vector<1x16xf32>,
    %get3A_47 = arith.constant 0 : index
    %get3A_48 = arith.constant 0 : index
    %get3A_49 = vector.load %arg6[%get3A_47, %get3A_48] : memref<19x32xf32, #tpu.memory_space<vmem>>, vector<3x32xf32>
    %dot_general3A_50 = arith.constant dense<0.000000e+00> : vector<128x32xf32>
    %dot_general3A_51 = tpu.matmul %get3A_7, %get3A_49, %dot_general3A_50 {dimension_numbers = #tpu.dot_dimension_numbers<[1], [0], [0], [1], [0, 0, 1, 1], [], []>, transpose_lhs_hint = false} : vector<128x3xf32>, vector<3x32xf32>, vector<128x32xf32> -> vector<128x32xf32>
    %get3A_52 = arith.constant 0 : index
    %get3A_53 = arith.constant 0 : index
    %get3A_54 = arith.constant 0 : index
    %get3A_55 = arith.constant 0 : index
    %get3A_56 = vector.load %arg3[%get3A_52, %get3A_53, %get3A_54, %get3A_55] : memref<1x128x32x32xf32, #tpu.memory_space<vmem>>, vector<1x128x32x32xf32>
    %get3A_57 = vector.shape_cast %get3A_56 : vector<1x128x32x32xf32> to vector<128x32x32xf32>
    %broadcast_in_dim3A_58 = vector.shape_cast %dot_general3A_51 : vector<128x32xf32> to vector<128x1x32xf32>
    %sub3A_59 = vector.broadcast %broadcast_in_dim3A_58 : vector<128x1x32xf32> to vector<128x32x32xf32>
    %sub3A_60 = arith.subf %get3A_57, %sub3A_59 : vector<128x32x32xf32>
    %swap3A_61 = arith.constant 0 : index
    %swap3A_62 = arith.constant 0 : index
    %swap3A_63 = arith.constant 0 : index
    %swap3A_64 = arith.constant 0 : index
    %swap3A_65 = vector.load %arg8[%swap3A_61, %swap3A_62, %swap3A_63, %swap3A_64] : memref<1x128x32x32xf32, #tpu.memory_space<vmem>>, vector<1x128x32x32xf32>
    %swap3A_66 = vector.shape_cast %swap3A_65 : vector<1x128x32x32xf32> to vector<128x32x32xf32>
    %swap3A_67 = vector.shape_cast %sub3A_60 : vector<128x32x32xf32> to vector<1x128x32x32xf32>
    tpu.vector_store %arg8[%swap3A_61, %swap3A_62, %swap3A_63, %swap3A_64], %swap3A_67 {strides = array<i32>} : memref<1x128x32x32xf32, #tpu.memory_space<vmem>>, vector<1x128x32x32xf32>,
    %reduce_sum3A_68 = arith.constant dense<0.000000e+00> : vector<128x32xf32>
    %reduce_sum3A_69 = vector.multi_reduction <add>, %sub3A_60, %reduce_sum3A_68 [1] : vector<128x32x32xf32> to vector<128x32xf32>
    %get3A_70 = arith.constant 0 : index
    %get3A_71 = arith.constant 0 : index
    %get3A_72 = vector.load %arg10[%get3A_70, %get3A_71] : memref<2x32xf32, #tpu.memory_space<vmem>>, vector<1x32xf32>
    %reduce_sum3A_73 = arith.constant dense<0.000000e+00> : vector<32xf32>
    %reduce_sum3A_74 = vector.multi_reduction <add>, %reduce_sum3A_69, %reduce_sum3A_73 [0] : vector<128x32xf32> to vector<32xf32>
    %broadcast_in_dim3A_75 = vector.shape_cast %reduce_sum3A_74 : vector<32xf32> to vector<1x32xf32>
    %add3A_76 = arith.addf %get3A_72, %broadcast_in_dim3A_75 : vector<1x32xf32>
    %swap3A_77 = arith.constant 0 : index
    %swap3A_78 = arith.constant 0 : index
    %swap3A_79 = vector.load %arg10[%swap3A_77, %swap3A_78] : memref<2x32xf32, #tpu.memory_space<vmem>>, vector<1x32xf32>
    tpu.vector_store %arg10[%swap3A_77, %swap3A_78], %add3A_76 {strides = array<i32>} : memref<2x32xf32, #tpu.memory_space<vmem>>, vector<1x32xf32>,
    %mul3A_80 = arith.mulf %sub3A_60, %sub3A_60 : vector<128x32x32xf32>
    %reduce_sum3A_81 = arith.constant dense<0.000000e+00> : vector<128x32xf32>
    %reduce_sum3A_82 = vector.multi_reduction <add>, %mul3A_80, %reduce_sum3A_81 [1] : vector<128x32x32xf32> to vector<128x32xf32>
    %get3A_83 = arith.constant 1 : index
    %get3A_84 = arith.constant 0 : index
    %get3A_85 = vector.load %arg10[%get3A_83, %get3A_84] : memref<2x32xf32, #tpu.memory_space<vmem>>, vector<1x32xf32>
    %reduce_sum3A_86 = arith.constant dense<0.000000e+00> : vector<32xf32>
    %reduce_sum3A_87 = vector.multi_reduction <add>, %reduce_sum3A_82, %reduce_sum3A_86 [0] : vector<128x32xf32> to vector<32xf32>
    %broadcast_in_dim3A_88 = vector.shape_cast %reduce_sum3A_87 : vector<32xf32> to vector<1x32xf32>
    %add3A_89 = arith.addf %get3A_85, %broadcast_in_dim3A_88 : vector<1x32xf32>
    %swap3A_90 = arith.constant 1 : index
    %swap3A_91 = arith.constant 0 : index
    %swap3A_92 = vector.load %arg10[%swap3A_90, %swap3A_91] : memref<2x32xf32, #tpu.memory_space<vmem>>, vector<1x32xf32>
    tpu.vector_store %arg10[%swap3A_90, %swap3A_91], %add3A_89 {strides = array<i32>} : memref<2x32xf32, #tpu.memory_space<vmem>>, vector<1x32xf32>,
    return
  }
  func.func @transform_0(%arg0: i32, %arg1: i32) -> (i32, i32, i32, i32) {
    %c0_i32 = arith.constant 0 : i32
    %c0_i32_0 = arith.constant 0 : i32
    %c0_i32_1 = arith.constant 0 : i32
    return %arg0, %arg1, %c0_i32, %c0_i32_0 : i32, i32, i32, i32
  }
  func.func @transform_1(%arg0: i32, %arg1: i32) -> (i32, i32, i32, i32) {
    %c0_i32 = arith.constant 0 : i32
    %c0_i32_0 = arith.constant 0 : i32
    %c0_i32_1 = arith.constant 0 : i32
    return %arg0, %arg1, %c0_i32, %c0_i32_0 : i32, i32, i32, i32
  }
  func.func @transform_2(%arg0: i32, %arg1: i32) -> (i32, i32, i32) {
    %c0_i32 = arith.constant 0 : i32
    %c0_i32_0 = arith.constant 0 : i32
    return %arg0, %arg1, %c0_i32 : i32, i32, i32
  }
  func.func @transform_3(%arg0: i32, %arg1: i32) -> (i32, i32) {
    %c0_i32 = arith.constant 0 : i32
    %c0_i32_0 = arith.constant 0 : i32
    %c0_i32_1 = arith.constant 0 : i32
    return %c0_i32, %c0_i32_0 : i32, i32
  }
  func.func @transform_4(%arg0: i32, %arg1: i32) -> (i32, i32) {
    %c0_i32 = arith.constant 0 : i32
    %c0_i32_0 = arith.constant 0 : i32
    %c0_i32_1 = arith.constant 0 : i32
    return %c0_i32, %c0_i32_0 : i32, i32
  }
  func.func @transform_5(%arg0: i32, %arg1: i32) -> (i32, i32, i32, i32) {
    %c0_i32 = arith.constant 0 : i32
    %c0_i32_0 = arith.constant 0 : i32
    %c0_i32_1 = arith.constant 0 : i32
    return %arg0, %arg1, %c0_i32, %c0_i32_0 : i32, i32, i32, i32
  }
  func.func @transform_6(%arg0: i32, %arg1: i32) -> (i32, i32, i32, i32) {
    %c0_i32 = arith.constant 0 : i32
    %c0_i32_0 = arith.constant 0 : i32
    %c0_i32_1 = arith.constant 0 : i32
    return %arg0, %arg1, %c0_i32, %c0_i32_0 : i32, i32, i32, i32
  }
  func.func @transform_7(%arg0: i32, %arg1: i32) -> (i32, i32) {
    %c0_i32 = arith.constant 0 : i32
    %c0_i32_0 = arith.constant 0 : i32
    %c0_i32_1 = arith.constant 0 : i32
    return %c0_i32, %c0_i32_0 : i32, i32
  }
  func.func @transform_8(%arg0: i32, %arg1: i32) -> (i32, i32) {
    %c0_i32 = arith.constant 0 : i32
    %c0_i32_0 = arith.constant 0 : i32
    %c0_i32_1 = arith.constant 0 : i32
    return %c0_i32, %c0_i32_0 : i32, i32
  }
}

module attributes {stable_mosaic.version = 14 : i64} {
  func.func @_k4_body(%arg0: i32, %arg1: i32, %arg2: memref<1x128x16x16xf32, #tpu.memory_space<vmem>>, %arg3: memref<1x128x32x32xf32, #tpu.memory_space<vmem>>, %arg4: memref<1x16xf32, #tpu.memory_space<vmem>>, %arg5: memref<1x16xf32, #tpu.memory_space<vmem>>, %arg6: memref<1x32xf32, #tpu.memory_space<vmem>>, %arg7: memref<1x32xf32, #tpu.memory_space<vmem>>, %arg8: memref<16x32xf32, #tpu.memory_space<vmem>>, %arg9: memref<32x64xf32, #tpu.memory_space<vmem>>, %arg10: memref<1x128x32xf32, #tpu.memory_space<vmem>>, %arg11: memref<1x128x32xf32, #tpu.memory_space<vmem>>, %arg12: memref<1x128x64xf32, #tpu.memory_space<vmem>>, %arg13: memref<1x128x64xf32, #tpu.memory_space<vmem>>, %arg14: memref<2x32xf32, #tpu.memory_space<vmem>>, %arg15: memref<2x64xf32, #tpu.memory_space<vmem>>) attributes {dimension_semantics = [#tpu.dimension_semantics<arbitrary>, #tpu.dimension_semantics<arbitrary>], iteration_bounds = array<i64: 8, 8>, scalar_prefetch = 0 : i64, scratch_operands = 0 : i64, tpu.core_type = #tpu.core_type<tc>, window_params = [{transform_indices = @transform_0, window_bounds = array<i64: 1, 128, 16, 16>}, {transform_indices = @transform_1, window_bounds = array<i64: 1, 128, 32, 32>}, {pipeline_mode = #tpu.pipeline_mode<synchronous>, transform_indices = @transform_2, window_bounds = array<i64: 1, 16>}, {pipeline_mode = #tpu.pipeline_mode<synchronous>, transform_indices = @transform_3, window_bounds = array<i64: 1, 16>}, {pipeline_mode = #tpu.pipeline_mode<synchronous>, transform_indices = @transform_4, window_bounds = array<i64: 1, 32>}, {pipeline_mode = #tpu.pipeline_mode<synchronous>, transform_indices = @transform_5, window_bounds = array<i64: 1, 32>}, {pipeline_mode = #tpu.pipeline_mode<synchronous>, transform_indices = @transform_6, window_bounds = array<i64: 16, 32>}, {pipeline_mode = #tpu.pipeline_mode<synchronous>, transform_indices = @transform_7, window_bounds = array<i64: 32, 64>}, {transform_indices = @transform_8, window_bounds = array<i64: 1, 128, 32>}, {transform_indices = @transform_9, window_bounds = array<i64: 1, 128, 32>}, {transform_indices = @transform_10, window_bounds = array<i64: 1, 128, 64>}, {transform_indices = @transform_11, window_bounds = array<i64: 1, 128, 64>}, {pipeline_mode = #tpu.pipeline_mode<synchronous>, transform_indices = @transform_12, window_bounds = array<i64: 2, 32>}, {pipeline_mode = #tpu.pipeline_mode<synchronous>, transform_indices = @transform_13, window_bounds = array<i64: 2, 64>}]} {
    %eq3A = arith.constant 0 : i32
    %eq3A_0 = arith.cmpi eq, %arg0, %eq3A : i32
    %eq3A_1 = arith.constant 0 : i32
    %eq3A_2 = arith.cmpi eq, %arg1, %eq3A_1 : i32
    %and3A = arith.andi %eq3A_0, %eq3A_2 : i1
    %convert_element_type3A = arith.extui %and3A : i1 to i32
    %cond3A = arith.constant 0 : i32
    %cond3A_3 = arith.cmpi ne, %convert_element_type3A, %cond3A : i32
    scf.if %cond3A_3 {
      %broadcast_in_dim3A_123 = arith.constant 0.000000e+00 : f32
      %broadcast_in_dim3A_124 = vector.broadcast %broadcast_in_dim3A_123 : f32 to vector<2x32xf32>
      %swap3A_125 = arith.constant 0 : index
      %swap3A_126 = arith.constant 0 : index
      %swap3A_127 = vector.load %arg14[%swap3A_125, %swap3A_126] : memref<2x32xf32, #tpu.memory_space<vmem>>, vector<2x32xf32>
      tpu.vector_store %arg14[%swap3A_125, %swap3A_126], %broadcast_in_dim3A_124 {strides = array<i32>} : memref<2x32xf32, #tpu.memory_space<vmem>>, vector<2x32xf32>,
      %broadcast_in_dim3A_128 = arith.constant 0.000000e+00 : f32
      %broadcast_in_dim3A_129 = vector.broadcast %broadcast_in_dim3A_128 : f32 to vector<2x64xf32>
      %swap3A_130 = arith.constant 0 : index
      %swap3A_131 = arith.constant 0 : index
      %swap3A_132 = vector.load %arg15[%swap3A_130, %swap3A_131] : memref<2x64xf32, #tpu.memory_space<vmem>>, vector<2x64xf32>
      tpu.vector_store %arg15[%swap3A_130, %swap3A_131], %broadcast_in_dim3A_129 {strides = array<i32>} : memref<2x64xf32, #tpu.memory_space<vmem>>, vector<2x64xf32>,
    } else {
    }
    %get3A = arith.constant 0 : index
    %get3A_4 = arith.constant 0 : index
    %get3A_5 = arith.constant 0 : index
    %get3A_6 = arith.constant 0 : index
    %get3A_7 = vector.load %arg2[%get3A, %get3A_4, %get3A_5, %get3A_6] : memref<1x128x16x16xf32, #tpu.memory_space<vmem>>, vector<1x128x16x16xf32>
    %get3A_8 = vector.shape_cast %get3A_7 : vector<1x128x16x16xf32> to vector<128x16x16xf32>
    %get3A_9 = arith.constant 0 : index
    %get3A_10 = arith.constant 0 : index
    %get3A_11 = vector.load %arg4[%get3A_9, %get3A_10] : memref<1x16xf32, #tpu.memory_space<vmem>>, vector<1x16xf32>
    %broadcast_in_dim3A = vector.shape_cast %get3A_11 : vector<1x16xf32> to vector<1x1x16xf32>
    %mul3A = vector.broadcast %broadcast_in_dim3A : vector<1x1x16xf32> to vector<128x16x16xf32>
    %mul3A_12 = arith.mulf %get3A_8, %mul3A : vector<128x16x16xf32>
    %get3A_13 = arith.constant 0 : index
    %get3A_14 = arith.constant 0 : index
    %get3A_15 = vector.load %arg5[%get3A_13, %get3A_14] : memref<1x16xf32, #tpu.memory_space<vmem>>, vector<1x16xf32>
    %broadcast_in_dim3A_16 = vector.shape_cast %get3A_15 : vector<1x16xf32> to vector<1x1x16xf32>
    %add3A = vector.broadcast %broadcast_in_dim3A_16 : vector<1x1x16xf32> to vector<128x16x16xf32>
    %add3A_17 = arith.addf %mul3A_12, %add3A : vector<128x16x16xf32>
    %max3A = arith.constant 0.000000e+00 : f32
    %max3A_18 = vector.broadcast %max3A : f32 to vector<128x16x16xf32>
    %max3A_19 = arith.maximumf %add3A_17, %max3A_18 : vector<128x16x16xf32>
    %get3A_20 = arith.constant 0 : index
    %get3A_21 = arith.constant 0 : index
    %get3A_22 = vector.load %arg8[%get3A_20, %get3A_21] : memref<16x32xf32, #tpu.memory_space<vmem>>, vector<16x32xf32>
    %reshape3A = vector.shape_cast %max3A_19 : vector<128x16x16xf32> to vector<2048x16xf32>
    %dot_general3A = arith.constant dense<0.000000e+00> : vector<2048x32xf32>
    %dot_general3A_23 = tpu.matmul %reshape3A, %get3A_22, %dot_general3A {dimension_numbers = #tpu.dot_dimension_numbers<[1], [0], [0], [1], [0, 0, 1, 1], [], []>, transpose_lhs_hint = false} : vector<2048x16xf32>, vector<16x32xf32>, vector<2048x32xf32> -> vector<2048x32xf32>
    %get3A_24 = arith.constant 0 : index
    %get3A_25 = arith.constant 0 : index
    %get3A_26 = vector.load %arg14[%get3A_24, %get3A_25] : memref<2x32xf32, #tpu.memory_space<vmem>>, vector<1x32xf32>
    %reduce_sum3A = arith.constant dense<0.000000e+00> : vector<32xf32>
    %reduce_sum3A_27 = vector.multi_reduction <add>, %dot_general3A_23, %reduce_sum3A [0] : vector<2048x32xf32> to vector<32xf32>
    %broadcast_in_dim3A_28 = vector.shape_cast %reduce_sum3A_27 : vector<32xf32> to vector<1x32xf32>
    %add3A_29 = arith.addf %get3A_26, %broadcast_in_dim3A_28 : vector<1x32xf32>
    %swap3A = arith.constant 0 : index
    %swap3A_30 = arith.constant 0 : index
    %swap3A_31 = vector.load %arg14[%swap3A, %swap3A_30] : memref<2x32xf32, #tpu.memory_space<vmem>>, vector<1x32xf32>
    tpu.vector_store %arg14[%swap3A, %swap3A_30], %add3A_29 {strides = array<i32>} : memref<2x32xf32, #tpu.memory_space<vmem>>, vector<1x32xf32>,
    %get3A_32 = arith.constant 1 : index
    %get3A_33 = arith.constant 0 : index
    %get3A_34 = vector.load %arg14[%get3A_32, %get3A_33] : memref<2x32xf32, #tpu.memory_space<vmem>>, vector<1x32xf32>
    %mul3A_35 = arith.mulf %dot_general3A_23, %dot_general3A_23 : vector<2048x32xf32>
    %reduce_sum3A_36 = arith.constant dense<0.000000e+00> : vector<32xf32>
    %reduce_sum3A_37 = vector.multi_reduction <add>, %mul3A_35, %reduce_sum3A_36 [0] : vector<2048x32xf32> to vector<32xf32>
    %broadcast_in_dim3A_38 = vector.shape_cast %reduce_sum3A_37 : vector<32xf32> to vector<1x32xf32>
    %add3A_39 = arith.addf %get3A_34, %broadcast_in_dim3A_38 : vector<1x32xf32>
    %swap3A_40 = arith.constant 1 : index
    %swap3A_41 = arith.constant 0 : index
    %swap3A_42 = vector.load %arg14[%swap3A_40, %swap3A_41] : memref<2x32xf32, #tpu.memory_space<vmem>>, vector<1x32xf32>
    tpu.vector_store %arg14[%swap3A_40, %swap3A_41], %add3A_39 {strides = array<i32>} : memref<2x32xf32, #tpu.memory_space<vmem>>, vector<1x32xf32>,
    %reshape3A_43 = vector.shape_cast %dot_general3A_23 : vector<2048x32xf32> to vector<128x16x32xf32>
    %reduce_max3A = arith.constant dense<0xFF800000> : vector<128x32xf32>
    %reduce_max3A_44 = vector.multi_reduction <maximumf>, %reshape3A_43, %reduce_max3A [1] : vector<128x16x32xf32> to vector<128x32xf32>
    %swap3A_45 = arith.constant 0 : index
    %swap3A_46 = arith.constant 0 : index
    %swap3A_47 = arith.constant 0 : index
    %swap3A_48 = vector.load %arg10[%swap3A_45, %swap3A_46, %swap3A_47] : memref<1x128x32xf32, #tpu.memory_space<vmem>>, vector<1x128x32xf32>
    %swap3A_49 = vector.shape_cast %swap3A_48 : vector<1x128x32xf32> to vector<128x32xf32>
    %swap3A_50 = vector.shape_cast %reduce_max3A_44 : vector<128x32xf32> to vector<1x128x32xf32>
    tpu.vector_store %arg10[%swap3A_45, %swap3A_46, %swap3A_47], %swap3A_50 {strides = array<i32>} : memref<1x128x32xf32, #tpu.memory_space<vmem>>, vector<1x128x32xf32>,
    %reduce_min3A = arith.constant dense<0x7F800000> : vector<128x32xf32>
    %reduce_min3A_51 = vector.multi_reduction <minimumf>, %reshape3A_43, %reduce_min3A [1] : vector<128x16x32xf32> to vector<128x32xf32>
    %swap3A_52 = arith.constant 0 : index
    %swap3A_53 = arith.constant 0 : index
    %swap3A_54 = arith.constant 0 : index
    %swap3A_55 = vector.load %arg11[%swap3A_52, %swap3A_53, %swap3A_54] : memref<1x128x32xf32, #tpu.memory_space<vmem>>, vector<1x128x32xf32>
    %swap3A_56 = vector.shape_cast %swap3A_55 : vector<1x128x32xf32> to vector<128x32xf32>
    %swap3A_57 = vector.shape_cast %reduce_min3A_51 : vector<128x32xf32> to vector<1x128x32xf32>
    tpu.vector_store %arg11[%swap3A_52, %swap3A_53, %swap3A_54], %swap3A_57 {strides = array<i32>} : memref<1x128x32xf32, #tpu.memory_space<vmem>>, vector<1x128x32xf32>,
    %get3A_58 = arith.constant 0 : index
    %get3A_59 = arith.constant 0 : index
    %get3A_60 = arith.constant 0 : index
    %get3A_61 = arith.constant 0 : index
    %get3A_62 = vector.load %arg3[%get3A_58, %get3A_59, %get3A_60, %get3A_61] : memref<1x128x32x32xf32, #tpu.memory_space<vmem>>, vector<1x128x32x32xf32>
    %get3A_63 = vector.shape_cast %get3A_62 : vector<1x128x32x32xf32> to vector<128x32x32xf32>
    %get3A_64 = arith.constant 0 : index
    %get3A_65 = arith.constant 0 : index
    %get3A_66 = vector.load %arg6[%get3A_64, %get3A_65] : memref<1x32xf32, #tpu.memory_space<vmem>>, vector<1x32xf32>
    %broadcast_in_dim3A_67 = vector.shape_cast %get3A_66 : vector<1x32xf32> to vector<1x1x32xf32>
    %mul3A_68 = vector.broadcast %broadcast_in_dim3A_67 : vector<1x1x32xf32> to vector<128x32x32xf32>
    %mul3A_69 = arith.mulf %get3A_63, %mul3A_68 : vector<128x32x32xf32>
    %get3A_70 = arith.constant 0 : index
    %get3A_71 = arith.constant 0 : index
    %get3A_72 = vector.load %arg7[%get3A_70, %get3A_71] : memref<1x32xf32, #tpu.memory_space<vmem>>, vector<1x32xf32>
    %broadcast_in_dim3A_73 = vector.shape_cast %get3A_72 : vector<1x32xf32> to vector<1x1x32xf32>
    %add3A_74 = vector.broadcast %broadcast_in_dim3A_73 : vector<1x1x32xf32> to vector<128x32x32xf32>
    %add3A_75 = arith.addf %mul3A_69, %add3A_74 : vector<128x32x32xf32>
    %max3A_76 = arith.constant 0.000000e+00 : f32
    %max3A_77 = vector.broadcast %max3A_76 : f32 to vector<128x32x32xf32>
    %max3A_78 = arith.maximumf %add3A_75, %max3A_77 : vector<128x32x32xf32>
    %get3A_79 = arith.constant 0 : index
    %get3A_80 = arith.constant 0 : index
    %get3A_81 = vector.load %arg9[%get3A_79, %get3A_80] : memref<32x64xf32, #tpu.memory_space<vmem>>, vector<32x64xf32>
    %reshape3A_82 = vector.shape_cast %max3A_78 : vector<128x32x32xf32> to vector<4096x32xf32>
    %dot_general3A_83 = arith.constant dense<0.000000e+00> : vector<4096x64xf32>
    %dot_general3A_84 = tpu.matmul %reshape3A_82, %get3A_81, %dot_general3A_83 {dimension_numbers = #tpu.dot_dimension_numbers<[1], [0], [0], [1], [0, 0, 1, 1], [], []>, transpose_lhs_hint = false} : vector<4096x32xf32>, vector<32x64xf32>, vector<4096x64xf32> -> vector<4096x64xf32>
    %get3A_85 = arith.constant 0 : index
    %get3A_86 = arith.constant 0 : index
    %get3A_87 = vector.load %arg15[%get3A_85, %get3A_86] : memref<2x64xf32, #tpu.memory_space<vmem>>, vector<1x64xf32>
    %reduce_sum3A_88 = arith.constant dense<0.000000e+00> : vector<64xf32>
    %reduce_sum3A_89 = vector.multi_reduction <add>, %dot_general3A_84, %reduce_sum3A_88 [0] : vector<4096x64xf32> to vector<64xf32>
    %broadcast_in_dim3A_90 = vector.shape_cast %reduce_sum3A_89 : vector<64xf32> to vector<1x64xf32>
    %add3A_91 = arith.addf %get3A_87, %broadcast_in_dim3A_90 : vector<1x64xf32>
    %swap3A_92 = arith.constant 0 : index
    %swap3A_93 = arith.constant 0 : index
    %swap3A_94 = vector.load %arg15[%swap3A_92, %swap3A_93] : memref<2x64xf32, #tpu.memory_space<vmem>>, vector<1x64xf32>
    tpu.vector_store %arg15[%swap3A_92, %swap3A_93], %add3A_91 {strides = array<i32>} : memref<2x64xf32, #tpu.memory_space<vmem>>, vector<1x64xf32>,
    %get3A_95 = arith.constant 1 : index
    %get3A_96 = arith.constant 0 : index
    %get3A_97 = vector.load %arg15[%get3A_95, %get3A_96] : memref<2x64xf32, #tpu.memory_space<vmem>>, vector<1x64xf32>
    %mul3A_98 = arith.mulf %dot_general3A_84, %dot_general3A_84 : vector<4096x64xf32>
    %reduce_sum3A_99 = arith.constant dense<0.000000e+00> : vector<64xf32>
    %reduce_sum3A_100 = vector.multi_reduction <add>, %mul3A_98, %reduce_sum3A_99 [0] : vector<4096x64xf32> to vector<64xf32>
    %broadcast_in_dim3A_101 = vector.shape_cast %reduce_sum3A_100 : vector<64xf32> to vector<1x64xf32>
    %add3A_102 = arith.addf %get3A_97, %broadcast_in_dim3A_101 : vector<1x64xf32>
    %swap3A_103 = arith.constant 1 : index
    %swap3A_104 = arith.constant 0 : index
    %swap3A_105 = vector.load %arg15[%swap3A_103, %swap3A_104] : memref<2x64xf32, #tpu.memory_space<vmem>>, vector<1x64xf32>
    tpu.vector_store %arg15[%swap3A_103, %swap3A_104], %add3A_102 {strides = array<i32>} : memref<2x64xf32, #tpu.memory_space<vmem>>, vector<1x64xf32>,
    %reshape3A_106 = vector.shape_cast %dot_general3A_84 : vector<4096x64xf32> to vector<128x32x64xf32>
    %reduce_max3A_107 = arith.constant dense<0xFF800000> : vector<128x64xf32>
    %reduce_max3A_108 = vector.multi_reduction <maximumf>, %reshape3A_106, %reduce_max3A_107 [1] : vector<128x32x64xf32> to vector<128x64xf32>
    %swap3A_109 = arith.constant 0 : index
    %swap3A_110 = arith.constant 0 : index
    %swap3A_111 = arith.constant 0 : index
    %swap3A_112 = vector.load %arg12[%swap3A_109, %swap3A_110, %swap3A_111] : memref<1x128x64xf32, #tpu.memory_space<vmem>>, vector<1x128x64xf32>
    %swap3A_113 = vector.shape_cast %swap3A_112 : vector<1x128x64xf32> to vector<128x64xf32>
    %swap3A_114 = vector.shape_cast %reduce_max3A_108 : vector<128x64xf32> to vector<1x128x64xf32>
    tpu.vector_store %arg12[%swap3A_109, %swap3A_110, %swap3A_111], %swap3A_114 {strides = array<i32>} : memref<1x128x64xf32, #tpu.memory_space<vmem>>, vector<1x128x64xf32>,
    %reduce_min3A_115 = arith.constant dense<0x7F800000> : vector<128x64xf32>
    %reduce_min3A_116 = vector.multi_reduction <minimumf>, %reshape3A_106, %reduce_min3A_115 [1] : vector<128x32x64xf32> to vector<128x64xf32>
    %swap3A_117 = arith.constant 0 : index
    %swap3A_118 = arith.constant 0 : index
    %swap3A_119 = arith.constant 0 : index
    %swap3A_120 = vector.load %arg13[%swap3A_117, %swap3A_118, %swap3A_119] : memref<1x128x64xf32, #tpu.memory_space<vmem>>, vector<1x128x64xf32>
    %swap3A_121 = vector.shape_cast %swap3A_120 : vector<1x128x64xf32> to vector<128x64xf32>
    %swap3A_122 = vector.shape_cast %reduce_min3A_116 : vector<128x64xf32> to vector<1x128x64xf32>
    tpu.vector_store %arg13[%swap3A_117, %swap3A_118, %swap3A_119], %swap3A_122 {strides = array<i32>} : memref<1x128x64xf32, #tpu.memory_space<vmem>>, vector<1x128x64xf32>,
    return
  }
  func.func @transform_0(%arg0: i32, %arg1: i32) -> (i32, i32, i32, i32) {
    %c0_i32 = arith.constant 0 : i32
    %c0_i32_0 = arith.constant 0 : i32
    %c0_i32_1 = arith.constant 0 : i32
    return %arg0, %arg1, %c0_i32, %c0_i32_0 : i32, i32, i32, i32
  }
  func.func @transform_1(%arg0: i32, %arg1: i32) -> (i32, i32, i32, i32) {
    %c0_i32 = arith.constant 0 : i32
    %c0_i32_0 = arith.constant 0 : i32
    %c0_i32_1 = arith.constant 0 : i32
    return %arg0, %arg1, %c0_i32, %c0_i32_0 : i32, i32, i32, i32
  }
  func.func @transform_2(%arg0: i32, %arg1: i32) -> (i32, i32) {
    %c0_i32 = arith.constant 0 : i32
    %c0_i32_0 = arith.constant 0 : i32
    %c0_i32_1 = arith.constant 0 : i32
    return %c0_i32, %c0_i32_0 : i32, i32
  }
  func.func @transform_3(%arg0: i32, %arg1: i32) -> (i32, i32) {
    %c0_i32 = arith.constant 0 : i32
    %c0_i32_0 = arith.constant 0 : i32
    %c0_i32_1 = arith.constant 0 : i32
    return %c0_i32, %c0_i32_0 : i32, i32
  }
  func.func @transform_4(%arg0: i32, %arg1: i32) -> (i32, i32) {
    %c0_i32 = arith.constant 0 : i32
    %c0_i32_0 = arith.constant 0 : i32
    %c0_i32_1 = arith.constant 0 : i32
    return %c0_i32, %c0_i32_0 : i32, i32
  }
  func.func @transform_5(%arg0: i32, %arg1: i32) -> (i32, i32) {
    %c0_i32 = arith.constant 0 : i32
    %c0_i32_0 = arith.constant 0 : i32
    %c0_i32_1 = arith.constant 0 : i32
    return %c0_i32, %c0_i32_0 : i32, i32
  }
  func.func @transform_6(%arg0: i32, %arg1: i32) -> (i32, i32) {
    %c0_i32 = arith.constant 0 : i32
    %c0_i32_0 = arith.constant 0 : i32
    %c0_i32_1 = arith.constant 0 : i32
    return %c0_i32, %c0_i32_0 : i32, i32
  }
  func.func @transform_7(%arg0: i32, %arg1: i32) -> (i32, i32) {
    %c0_i32 = arith.constant 0 : i32
    %c0_i32_0 = arith.constant 0 : i32
    %c0_i32_1 = arith.constant 0 : i32
    return %c0_i32, %c0_i32_0 : i32, i32
  }
  func.func @transform_8(%arg0: i32, %arg1: i32) -> (i32, i32, i32) {
    %c0_i32 = arith.constant 0 : i32
    %c0_i32_0 = arith.constant 0 : i32
    return %arg0, %arg1, %c0_i32 : i32, i32, i32
  }
  func.func @transform_9(%arg0: i32, %arg1: i32) -> (i32, i32, i32) {
    %c0_i32 = arith.constant 0 : i32
    %c0_i32_0 = arith.constant 0 : i32
    return %arg0, %arg1, %c0_i32 : i32, i32, i32
  }
  func.func @transform_10(%arg0: i32, %arg1: i32) -> (i32, i32, i32) {
    %c0_i32 = arith.constant 0 : i32
    %c0_i32_0 = arith.constant 0 : i32
    return %arg0, %arg1, %c0_i32 : i32, i32, i32
  }
  func.func @transform_11(%arg0: i32, %arg1: i32) -> (i32, i32, i32) {
    %c0_i32 = arith.constant 0 : i32
    %c0_i32_0 = arith.constant 0 : i32
    return %arg0, %arg1, %c0_i32 : i32, i32, i32
  }
  func.func @transform_12(%arg0: i32, %arg1: i32) -> (i32, i32) {
    %c0_i32 = arith.constant 0 : i32
    %c0_i32_0 = arith.constant 0 : i32
    %c0_i32_1 = arith.constant 0 : i32
    return %c0_i32, %c0_i32_0 : i32, i32
  }
  func.func @transform_13(%arg0: i32, %arg1: i32) -> (i32, i32) {
    %c0_i32 = arith.constant 0 : i32
    %c0_i32_0 = arith.constant 0 : i32
    %c0_i32_1 = arith.constant 0 : i32
    return %c0_i32, %c0_i32_0 : i32, i32
  }
}

module attributes {stable_mosaic.version = 14 : i64} {
  func.func @_k5_body(%arg0: i32, %arg1: memref<1x1024x32xf32, #tpu.memory_space<vmem>>, %arg2: memref<1x1024x32xf32, #tpu.memory_space<vmem>>, %arg3: memref<1x1024x64xf32, #tpu.memory_space<vmem>>, %arg4: memref<1x1024x64xf32, #tpu.memory_space<vmem>>, %arg5: memref<1x32xf32, #tpu.memory_space<vmem>>, %arg6: memref<1x32xf32, #tpu.memory_space<vmem>>, %arg7: memref<1x64xf32, #tpu.memory_space<vmem>>, %arg8: memref<1x64xf32, #tpu.memory_space<vmem>>, %arg9: memref<1x96x1024xf32, #tpu.memory_space<vmem>>) attributes {dimension_semantics = [#tpu.dimension_semantics<arbitrary>], iteration_bounds = array<i64: 8>, scalar_prefetch = 0 : i64, scratch_operands = 0 : i64, tpu.core_type = #tpu.core_type<tc>, window_params = [{transform_indices = @transform_0, window_bounds = array<i64: 1, 1024, 32>}, {transform_indices = @transform_1, window_bounds = array<i64: 1, 1024, 32>}, {transform_indices = @transform_2, window_bounds = array<i64: 1, 1024, 64>}, {transform_indices = @transform_3, window_bounds = array<i64: 1, 1024, 64>}, {pipeline_mode = #tpu.pipeline_mode<synchronous>, transform_indices = @transform_4, window_bounds = array<i64: 1, 32>}, {pipeline_mode = #tpu.pipeline_mode<synchronous>, transform_indices = @transform_5, window_bounds = array<i64: 1, 32>}, {pipeline_mode = #tpu.pipeline_mode<synchronous>, transform_indices = @transform_6, window_bounds = array<i64: 1, 64>}, {pipeline_mode = #tpu.pipeline_mode<synchronous>, transform_indices = @transform_7, window_bounds = array<i64: 1, 64>}, {transform_indices = @transform_8, window_bounds = array<i64: 1, 96, 1024>}]} {
    %get3A = arith.constant 0 : index
    %get3A_0 = arith.constant 0 : index
    %get3A_1 = vector.load %arg5[%get3A, %get3A_0] : memref<1x32xf32, #tpu.memory_space<vmem>>, vector<1x32xf32>
    %ge3A = arith.constant 0.000000e+00 : f32
    %ge3A_2 = vector.broadcast %ge3A : f32 to vector<1x32xf32>
    %ge3A_3 = arith.cmpf oge, %get3A_1, %ge3A_2 : vector<1x32xf32>
    %get3A_4 = arith.constant 0 : index
    %get3A_5 = arith.constant 0 : index
    %get3A_6 = arith.constant 0 : index
    %get3A_7 = vector.load %arg1[%get3A_4, %get3A_5, %get3A_6] : memref<1x1024x32xf32, #tpu.memory_space<vmem>>, vector<1x1024x32xf32>
    %get3A_8 = vector.shape_cast %get3A_7 : vector<1x1024x32xf32> to vector<1024x32xf32>
    %get3A_9 = arith.constant 0 : index
    %get3A_10 = arith.constant 0 : index
    %get3A_11 = arith.constant 0 : index
    %get3A_12 = vector.load %arg2[%get3A_9, %get3A_10, %get3A_11] : memref<1x1024x32xf32, #tpu.memory_space<vmem>>, vector<1x1024x32xf32>
    %get3A_13 = vector.shape_cast %get3A_12 : vector<1x1024x32xf32> to vector<1024x32xf32>
    %broadcast_in_dim3A = vector.shape_cast %ge3A_3 : vector<1x32xi1> to vector<1x32xi1>
    %broadcast_in_dim3A_14 = vector.broadcast %broadcast_in_dim3A : vector<1x32xi1> to vector<1024x32xi1>
    %select_n3A = arith.select %broadcast_in_dim3A_14, %get3A_8, %get3A_13 : vector<1024x32xi1>, vector<1024x32xf32>
    %mul3A = vector.broadcast %get3A_1 : vector<1x32xf32> to vector<1024x32xf32>
    %mul3A_15 = arith.mulf %select_n3A, %mul3A : vector<1024x32xf32>
    %get3A_16 = arith.constant 0 : index
    %get3A_17 = arith.constant 0 : index
    %get3A_18 = vector.load %arg6[%get3A_16, %get3A_17] : memref<1x32xf32, #tpu.memory_space<vmem>>, vector<1x32xf32>
    %add3A = vector.broadcast %get3A_18 : vector<1x32xf32> to vector<1024x32xf32>
    %add3A_19 = arith.addf %mul3A_15, %add3A : vector<1024x32xf32>
    %max3A = arith.constant 0.000000e+00 : f32
    %max3A_20 = vector.broadcast %max3A : f32 to vector<1024x32xf32>
    %max3A_21 = arith.maximumf %add3A_19, %max3A_20 : vector<1024x32xf32>
    %transpose3A = tpu.transpose %max3A_21, [1, 0] : vector<1024x32xf32> -> vector<32x1024xf32>
    %swap3A = arith.constant 0 : index
    %swap3A_22 = arith.constant 0 : index
    %swap3A_23 = arith.constant 0 : index
    %swap3A_24 = vector.load %arg9[%swap3A, %swap3A_22, %swap3A_23] : memref<1x96x1024xf32, #tpu.memory_space<vmem>>, vector<1x32x1024xf32>
    %swap3A_25 = vector.shape_cast %swap3A_24 : vector<1x32x1024xf32> to vector<32x1024xf32>
    %swap3A_26 = vector.shape_cast %transpose3A : vector<32x1024xf32> to vector<1x32x1024xf32>
    tpu.vector_store %arg9[%swap3A, %swap3A_22, %swap3A_23], %swap3A_26 {strides = array<i32>} : memref<1x96x1024xf32, #tpu.memory_space<vmem>>, vector<1x32x1024xf32>,
    %get3A_27 = arith.constant 0 : index
    %get3A_28 = arith.constant 0 : index
    %get3A_29 = vector.load %arg7[%get3A_27, %get3A_28] : memref<1x64xf32, #tpu.memory_space<vmem>>, vector<1x64xf32>
    %ge3A_30 = arith.constant 0.000000e+00 : f32
    %ge3A_31 = vector.broadcast %ge3A_30 : f32 to vector<1x64xf32>
    %ge3A_32 = arith.cmpf oge, %get3A_29, %ge3A_31 : vector<1x64xf32>
    %get3A_33 = arith.constant 0 : index
    %get3A_34 = arith.constant 0 : index
    %get3A_35 = arith.constant 0 : index
    %get3A_36 = vector.load %arg3[%get3A_33, %get3A_34, %get3A_35] : memref<1x1024x64xf32, #tpu.memory_space<vmem>>, vector<1x1024x64xf32>
    %get3A_37 = vector.shape_cast %get3A_36 : vector<1x1024x64xf32> to vector<1024x64xf32>
    %get3A_38 = arith.constant 0 : index
    %get3A_39 = arith.constant 0 : index
    %get3A_40 = arith.constant 0 : index
    %get3A_41 = vector.load %arg4[%get3A_38, %get3A_39, %get3A_40] : memref<1x1024x64xf32, #tpu.memory_space<vmem>>, vector<1x1024x64xf32>
    %get3A_42 = vector.shape_cast %get3A_41 : vector<1x1024x64xf32> to vector<1024x64xf32>
    %broadcast_in_dim3A_43 = vector.shape_cast %ge3A_32 : vector<1x64xi1> to vector<1x64xi1>
    %broadcast_in_dim3A_44 = vector.broadcast %broadcast_in_dim3A_43 : vector<1x64xi1> to vector<1024x64xi1>
    %select_n3A_45 = arith.select %broadcast_in_dim3A_44, %get3A_37, %get3A_42 : vector<1024x64xi1>, vector<1024x64xf32>
    %mul3A_46 = vector.broadcast %get3A_29 : vector<1x64xf32> to vector<1024x64xf32>
    %mul3A_47 = arith.mulf %select_n3A_45, %mul3A_46 : vector<1024x64xf32>
    %get3A_48 = arith.constant 0 : index
    %get3A_49 = arith.constant 0 : index
    %get3A_50 = vector.load %arg8[%get3A_48, %get3A_49] : memref<1x64xf32, #tpu.memory_space<vmem>>, vector<1x64xf32>
    %add3A_51 = vector.broadcast %get3A_50 : vector<1x64xf32> to vector<1024x64xf32>
    %add3A_52 = arith.addf %mul3A_47, %add3A_51 : vector<1024x64xf32>
    %max3A_53 = arith.constant 0.000000e+00 : f32
    %max3A_54 = vector.broadcast %max3A_53 : f32 to vector<1024x64xf32>
    %max3A_55 = arith.maximumf %add3A_52, %max3A_54 : vector<1024x64xf32>
    %transpose3A_56 = tpu.transpose %max3A_55, [1, 0] : vector<1024x64xf32> -> vector<64x1024xf32>
    %swap3A_57 = arith.constant 0 : index
    %swap3A_58 = arith.constant 32 : index
    %swap3A_59 = arith.constant 0 : index
    %swap3A_60 = vector.load %arg9[%swap3A_57, %swap3A_58, %swap3A_59] : memref<1x96x1024xf32, #tpu.memory_space<vmem>>, vector<1x64x1024xf32>
    %swap3A_61 = vector.shape_cast %swap3A_60 : vector<1x64x1024xf32> to vector<64x1024xf32>
    %swap3A_62 = vector.shape_cast %transpose3A_56 : vector<64x1024xf32> to vector<1x64x1024xf32>
    tpu.vector_store %arg9[%swap3A_57, %swap3A_58, %swap3A_59], %swap3A_62 {strides = array<i32>} : memref<1x96x1024xf32, #tpu.memory_space<vmem>>, vector<1x64x1024xf32>,
    return
  }
  func.func @transform_0(%arg0: i32) -> (i32, i32, i32) {
    %c0_i32 = arith.constant 0 : i32
    %c0_i32_0 = arith.constant 0 : i32
    %c0_i32_1 = arith.constant 0 : i32
    return %arg0, %c0_i32, %c0_i32_0 : i32, i32, i32
  }
  func.func @transform_1(%arg0: i32) -> (i32, i32, i32) {
    %c0_i32 = arith.constant 0 : i32
    %c0_i32_0 = arith.constant 0 : i32
    %c0_i32_1 = arith.constant 0 : i32
    return %arg0, %c0_i32, %c0_i32_0 : i32, i32, i32
  }
  func.func @transform_2(%arg0: i32) -> (i32, i32, i32) {
    %c0_i32 = arith.constant 0 : i32
    %c0_i32_0 = arith.constant 0 : i32
    %c0_i32_1 = arith.constant 0 : i32
    return %arg0, %c0_i32, %c0_i32_0 : i32, i32, i32
  }
  func.func @transform_3(%arg0: i32) -> (i32, i32, i32) {
    %c0_i32 = arith.constant 0 : i32
    %c0_i32_0 = arith.constant 0 : i32
    %c0_i32_1 = arith.constant 0 : i32
    return %arg0, %c0_i32, %c0_i32_0 : i32, i32, i32
  }
  func.func @transform_4(%arg0: i32) -> (i32, i32) {
    %c0_i32 = arith.constant 0 : i32
    %c0_i32_0 = arith.constant 0 : i32
    %c0_i32_1 = arith.constant 0 : i32
    return %c0_i32, %c0_i32_0 : i32, i32
  }
  func.func @transform_5(%arg0: i32) -> (i32, i32) {
    %c0_i32 = arith.constant 0 : i32
    %c0_i32_0 = arith.constant 0 : i32
    %c0_i32_1 = arith.constant 0 : i32
    return %c0_i32, %c0_i32_0 : i32, i32
  }
  func.func @transform_6(%arg0: i32) -> (i32, i32) {
    %c0_i32 = arith.constant 0 : i32
    %c0_i32_0 = arith.constant 0 : i32
    %c0_i32_1 = arith.constant 0 : i32
    return %c0_i32, %c0_i32_0 : i32, i32
  }
  func.func @transform_7(%arg0: i32) -> (i32, i32) {
    %c0_i32 = arith.constant 0 : i32
    %c0_i32_0 = arith.constant 0 : i32
    %c0_i32_1 = arith.constant 0 : i32
    return %c0_i32, %c0_i32_0 : i32, i32
  }
  func.func @transform_8(%arg0: i32) -> (i32, i32, i32) {
    %c0_i32 = arith.constant 0 : i32
    %c0_i32_0 = arith.constant 0 : i32
    %c0_i32_1 = arith.constant 0 : i32
    return %arg0, %c0_i32, %c0_i32_0 : i32, i32, i32
  }
}

</mosaic_0001>

<sc_bundles>
// kernel: gather_offload_async_start
scs
__scs_entry_jumppad:
0x0: {  	(pc) =	sbr.rel $0x88, $3  }
0x1: {  	(tag) =	ssettag $0x0;
	lr =	simm.s32 $0x1  }
0x2: {  	[smem:$0x3F92] =	sst lr;
	_ =	strace $0xD0000000  }
0x3: {  	_ = 	snop  }
0x4: {  	_ = 	snop  }
0x5: {  	_ = 	snop  }
0x6: {  	_ = 	snop  }
0x7: {  	_ = 	snop  }
__scs_overlays_trampoline_lowered:
0x8: {  	[smem:$0x3FA1] =	sst s0  }
0x9: {  	[smem:$0x3FA2] =	sst s1  }
0xa: {  	[smem:$0x3FA3] =	sst s2  }
0xb: {  	[smem:$0x3FA4] =	sst s3  }
0xc: {  	[smem:$0x3FA5] =	sst s4  }
0xd: {  	[smem:$0x3FA6] =	sst s5  }
0xe: {  	[smem:$0x3FA7] =	sst s6  }
0xf: {  	[smem:$0x3FA8] =	sst s7  }
0x10: {  	[smem:$0x3FA9] =	sst s8  }
0x11: {  	[smem:$0x3FAA] =	sst s9;
	s0 =	simm.s32 @!p0 $0x0  }
0x12: {  	s1 =	sld [smem:$0x3F90];
	s0 =	simm.s32 @p0 $0x1  }
0x13: {  	[smem:$0x3FAB] =	sst s0;
	s0 =	simm.s32 @!p1 $0x0  }
0x14: {  	s2 =	sld [smem:$0x3F8F];
	s0 =	simm.s32 @p1 $0x1  }
0x15: {  	[smem:$0x3FAC] =	sst s0;
	s0 =	simm.s32 @!p2 $0x0  }
0x16: {  	s3 =	sld [smem:$0x3FDB];
	s0 =	simm.s32 @p2 $0x1  }
0x17: {  	s4 =	simm.s32 $0x1BF5;
	[smem:$0x3FAE] =	sst s0  }
0x18: {  	s0 =	sld [smem:$0x3F91];
	_ =	swait.ge [sflag:s4], $0x0  }
0x19: {  	s7 =	sld [smem:$0x3F92]  }
0x1a: {  	s8 =	sadd.s32 $0xFFFFE003, lr  }
0x1b: {  	s9 =	sadd.s32 $0xFFFFFEF7, lr;
	s5 =	simm.s32 $0xFFFFFFFF;
	p2 =	slt.u32 s8, $0xFFFFF086  }
0x1c: {  	p1 =	slt.u32 s9, $0xF7A;
	s5 =	simm.s32 @!p2 $0x0  }
0x1d: {  	s5 =	simm.s32 @p1 $0x1;
	p0 =	seq.s32 s7, s2  }
0x1e: {  	s7 =	smul.u32 @!p0 $0xF7A, s2;
	p2 =	seq.s32 @!p0 s5, $0x0  }
0x1f: {  	s9 =	smul.u32 $0xF7A, s1;
	s8 =	simm.s32 @!p0 $0x1BF5;
	p2 =	por !p2, p0  }
0x20: {  	[sflag:s8] =	ssyncset.s32 @!p0 $0xFFFFF086;
	s6 =	sadd.s32 @!p0 s3, s7;
	s7 =	simm.s32 @!p0 $0x108  }
0x21: {  	s3 =	sadd.s32 s3, s9;
	s6 =	sadd.s32 @!p0 $0x88, s6;
	s7 =	simm.s32 @p2 $0x1082  }
0x22: {  	[simem:s7], [sflag:s8] =	dma.local @!p0 [hbm:s6], $0xF7A  }
0x23: {  	s9 =	sor.u32 $0xD0000000, s2;
	s6 =	simm.s32 $0x108;
	_ =	swait.ge @!p0 [sflag:s8], $0x0  }
0x24: {  	s3 =	sadd.s32 $0x88, s3;
	s6 =	simm.s32 @!p1 $0x1082;
	[sflag:s4] =	ssyncset.s32 $0xFFFFF086  }
0x25: {  	[simem:s6], [sflag:s4] =	dma.local [hbm:s3], $0xF7A  }
0x26: {  	[smem:$0x3F92] =	sst s1;
	(tag) =	ssettag s2;
	_ =	strace s9  }
0x27: {  	s1 =	sld [smem:$0x3FA2]  }
0x28: {  	s2 =	sld [smem:$0x3FA3]  }
0x29: {  	s4 =	sld [smem:$0x3FA5]  }
0x2a: {  	p0 =	seq.s32 s5, $0x0;
	s5 =	sld [smem:$0x3FA6]  }
0x2b: {  	s6 =	sld [smem:$0x3FA7]  }
0x2c: {  	s7 =	sld [smem:$0x3FA8]  }
0x2d: {  	s3 =	simm.s32 $0x108;
	s8 =	sld [smem:$0x3FA9]  }
0x2e: {  	s3 =	simm.s32 @!p0 $0x1082;
	s9 =	sld [smem:$0x3FAA]  }
0x2f: {  	lr =	sadd.s32 s0, s3;
	s0 =	sld [smem:$0x3FA1]  }
0x30: {  	s3 =	sld [smem:$0x3FA4]  }
0x31: {  	[smem:$0x3FAD] =	sst s10  }
0x32: {  	s10 =	sld [smem:$0x3FAB];
	_ =	sdelay $0x3  }
0x33: {  	p0 =	seq.s32 s10, $0x1;
	s10 =	sld [smem:$0x3FAD];
	_ =	sdelay $0x3  }
0x34: {  	[smem:$0x3FAD] =	sst s10  }
0x35: {  	s10 =	sld [smem:$0x3FAC];
	_ =	sdelay $0x3  }
0x36: {  	p1 =	seq.s32 s10, $0x1;
	s10 =	sld [smem:$0x3FAD];
	_ =	sdelay $0x3  }
0x37: {  	[smem:$0x3FAD] =	sst s10  }
0x38: {  	s10 =	sld [smem:$0x3FAE]  }
0x39: {  	_ = 	snop;
	(pc) =	sbr.ind lr, $3  }
0x3a: {  	_ = 	snop  }
0x3b: {  	_ = 	snop  }
0x3c: {  	p2 =	seq.s32 s10, $0x1;
	s10 =	sld [smem:$0x3FAD]  }
0x3d: {  	_ =	shalt  }
0x3e: {  	_ =	shalt  }
0x3f: {  	_ =	shalt  }
0x40: {  	_ =	shalt  }
0x41: {  	_ =	shalt  }
0x42: {  	_ =	shalt  }
0x43: {  	_ =	shalt  }
0x44: {  	_ =	shalt  }
0x45: {  	_ =	shalt  }
0x46: {  	_ =	shalt  }
0x47: {  	_ =	shalt  }
0x48: {  	_ =	shalt  }
0x49: {  	_ =	shalt  }
0x4a: {  	_ =	shalt  }
0x4b: {  	_ =	shalt  }
0x4c: {  	_ =	shalt  }
0x4d: {  	_ =	shalt  }
0x4e: {  	_ =	shalt  }
0x4f: {  	_ =	shalt  }
0x50: {  	_ =	shalt  }
0x51: {  	_ =	shalt  }
0x52: {  	_ =	shalt  }
0x53: {  	_ =	shalt  }
0x54: {  	_ =	shalt  }
0x55: {  	_ =	shalt  }
0x56: {  	_ =	shalt  }
0x57: {  	_ =	shalt  }
0x58: {  	_ =	shalt  }
0x59: {  	_ =	shalt  }
0x5a: {  	_ =	shalt  }
0x5b: {  	_ =	shalt  }
0x5c: {  	_ =	shalt  }
0x5d: {  	_ =	shalt  }
0x5e: {  	_ =	shalt  }
0x5f: {  	_ =	shalt  }
0x60: {  	_ =	shalt  }
0x61: {  	_ =	shalt  }
0x62: {  	_ =	shalt  }
0x63: {  	_ =	shalt  }
0x64: {  	_ =	shalt  }
0x65: {  	_ =	shalt  }
0x66: {  	_ =	shalt  }
0x67: {  	_ =	shalt  }
0x68: {  	_ =	shalt  }
0x69: {  	_ =	shalt  }
0x6a: {  	_ =	shalt  }
0x6b: {  	_ =	shalt  }
0x6c: {  	_ =	shalt  }
0x6d: {  	_ =	shalt  }
0x6e: {  	_ =	shalt  }
0x6f: {  	_ =	shalt  }
0x70: {  	_ =	shalt  }
0x71: {  	_ =	shalt  }
0x72: {  	_ =	shalt  }
0x73: {  	_ =	shalt  }
0x74: {  	_ =	shalt  }
0x75: {  	_ =	shalt  }
0x76: {  	_ =	shalt  }
0x77: {  	_ =	shalt  }
0x78: {  	_ =	shalt  }
0x79: {  	_ =	shalt  }
0x7a: {  	_ =	shalt  }
0x7b: {  	_ =	shalt  }
0x7c: {  	_ =	shalt  }
0x7d: {  	_ =	shalt  }
0x7e: {  	_ =	shalt  }
0x7f: {  	_ =	shalt  }
0x80: {  	_ =	shalt  }
0x81: {  	_ =	shalt  }
0x82: {  	_ =	shalt  }
0x83: {  	_ =	shalt  }
0x84: {  	_ =	shalt  }
0x85: {  	_ =	shalt  }
0x86: {  	_ =	shalt  }
0x87: {  	_ =	shalt  }
.Lfunc_end0:
.L_simem_size_0:
called_computation.3_lowered:
.L_overlay_start_0:
0x88: {  	s2 =	sld [smem:$0x3FD9]  }
0x89: {  	s3 =	sld [smem:$0x3FFE];
	_ =	sdelay $0x1  }
0x8a: {  	s1 =	srdreg.scid  }
0x8b: {  	s0 =	sand.u32 $0x1, s1  }
0x8c: {  	s14 =	sshll.u32 s0, $0xA;
	s2 =	sadd.s32 s3, s2  }
0x8d: {  	s2 =	sadd.s32 s2, s14  }
0x8e: {  	[smem:$0x3FB9] =	sst s2  }
0x8f: {  	_ = 	snop  }
0x90: {  	s2 =	sld [smem:$0x3FD0];
	_ =	sdelay $0x2  }
0x91: {  	s15 =	simm.s32 $0xA;
	s4 =	simm.s32 $0x10  }
0x92: {  	[smem:s4], [sflag:s15] =	dma.local [hbm:s2], $0x1  }
0x93: {  	_ =	swait.eq [sflag:s15], $0x1  }
0x94: {  	[sflag:s15] =	ssyncset.done $0x0  }
0x95: {  	[sflag:s15] =	ssyncadd.s32 $0xFFFFFFFF  }
0x96: {  	s16 =	sld [smem:$0x12];
	(tm) =	ssettm $0x1  }
0x97: {  	s17 =	sld [smem:$0x3FFB];
	_ =	sdelay $0x3  }
0x98: {  	_ =	strace s17  }
0x99: {  	s3 =	sld [smem:$0x3FFC];
	_ =	sdelay $0x3  }
0x9a: {  	_ =	strace s3  }
0x9b: {  	s3 =	sld [smem:$0x3FFD];
	_ =	sdelay $0x3  }
0x9c: {  	_ =	strace s3  }
0x9d: {  	_ =	strace $0x8FFFFFFF  }
0x9e: {  	s18 =	sld [smem:$0x3FDB];
	_ =	sdelay $0x1  }
0x9f: {  	s19 =	simm.s32 $_scs_section_size  }
0xa0: {  	s5 =	simm.s32 $_size__tile_overlayer_lowered;
	s6 =	simm.s32 $_tile_overlayer_lowered  }
0xa1: {  	s22 =	simm.s32 $0x1BFF;
	s21 =	sshll.u32 s6, $0x1;
	s3 =	sadd.s32 s19, s18  }
0xa2: {  	s7 =	simm.s32 $0x0;
	s20 =	sshll.u32 s5, $0x1;
	s5 =	sadd.s32 s21, s3  }
0xa3: {  	[timem:s7], [sflag:s22] =	dma.local [hbm:s5], s20  }
0xa4: {  	_ =	swait.ge [sflag:s22], s20  }
0xa5: {  	s4 =	ssub.s32 $0x0, s20;
	[sflag:s22] =	ssyncset.done $0x0  }
0xa6: {  	[sflag:s22] =	ssyncadd.s32 s4;
	_ =	sdelay $0x1  }
0xa7: {  	s23 =	simm.s32 $0x1B8B  }
0xa8: {  	_ =	swait.ge [sflag:s23], $0x1  }
0xa9: {  	[sflag:s23] =	ssyncset.done $0x0  }
0xaa: {  	s25 =	simm.s32 $0x1B8E;
	s24 =	sld [smem:$0x3FFE];
	[sflag:s23] =	ssyncadd.s32 $0xFFFFFFFF  }
0xab: {  	s26 =	simm.s32 $execute0_lowered;
	[smem:$0x3FD2] =	sst s25  }
0xac: {  	s5 =	sshll.u32 s26, $0x1;
	_ =	strace $0x80000046;
	[dreg:$0x1] =	wrdreg $0xFFFFFFFF  }
0xad: {  	s28 =	simm.s32 $_size_execute0_lowered;
	s3 =	sadd.s32 s3, s5;
	[dreg:$0x0] =	wrdreg $0x0  }
0xae: {  	s5 =	sshll.u32 s28, $0x1;
	[dreg:$0x2] =	wrdreg s3  }
0xaf: {  	[dreg:$0x3] =	wrdreg s5  }
0xb0: {  	[dreg:$0x4] =	wrdreg $0xC0  }
0xb1: {  	_ =	task [dreg:s7], $0x5FFFF  }
0xb2: {  	[dreg:$0x1] =	wrdreg $0xFFFFFFFF  }
0xb3: {  	[dreg:$0x0] =	wrdreg $0x60  }
0xb4: {  	[dreg:$0x2] =	wrdreg s24  }
0xb5: {  	[dreg:$0x3] =	wrdreg s16  }
0xb6: {  	[dreg:$0x4] =	wrdreg $0x9  }
0xb7: {  	_ =	task.clear_ibuf [dreg:s7], $0x5FFFF;
	_ =	strace $0x90000046  }
0xb8: {  	s29 =	simm.s32 $0x9;
	_ =	strace $0x80000048  }
0xb9: {  	_ =	swait.ge [sflag:s29], $0x1  }
0xba: {  	[sflag:s29] =	ssyncadd.s32 $0xFFFFFFFF  }
0xbb: {  	_ =	strace $0x90000048  }
0xbc: {  	_ =	sfence  }
0xbd: {  	s30 =	sld [smem:$0x0];
	_ =	sdelay $0x2  }
0xbe: {  	s31 =	sshll.u32 s1, $0xD;
	s1 =	sshrl.u32 s1, $0x2  }
0xbf: {  	s3 =	sand.u32 $0x4000, s31;
	s1 =	sadd.s32 s1, s30  }
0xc0: {  	s0 =	sor.u32 s3, s0;
	s1 =	sshll.u32 s1, $0x11  }
0xc1: {  	s0 =	sor.u32 s1, s0  }
0xc2: {  	s0 =	sadd.s32 $0x8F2B, s0  }
0xc3: {  	[sflag:s0] =	ssyncadd.remote.s32 $0x1  }
0xc4: {  	_ =	sfence.sel $0xFFFF  }
0xc5: {  	[dreg:$0x0] =	wrdreg $0xFFFFFFFF;
	(pc) =	sbr.abs _section_cstart, $3  }
0xc6: {  	[dreg:$0x1] =	wrdreg $0xFFFFFFFF  }
0xc7: {  	_ =	task.clear_ibuf [dreg:s7], $0x2FFFF;
	_ =	strace $0x9FFFFFFF  }
0xc8: {  	(tm) =	ssettm $0x7FFFFFFF  }
0xc9: {  	_ =	shalt  }
tec
execute0_lowered:
.L_overlay_start_1:
0x0: {  	(tag) =	ssettag $0x1  }
0x1: {  	s7 =	rddreg [dreg:$0x0]  }
0x2: {  	s2 =	rddreg [dreg:$0x1]  }
0x3: {  	s0 =	rddreg [dreg:$0x2]  }
0x4: {  	s1 =	srdreg.scid;
	_ =	strace $0x80000047;
	s4 =	simm.s32 $0x1  }
0x5: {  	s9 =	simm.s32 $0x3;
	s11 =	simm.s32 $0x0;
	s5 =	sshll.u32 s1, $0x4  }
.Ltmp0:
0x6: {  	s1 =	stileid.u32;
	s5 =	sand.u32 $0x10, s5;
	(pc) =	sbr.rel .LBB2_1-.Ltmp0, $4  }
0x7: {  	p0 =	por $0x0, $0x0;
	s3 =	sadd.s32 $0x85C00, s7;
	s6 =	sor.u32 s1, s5  }
0x8: {  	[sflag:s4] =	ssyncpa.u1 $0x0;
	s5 =	simm.s32 $0x2;
	s6 =	sshll.u32 s6, $0x7  }
0x9: {  	s7 =	sadd.s32 $0xC5E00, s7;
	[sflag:s5] =	ssyncpa.u1 $0x0;
	s8 =	sadd.s32 $0x80, s6  }
0xa: {  	vm0 =	vmmov $0xffff;
	[sflag:s9] =	ssyncpa.u1 $0x0;
	s10 =	smov.u32 s6;
	s9 =	simm.s32 $0x0  }
.LBB2_7:
0xb: {  	p1 =	slt.u32 s9, $0x2;
	s11 =	sadd.s32 $0x40, s10  }
0xc: {  	s13 =	smov.u32 s6;
	s9 =	sadd.s32 $0x1, s9;
	p2 =	slt.s32 s11, s8  }
0xd: {  	s13 =	smov.u32 @p2 s11;
	p2 =	sne.s32 s9, $0x4  }
.Ltmp1:
0xe: {  	_ = 	snop;
	(pc) =	sbr.rel @!p2 .LBB2_8-.Ltmp1, $4  }
0xf: {  	s12 =	simm.s32 @!p1 $0x3  }
0x10: {  	_ =	swait.ge @!p1 [sflag:s12], $0x8000  }
0x11: {  	p0 =	por !p0, !p0;
	[sflag:s12] =	ssyncset.done @!p1 $0x0  }
0x12: {  	s11 =	smov.u32 s10;
	s10 =	smov.u32 s13;
	[sflag:s12] =	ssyncadd.s32 @!p1 $0xFFFF8000  }
.LBB2_1:
0x13: {  	p1 =	sgt.u32 s9, $0x1  }
0x14: {  	s12 =	sshll.u32 @!p1 s9, $0x6;
	s13 =	sshrl.u32 @!p1 s10, $0x3  }
0x15: {  	s14 =	sand.u32 @!p1 $0x7, s10;
	s12 =	sxor.u32 @!p1 $0x40, s12;
	s13 =	sadd.s32 @!p1 s2, s13  }
0x16: {  	[tilespmem:s12], [sflag:$0x2] =	stream.linear.gather @!p1 [hbm4b:s13+s14], $0x40, $0x38;
	[tilespmem:$0x10080] =	vst v63  }
0x17: {  	p1 =	seq.s32 s9, $0x0  }
0x18: {  	p2 =	seq.s32 @!p1 s9, $0x3  }
0x19: {  	p1 =	por p1, p2  }
.Ltmp2:
0x1a: {  	_ = 	snop;
	(pc) =	sbr.rel @p1 .LBB2_7-.Ltmp2, $1  }
0x1b: {  	_ =	sdelay $0x3  }
0x1c: {  	s12 =	simm.s32 $0x1  }
0x1d: {  	_ =	swait.ge [sflag:s5], $0x40;
	s12 =	simm.s32 @!p0 $0x0  }
0x1e: {  	[sflag:s5] =	ssyncset.done $0x0;
	s13 =	sshll.u32 s12, $0x6  }
0x1f: {  	[sflag:s5] =	ssyncadd.s32 $0xFFFFFFC0;
	s14 =	sadd.s32 $0x0, s13  }
0x20: {  	v0 =	vld.msk [tilespmem:s14+$0x0 ss:$0x1], $0xffff;
	_ =	sdelay $0x4  }
0x21: {  	vm1 =	vgt.s32 v0, $0x0  }
0x22: {  	v0 =	vnsel vm1, $0x0, v0  }
0x23: {  	v0 =	vmin.u32 v0, $0xFFF  }
0x24: {  	v0 =	vshll.u32 v0, $0x6;
	_ =	sdelay $0x2  }
0x25: {  	s12 =	sshll.u32 s12, $0xF  }
0x26: {  	s12 =	sor.u32 $0x80, s12;
	s31 =	sadd.s32 $0x10, s13  }
0x27: {  	[tilespmem:s12], [sflag:$0x1] =	stream.indirect_vreg.gather [hbm:s3], $0x200, v0, vm0, $0x38;
	[tilespmem:$0x10080] =	vst v63  }
0x28: {  	s15 =	simm.s32 $0x80;
	s14 =	smov.u32 s12;
	v0 =	vld.msk [tilespmem:s31+$0x0 ss:$0x1], $0xffff  }
.LBB2_3:
0x29: {  	p1 =	sne.s32 s15, $0xC0;
	_ =	sdelay $0x4  }
0x2a: {  	vm1 =	vgt.s32 v0, $0x0  }
0x2b: {  	v0 =	vnsel vm1, $0x0, v0  }
0x2c: {  	v0 =	vmin.u32 v0, $0xFFF  }
0x2d: {  	v0 =	vshll.u32 v0, $0x6;
	_ =	sdelay $0x1  }
.Ltmp3:
0x2e: {  	(pc) =	sbr.rel @p1 .LBB2_3-.Ltmp3, $4  }
0x2f: {  	s16 =	sshra.s32 s15, $0x2  }
0x30: {  	s14 =	sadd.s32 $0x2000, s14;
	s16 =	sadd.s32 s16, s13  }
0x31: {  	[tilespmem:s14], [sflag:$0x1] =	stream.indirect_vreg.gather [hbm:s3], $0x200, v0, vm0, $0x38;
	[tilespmem:$0x10080] =	vst v63  }
0x32: {  	s15 =	sadd.s32 $0x40, s15;
	v0 =	vld.msk [tilespmem:s16+$0x0 ss:$0x1], $0xffff  }
0x33: {  	_ =	sdelay $0x3  }
0x34: {  	vm1 =	vgt.s32 v0, $0x0  }
0x35: {  	v0 =	vnsel vm1, $0x0, v0  }
0x36: {  	v0 =	vmin.u32 v0, $0xFFF  }
0x37: {  	v0 =	vshll.u32 v0, $0x6;
	_ =	sdelay $0x3  }
0x38: {  	s13 =	sadd.s32 $0x2000, s14  }
0x39: {  	[tilespmem:s13], [sflag:$0x1] =	stream.indirect_vreg.gather [hbm:s3], $0x200, v0, vm0, $0x38;
	[tilespmem:$0x10080] =	vst v63  }
0x3a: {  	s11 =	sshll.u32 s11, $0x6;
	_ =	swait.ge [sflag:s4], $0x8000  }
0x3b: {  	s14 =	sadd.s32 $0x200, s12;
	s11 =	sadd.s32 s11, s7;
	[sflag:s4] =	ssyncset.done $0x0  }
0x3c: {  	s15 =	sadd.s32 $0x0, s11;
	s13 =	simm.s32 $0x40;
	[sflag:s4] =	ssyncadd.s32 $0xFFFF8000  }
.LBB2_5:
0x3d: {  	[hbm:s15] =	stream.linear.scatter [tilespmem:s12], [sflag:$0x3], $0x200, $0x38;
	[tilespmem:$0x10080] =	vst v63  }
0x3e: {  	s15 =	smov.u32 s13;
	s12 =	smov.u32 s14;
	p1 =	sne.s32 s13, $0xFC0  }
.Ltmp4:
0x3f: {  	s13 =	sadd.s32 $0x40, s13;
	(pc) =	sbr.rel @p1 .LBB2_5-.Ltmp4, $2  }
0x40: {  	_ =	sdelay $0x2  }
0x41: {  	s14 =	sadd.s32 $0x200, s14;
	s15 =	sadd.s32 s15, s11  }
.Ltmp5:
0x42: {  	(pc) =	sbr.rel .LBB2_7-.Ltmp5, $2  }
0x43: {  	_ =	sdelay $0x2  }
0x44: {  	[hbm:s15] =	stream.linear.scatter [tilespmem:s12], [sflag:$0x3], $0x200, $0x38;
	[tilespmem:$0x10080] =	vst v63  }
.LBB2_8:
0x45: {  	_ =	sfence.sel $0x180000  }
0x46: {  	s2 =	simm.s32 $0x2;
	[bflag:$0x0] =	sbarrier.arrive $0xFFFF  }
0x47: {  	s30 =	simm.s32 $0x3;
	[sflag:s2] =	ssyncpa.u1 $0x1  }
0x48: {  	s31 =	simm.s32 $0x1;
	[sflag:s30] =	ssyncpa.u1 $0x1  }
0x49: {  	[sflag:s31] =	ssyncpa.u1 $0x1  }
0x4a: {  	p0 =	sne.s32 s1, $0x0;
	_ =	strace $0x90000047  }
0x4b: {  	s0 =	sadd.s32 @!p0 $0x100000, s0;
	[bflag:$0x2] =	sbarrier.arrive $0xFFFF  }
0x4c: {  	[sflag:s0] =	ssyncadd.tile.s32 @!p0 $0x1;
	_ =	shalt  }
.Lfunc_end2:
_tile_overlayer_lowered:
.L_overlay_start_2:
0x4d: {  	(tag) =	ssettag $0x2  }
0x4e: {  	s0 =	rddreg [dreg:$0x0];
	s2 =	stileid.u32  }
0x4f: {  	s1 =	rddreg [dreg:$0x1];
	p0 =	sne.s32 s2, $0x0  }
0x50: {  	s3 =	rddreg [dreg:$0x2];
	[bflag:$0x3] =	sbarrier.arrive $0xFFFF;
	s2 =	simm.s32 @!p0 $0x1C01  }
0x51: {  	[timem:s3], [sflag:s2] =	dma.local @!p0 [hbm:s0], s1  }
0x52: {  	s0 =	simm.s32 @!p0 $0x1  }
0x53: {  	_ =	swait.ge @!p0 [sflag:s0], s1  }
0x54: {  	s1 =	ssub.s32 @!p0 $0x0, s1;
	[sflag:s0] =	ssyncset.done @!p0 $0x0  }
0x55: {  	[sflag:s0] =	ssyncadd.s32 @!p0 s1  }
0x56: {  	[bflag:$0x3] =	sbarrier.arrive $0xFFFF  }
0x57: {  	_ =	shalt  }

// kernel: kernel.7.cloned.1.call-start
scs
__scs_entry_jumppad:
0x0: {  	(pc) =	sbr.rel $0x88, $3  }
0x1: {  	(tag) =	ssettag $0x0;
	lr =	simm.s32 $0x1  }
0x2: {  	[smem:$0x3F92] =	sst lr;
	_ =	strace $0xD0000000  }
0x3: {  	_ = 	snop  }
0x4: {  	_ = 	snop  }
0x5: {  	_ = 	snop  }
0x6: {  	_ = 	snop  }
0x7: {  	_ = 	snop  }
__scs_overlays_trampoline_lowered:
0x8: {  	[smem:$0x3FA1] =	sst s0  }
0x9: {  	[smem:$0x3FA2] =	sst s1  }
0xa: {  	[smem:$0x3FA3] =	sst s2  }
0xb: {  	[smem:$0x3FA4] =	sst s3  }
0xc: {  	[smem:$0x3FA5] =	sst s4  }
0xd: {  	[smem:$0x3FA6] =	sst s5  }
0xe: {  	[smem:$0x3FA7] =	sst s6  }
0xf: {  	[smem:$0x3FA8] =	sst s7  }
0x10: {  	[smem:$0x3FA9] =	sst s8  }
0x11: {  	[smem:$0x3FAA] =	sst s9;
	s0 =	simm.s32 @!p0 $0x0  }
0x12: {  	s1 =	sld [smem:$0x3F90];
	s0 =	simm.s32 @p0 $0x1  }
0x13: {  	[smem:$0x3FAB] =	sst s0;
	s0 =	simm.s32 @!p1 $0x0  }
0x14: {  	s2 =	sld [smem:$0x3F8F];
	s0 =	simm.s32 @p1 $0x1  }
0x15: {  	[smem:$0x3FAC] =	sst s0;
	s0 =	simm.s32 @!p2 $0x0  }
0x16: {  	s3 =	sld [smem:$0x3FDB];
	s0 =	simm.s32 @p2 $0x1  }
0x17: {  	s4 =	simm.s32 $0x1BF5;
	[smem:$0x3FAE] =	sst s0  }
0x18: {  	s0 =	sld [smem:$0x3F91];
	_ =	swait.ge [sflag:s4], $0x0  }
0x19: {  	s7 =	sld [smem:$0x3F92]  }
0x1a: {  	s8 =	sadd.s32 $0xFFFFE003, lr  }
0x1b: {  	s9 =	sadd.s32 $0xFFFFFEF7, lr;
	s5 =	simm.s32 $0xFFFFFFFF;
	p2 =	slt.u32 s8, $0xFFFFF086  }
0x1c: {  	p1 =	slt.u32 s9, $0xF7A;
	s5 =	simm.s32 @!p2 $0x0  }
0x1d: {  	s5 =	simm.s32 @p1 $0x1;
	p0 =	seq.s32 s7, s2  }
0x1e: {  	s7 =	smul.u32 @!p0 $0xF7A, s2;
	p2 =	seq.s32 @!p0 s5, $0x0  }
0x1f: {  	s9 =	smul.u32 $0xF7A, s1;
	s8 =	simm.s32 @!p0 $0x1BF5;
	p2 =	por !p2, p0  }
0x20: {  	[sflag:s8] =	ssyncset.s32 @!p0 $0xFFFFF086;
	s6 =	sadd.s32 @!p0 s3, s7;
	s7 =	simm.s32 @!p0 $0x108  }
0x21: {  	s3 =	sadd.s32 s3, s9;
	s6 =	sadd.s32 @!p0 $0x88, s6;
	s7 =	simm.s32 @p2 $0x1082  }
0x22: {  	[simem:s7], [sflag:s8] =	dma.local @!p0 [hbm:s6], $0xF7A  }
0x23: {  	s9 =	sor.u32 $0xD0000000, s2;
	s6 =	simm.s32 $0x108;
	_ =	swait.ge @!p0 [sflag:s8], $0x0  }
0x24: {  	s3 =	sadd.s32 $0x88, s3;
	s6 =	simm.s32 @!p1 $0x1082;
	[sflag:s4] =	ssyncset.s32 $0xFFFFF086  }
0x25: {  	[simem:s6], [sflag:s4] =	dma.local [hbm:s3], $0xF7A  }
0x26: {  	[smem:$0x3F92] =	sst s1;
	(tag) =	ssettag s2;
	_ =	strace s9  }
0x27: {  	s1 =	sld [smem:$0x3FA2]  }
0x28: {  	s2 =	sld [smem:$0x3FA3]  }
0x29: {  	s4 =	sld [smem:$0x3FA5]  }
0x2a: {  	p0 =	seq.s32 s5, $0x0;
	s5 =	sld [smem:$0x3FA6]  }
0x2b: {  	s6 =	sld [smem:$0x3FA7]  }
0x2c: {  	s7 =	sld [smem:$0x3FA8]  }
0x2d: {  	s3 =	simm.s32 $0x108;
	s8 =	sld [smem:$0x3FA9]  }
0x2e: {  	s3 =	simm.s32 @!p0 $0x1082;
	s9 =	sld [smem:$0x3FAA]  }
0x2f: {  	lr =	sadd.s32 s0, s3;
	s0 =	sld [smem:$0x3FA1]  }
0x30: {  	s3 =	sld [smem:$0x3FA4]  }
0x31: {  	[smem:$0x3FAD] =	sst s10  }
0x32: {  	s10 =	sld [smem:$0x3FAB];
	_ =	sdelay $0x3  }
0x33: {  	p0 =	seq.s32 s10, $0x1;
	s10 =	sld [smem:$0x3FAD];
	_ =	sdelay $0x3  }
0x34: {  	[smem:$0x3FAD] =	sst s10  }
0x35: {  	s10 =	sld [smem:$0x3FAC];
	_ =	sdelay $0x3  }
0x36: {  	p1 =	seq.s32 s10, $0x1;
	s10 =	sld [smem:$0x3FAD];
	_ =	sdelay $0x3  }
0x37: {  	[smem:$0x3FAD] =	sst s10  }
0x38: {  	s10 =	sld [smem:$0x3FAE]  }
0x39: {  	_ = 	snop;
	(pc) =	sbr.ind lr, $3  }
0x3a: {  	_ = 	snop  }
0x3b: {  	_ = 	snop  }
0x3c: {  	p2 =	seq.s32 s10, $0x1;
	s10 =	sld [smem:$0x3FAD]  }
0x3d: {  	_ =	shalt  }
0x3e: {  	_ =	shalt  }
0x3f: {  	_ =	shalt  }
0x40: {  	_ =	shalt  }
0x41: {  	_ =	shalt  }
0x42: {  	_ =	shalt  }
0x43: {  	_ =	shalt  }
0x44: {  	_ =	shalt  }
0x45: {  	_ =	shalt  }
0x46: {  	_ =	shalt  }
0x47: {  	_ =	shalt  }
0x48: {  	_ =	shalt  }
0x49: {  	_ =	shalt  }
0x4a: {  	_ =	shalt  }
0x4b: {  	_ =	shalt  }
0x4c: {  	_ =	shalt  }
0x4d: {  	_ =	shalt  }
0x4e: {  	_ =	shalt  }
0x4f: {  	_ =	shalt  }
0x50: {  	_ =	shalt  }
0x51: {  	_ =	shalt  }
0x52: {  	_ =	shalt  }
0x53: {  	_ =	shalt  }
0x54: {  	_ =	shalt  }
0x55: {  	_ =	shalt  }
0x56: {  	_ =	shalt  }
0x57: {  	_ =	shalt  }
0x58: {  	_ =	shalt  }
0x59: {  	_ =	shalt  }
0x5a: {  	_ =	shalt  }
0x5b: {  	_ =	shalt  }
0x5c: {  	_ =	shalt  }
0x5d: {  	_ =	shalt  }
0x5e: {  	_ =	shalt  }
0x5f: {  	_ =	shalt  }
0x60: {  	_ =	shalt  }
0x61: {  	_ =	shalt  }
0x62: {  	_ =	shalt  }
0x63: {  	_ =	shalt  }
0x64: {  	_ =	shalt  }
0x65: {  	_ =	shalt  }
0x66: {  	_ =	shalt  }
0x67: {  	_ =	shalt  }
0x68: {  	_ =	shalt  }
0x69: {  	_ =	shalt  }
0x6a: {  	_ =	shalt  }
0x6b: {  	_ =	shalt  }
0x6c: {  	_ =	shalt  }
0x6d: {  	_ =	shalt  }
0x6e: {  	_ =	shalt  }
0x6f: {  	_ =	shalt  }
0x70: {  	_ =	shalt  }
0x71: {  	_ =	shalt  }
0x72: {  	_ =	shalt  }
0x73: {  	_ =	shalt  }
0x74: {  	_ =	shalt  }
0x75: {  	_ =	shalt  }
0x76: {  	_ =	shalt  }
0x77: {  	_ =	shalt  }
0x78: {  	_ =	shalt  }
0x79: {  	_ =	shalt  }
0x7a: {  	_ =	shalt  }
0x7b: {  	_ =	shalt  }
0x7c: {  	_ =	shalt  }
0x7d: {  	_ =	shalt  }
0x7e: {  	_ =	shalt  }
0x7f: {  	_ =	shalt  }
0x80: {  	_ =	shalt  }
0x81: {  	_ =	shalt  }
0x82: {  	_ =	shalt  }
0x83: {  	_ =	shalt  }
0x84: {  	_ =	shalt  }
0x85: {  	_ =	shalt  }
0x86: {  	_ =	shalt  }
0x87: {  	_ =	shalt  }
.Lfunc_end0:
.L_simem_size_0:
called_computation.4_lowered:
.L_overlay_start_0:
0x88: {  	s2 =	sld [smem:$0x3FD9]  }
0x89: {  	s3 =	sld [smem:$0x3FFE];
	_ =	sdelay $0x1  }
0x8a: {  	s1 =	srdreg.scid  }
0x8b: {  	s0 =	sand.u32 $0x1, s1  }
0x8c: {  	s14 =	sshll.u32 s0, $0xA;
	s2 =	sadd.s32 s3, s2  }
0x8d: {  	s2 =	sadd.s32 s2, s14  }
0x8e: {  	[smem:$0x3FB9] =	sst s2  }
0x8f: {  	_ = 	snop  }
0x90: {  	s2 =	sld [smem:$0x3FD0];
	_ =	sdelay $0x2  }
0x91: {  	s15 =	simm.s32 $0xA;
	s4 =	simm.s32 $0x10  }
0x92: {  	[smem:s4], [sflag:s15] =	dma.local [hbm:s2], $0x1  }
0x93: {  	_ =	swait.eq [sflag:s15], $0x1  }
0x94: {  	[sflag:s15] =	ssyncset.done $0x0  }
0x95: {  	s16 =	sld [smem:$0x11];
	[sflag:s15] =	ssyncadd.s32 $0xFFFFFFFF  }
0x96: {  	s17 =	sld [smem:$0x12];
	(tm) =	ssettm $0x1  }
0x97: {  	s18 =	sld [smem:$0x3FFB];
	_ =	sdelay $0x3  }
0x98: {  	_ =	strace s18  }
0x99: {  	s4 =	sld [smem:$0x3FFC];
	_ =	sdelay $0x3  }
0x9a: {  	_ =	strace s4  }
0x9b: {  	s4 =	sld [smem:$0x3FFD];
	_ =	sdelay $0x3  }
0x9c: {  	_ =	strace s4  }
0x9d: {  	_ =	strace $0x8FFFFFFF  }
0x9e: {  	s19 =	sld [smem:$0x3FDB];
	_ =	sdelay $0x1  }
0x9f: {  	s5 =	simm.s32 $_scs_section_size  }
0xa0: {  	s6 =	simm.s32 $_size__tile_overlayer_lowered;
	s7 =	simm.s32 $_tile_overlayer_lowered  }
0xa1: {  	s22 =	simm.s32 $0x1BFF;
	s21 =	sshll.u32 s7, $0x1;
	s4 =	sadd.s32 s5, s19  }
0xa2: {  	s8 =	simm.s32 $0x0;
	s20 =	sshll.u32 s6, $0x1;
	s6 =	sadd.s32 s21, s4  }
0xa3: {  	[timem:s8], [sflag:s22] =	dma.local [hbm:s6], s20  }
0xa4: {  	_ =	swait.ge [sflag:s22], s20  }
0xa5: {  	s5 =	ssub.s32 $0x0, s20;
	[sflag:s22] =	ssyncset.done $0x0  }
0xa6: {  	[sflag:s22] =	ssyncadd.s32 s5;
	_ =	sdelay $0x1  }
0xa7: {  	s23 =	simm.s32 $0x1B8B  }
0xa8: {  	_ =	swait.ge [sflag:s23], $0x1  }
0xa9: {  	[sflag:s23] =	ssyncset.done $0x0  }
0xaa: {  	s25 =	simm.s32 $0x1B8E;
	s24 =	sld [smem:$0x3FFE];
	[sflag:s23] =	ssyncadd.s32 $0xFFFFFFFF  }
0xab: {  	s26 =	simm.s32 $execute0_lowered;
	[smem:$0x3FD2] =	sst s25  }
0xac: {  	s6 =	sshll.u32 s26, $0x1;
	_ =	strace $0x80000052;
	[dreg:$0x1] =	wrdreg $0xFFFFFFFF  }
0xad: {  	s28 =	simm.s32 $_size_execute0_lowered;
	s4 =	sadd.s32 s4, s6;
	[dreg:$0x0] =	wrdreg $0x0  }
0xae: {  	s6 =	sshll.u32 s28, $0x1;
	[dreg:$0x2] =	wrdreg s4  }
0xaf: {  	[dreg:$0x3] =	wrdreg s6  }
0xb0: {  	[dreg:$0x4] =	wrdreg $0xC0  }
0xb1: {  	_ =	task [dreg:s8], $0x5FFFF  }
0xb2: {  	[dreg:$0x1] =	wrdreg $0xFFFFFFFF  }
0xb3: {  	[dreg:$0x0] =	wrdreg $0x60  }
0xb4: {  	[dreg:$0x2] =	wrdreg s24  }
0xb5: {  	[dreg:$0x3] =	wrdreg s17  }
0xb6: {  	[dreg:$0x4] =	wrdreg s16  }
0xb7: {  	[dreg:$0x5] =	wrdreg $0x9  }
0xb8: {  	_ =	task.clear_ibuf [dreg:s8], $0x6FFFF;
	_ =	strace $0x90000052  }
0xb9: {  	s29 =	simm.s32 $0x9;
	_ =	strace $0x80000054  }
0xba: {  	_ =	swait.ge [sflag:s29], $0x1  }
0xbb: {  	[sflag:s29] =	ssyncadd.s32 $0xFFFFFFFF  }
0xbc: {  	_ =	strace $0x90000054  }
0xbd: {  	_ =	sfence  }
0xbe: {  	s30 =	sld [smem:$0x0];
	_ =	sdelay $0x2  }
0xbf: {  	s31 =	sshll.u32 s1, $0xD;
	s1 =	sshrl.u32 s1, $0x2  }
0xc0: {  	s3 =	sand.u32 $0x4000, s31;
	s1 =	sadd.s32 s1, s30  }
0xc1: {  	s0 =	sor.u32 s3, s0;
	s1 =	sshll.u32 s1, $0x11  }
0xc2: {  	s0 =	sor.u32 s1, s0  }
0xc3: {  	s0 =	sadd.s32 $0x8F2B, s0  }
0xc4: {  	[sflag:s0] =	ssyncadd.remote.s32 $0x1  }
0xc5: {  	_ =	sfence.sel $0xFFFF  }
0xc6: {  	[dreg:$0x0] =	wrdreg $0xFFFFFFFF;
	(pc) =	sbr.abs _section_cstart, $3  }
0xc7: {  	[dreg:$0x1] =	wrdreg $0xFFFFFFFF  }
0xc8: {  	_ =	task.clear_ibuf [dreg:s8], $0x2FFFF;
	_ =	strace $0x9FFFFFFF  }
0xc9: {  	(tm) =	ssettm $0x7FFFFFFF  }
tec
execute0_lowered:
.L_overlay_start_1:
0x0: {  	(tag) =	ssettag $0x1  }
0x1: {  	s0 =	rddreg [dreg:$0x0];
	s3 =	simm.s32 $0x0;
	s1 =	srdreg.scid  }
0x2: {  	s29 =	stileid.u32;
	s15 =	simm.s32 $0x2;
	s17 =	simm.s32 $0x4110  }
0x3: {  	s18 =	simm.s32 $0x4010;
	s19 =	simm.s32 $0x80;
	s20 =	simm.s32 $0x4310  }
0x4: {  	s21 =	simm.s32 $0x1;
	s23 =	simm.s32 $0x4B10;
	[smem:$0x7FF] =	sst s3  }
0x5: {  	s2 =	sadd.s32 $0x2C5E00, s0;
	s1 =	sand.u32 $0x1, s1;
	s6 =	sadd.s32 $0x45C00, s0  }
0x6: {  	s28 =	sadd.s32 $0x65C00, s0;
	s8 =	sadd.s32 $0xC5E00, s0;
	s10 =	sshll.u32 s29, $0x9  }
0x7: {  	s11 =	sshll.u32 s29, $0xB;
	s12 =	sadd.s32 $0xC6200, s0;
	_ =	strace $0x80000053  }
.Ltmp0:
0x8: {  	[dreg:$0x4] =	wrdreg s2;
	s5 =	ssub.s32 $0x2, s1;
	(pc) =	sbr.rel .LBB2_1-.Ltmp0, $4  }
0x9: {  	s13 =	sadd.s32 $0xC6400, s0;
	[dreg:$0x5] =	wrdreg s28;
	s9 =	sshrl.u32 s5, $0x1  }
0xa: {  	s1 =	sshll.u32 s1, $0x8;
	s30 =	sand.u32 $0x7000, s11;
	s5 =	ssub.s32 s5, s9  }
0xb: {  	v1 =	vlaneseq.u32;
	v2 =	vimm.s32 $0x0;
	s11 =	sadd.s32 $0xC6000, s0;
	s9 =	sor.u32 s1, s10;
	s31 =	smax.u32 s5, $0x1  }
0xc: {  	vm0 =	vmmov $0x1;
	v3 =	vor.u32 $0x10, v1;
	v0 =	vmov s30;
	s10 =	sadd.s32 $0x65D00, s0;
	s1 =	simm.s32 $0x0;
	[dreg:$0x6] =	wrdreg s31  }
.LBB2_9:
0xd: {  	s1 =	rddreg [dreg:$0x7]  }
0xe: {  	s0 =	rddreg [dreg:$0x6];
	s1 =	sadd.s32 $0x1, s1  }
0xf: {  	p0 =	sne.s32 s1, s0  }
.Ltmp1:
0x10: {  	_ = 	snop;
	(pc) =	sbr.rel @!p0 .LBB2_10-.Ltmp1, $1  }
0x11: {  	_ =	sdelay $0x3  }
.LBB2_1:
.Ltmp2:
0x12: {  	(pc) =	sbr.rel .LBB2_2-.Ltmp2, $2  }
0x13: {  	_ =	sdelay $0x2  }
0x14: {  	[dreg:$0x7] =	wrdreg s1;
	s29 =	simm.s32 $0x0  }
.LBB2_8:
0x15: {  	s2 =	rddreg [dreg:$0x2]  }
0x16: {  	[tilespmem:s20], [sflag:$0x1] =	stream.indirect.gather [hbm4b:s2+s19], $0x10, s18, s19, $0xb8;
	[tilespmem:$0x5B10] =	vst v63  }
0x17: {  	_ =	swait.ge [sflag:s21], $0x800  }
0x18: {  	s0 =	sshll.u32 s31, $0x5;
	[sflag:s21] =	ssyncset.done $0x0;
	s1 =	rddreg [dreg:$0x5]  }
0x19: {  	[sflag:s21] =	ssyncadd.s32 $0xFFFFF800;
	s1 =	sadd.s32 s1, s0  }
0x1a: {  	[hbm4b:s1+s3] =	stream.linear.scatter [tilespmem:s20], [sflag:$0x2], $0x800, $0x38;
	[tilespmem:$0x5B10] =	vst v63  }
0x1b: {  	_ =	swait.ge [sflag:s15], $0x800  }
0x1c: {  	[sflag:s15] =	ssyncset.done $0x0  }
0x1d: {  	s14 =	simm.s32 $0x4090;
	[sflag:s15] =	ssyncadd.s32 $0xFFFFF800  }
0x1e: {  	[tilespmem:s20], [sflag:$0x1] =	stream.indirect.gather [hbm4b:s2+s19], $0x10, s14, s19, $0xb8;
	[tilespmem:$0x5B10] =	vst v63  }
0x1f: {  	_ =	swait.ge [sflag:s21], $0x800  }
0x20: {  	[sflag:s21] =	ssyncset.done $0x0  }
0x21: {  	s0 =	sadd.s32 s0, s10;
	[sflag:s21] =	ssyncadd.s32 $0xFFFFF800  }
0x22: {  	[hbm4b:s0+s3] =	stream.linear.scatter [tilespmem:s20], [sflag:$0x2], $0x800, $0x38;
	[tilespmem:$0x5B10] =	vst v63  }
0x23: {  	_ =	swait.ge [sflag:s15], $0x800  }
0x24: {  	[sflag:s15] =	ssyncset.done $0x0  }
0x25: {  	[sflag:s15] =	ssyncadd.s32 $0xFFFFF800  }
0x26: {  	[tilespmem:s23], [sflag:$0x1] =	stream.indirect.gather [hbm4b:s6+s19], $0x20, s17, s19, $0xb8;
	[tilespmem:$0x5B10] =	vst v63  }
0x27: {  	_ =	swait.ge [sflag:s21], $0x1000  }
0x28: {  	[sflag:s21] =	ssyncset.done $0x0  }
0x29: {  	s16 =	sadd.s32 s8, s30;
	[sflag:s21] =	ssyncadd.s32 $0xFFFFF000  }
0x2a: {  	[hbm4b:s16+s3] =	stream.linear.scatter [tilespmem:s23], [sflag:$0x2], $0x1000, $0x38;
	[tilespmem:$0x5B10] =	vst v63  }
0x2b: {  	_ =	swait.ge [sflag:s15], $0x1000  }
0x2c: {  	[sflag:s15] =	ssyncset.done $0x0  }
0x2d: {  	s22 =	simm.s32 $0x4190;
	[sflag:s15] =	ssyncadd.s32 $0xFFFFF000  }
0x2e: {  	[tilespmem:s23], [sflag:$0x1] =	stream.indirect.gather [hbm4b:s6+s19], $0x20, s22, s19, $0xb8;
	[tilespmem:$0x5B10] =	vst v63  }
0x2f: {  	_ =	swait.ge [sflag:s21], $0x1000  }
0x30: {  	[sflag:s21] =	ssyncset.done $0x0  }
0x31: {  	s24 =	sadd.s32 s30, s11;
	[sflag:s21] =	ssyncadd.s32 $0xFFFFF000  }
0x32: {  	[hbm4b:s24+s3] =	stream.linear.scatter [tilespmem:s23], [sflag:$0x2], $0x1000, $0x38;
	[tilespmem:$0x5B10] =	vst v63  }
0x33: {  	_ =	swait.ge [sflag:s15], $0x1000  }
0x34: {  	[sflag:s15] =	ssyncset.done $0x0  }
0x35: {  	s25 =	simm.s32 $0x4210;
	[sflag:s15] =	ssyncadd.s32 $0xFFFFF000  }
0x36: {  	[tilespmem:s23], [sflag:$0x1] =	stream.indirect.gather [hbm4b:s6+s19], $0x20, s25, s19, $0xb8;
	[tilespmem:$0x5B10] =	vst v63  }
0x37: {  	_ =	swait.ge [sflag:s21], $0x1000  }
0x38: {  	[sflag:s21] =	ssyncset.done $0x0  }
0x39: {  	s26 =	sadd.s32 s30, s12;
	[sflag:s21] =	ssyncadd.s32 $0xFFFFF000  }
0x3a: {  	[hbm4b:s26+s3] =	stream.linear.scatter [tilespmem:s23], [sflag:$0x2], $0x1000, $0x38;
	[tilespmem:$0x5B10] =	vst v63  }
0x3b: {  	_ =	swait.ge [sflag:s15], $0x1000  }
0x3c: {  	[sflag:s15] =	ssyncset.done $0x0  }
0x3d: {  	s28 =	simm.s32 $0x4290;
	[sflag:s15] =	ssyncadd.s32 $0xFFFFF000  }
0x3e: {  	[tilespmem:s23], [sflag:$0x1] =	stream.indirect.gather [hbm4b:s6+s19], $0x20, s28, s19, $0xb8;
	[tilespmem:$0x5B10] =	vst v63  }
0x3f: {  	s29 =	sadd.s32 $0x1, s29;
	_ =	swait.ge [sflag:s21], $0x1000  }
0x40: {  	p0 =	sne.s32 s29, $0x10;
	[sflag:s21] =	ssyncset.done $0x0  }
.Ltmp3:
0x41: {  	s31 =	sadd.s32 s30, s13;
	[sflag:s21] =	ssyncadd.s32 $0xFFFFF000;
	(pc) =	sbr.rel @!p0 .LBB2_9-.Ltmp3, $4  }
0x42: {  	[hbm4b:s31+s3] =	stream.linear.scatter [tilespmem:s23], [sflag:$0x2], $0x1000, $0x38;
	[tilespmem:$0x5B10] =	vst v63  }
0x43: {  	_ =	swait.ge [sflag:s15], $0x1000  }
0x44: {  	[sflag:s15] =	ssyncset.done $0x0  }
0x45: {  	[sflag:s15] =	ssyncadd.s32 $0xFFFFF000  }
.LBB2_2:
0x46: {  	s0 =	sshll.u32 s29, $0x4  }
0x47: {  	s31 =	sadd.s32 s9, s0  }
0x48: {  	s25 =	rddreg [dreg:$0x4];
	s30 =	sshll.u32 s31, $0x7  }
0x49: {  	s0 =	simm.s32 $0x0;
	s1 =	sadd.s32 s25, s30  }
0x4a: {  	[tilespmem:s0], [sflag:$0x2] =	stream.linear.gather [hbm4b:s1+s0], $0x4000, $0x38;
	[tilespmem:$0x5B10] =	vst v63  }
0x4b: {  	_ =	swait.ge [sflag:s15], $0x4000  }
0x4c: {  	[sflag:s15] =	ssyncset.done $0x0  }
0x4d: {  	[sflag:s15] =	ssyncadd.s32 $0xFFFFC000  }
0x4e: {  	s26 =	sshrl.u32 s31, $0x3;
	s2 =	rddreg [dreg:$0x1]  }
0x4f: {  	s28 =	simm.s32 $0x4000;
	s1 =	sadd.s32 s2, s26  }
0x50: {  	[tilespmem:s28], [sflag:$0x2] =	stream.linear.gather [hbm4b:s1+s0], $0x10, $0x38;
	[tilespmem:$0x5B10] =	vst v63  }
0x51: {  	_ =	swait.ge [sflag:s15], $0x10  }
0x52: {  	[sflag:s15] =	ssyncset.done $0x0  }
0x53: {  	[sflag:s15] =	ssyncadd.s32 $0xFFFFFFF0  }
0x54: {  	[tilespmem:$0x4110] =	vst v2  }
0x55: {  	[tilespmem:$0x4120] =	vst v2  }
0x56: {  	[tilespmem:$0x4130] =	vst v2  }
0x57: {  	[tilespmem:$0x4140] =	vst v2  }
0x58: {  	[tilespmem:$0x4150] =	vst v2  }
0x59: {  	[tilespmem:$0x4160] =	vst v2  }
0x5a: {  	[tilespmem:$0x4170] =	vst v2  }
0x5b: {  	[tilespmem:$0x4180] =	vst v2  }
0x5c: {  	[tilespmem:$0x4190] =	vst v2  }
0x5d: {  	[tilespmem:$0x41A0] =	vst v2  }
0x5e: {  	[tilespmem:$0x41B0] =	vst v2  }
0x5f: {  	[tilespmem:$0x41C0] =	vst v2  }
0x60: {  	[tilespmem:$0x41D0] =	vst v2  }
0x61: {  	[tilespmem:$0x41E0] =	vst v2  }
0x62: {  	[tilespmem:$0x41F0] =	vst v2  }
0x63: {  	[tilespmem:$0x4200] =	vst v2  }
0x64: {  	[tilespmem:$0x4210] =	vst v2  }
0x65: {  	[tilespmem:$0x4220] =	vst v2  }
0x66: {  	[tilespmem:$0x4230] =	vst v2  }
0x67: {  	[tilespmem:$0x4240] =	vst v2  }
0x68: {  	[tilespmem:$0x4250] =	vst v2  }
0x69: {  	[tilespmem:$0x4260] =	vst v2  }
0x6a: {  	[tilespmem:$0x4270] =	vst v2  }
0x6b: {  	[tilespmem:$0x4280] =	vst v2  }
0x6c: {  	[tilespmem:$0x4290] =	vst v2  }
0x6d: {  	[tilespmem:$0x42A0] =	vst v2  }
0x6e: {  	[tilespmem:$0x42B0] =	vst v2  }
0x6f: {  	[tilespmem:$0x42C0] =	vst v2  }
0x70: {  	[tilespmem:$0x42D0] =	vst v2  }
0x71: {  	[tilespmem:$0x42E0] =	vst v2  }
0x72: {  	[tilespmem:$0x42F0] =	vst v2  }
0x73: {  	[tilespmem:$0x4300] =	vst v2  }
0x74: {  	[tilespmem:$0x4010] =	vst v2  }
0x75: {  	[tilespmem:$0x4020] =	vst v2  }
0x76: {  	[tilespmem:$0x4030] =	vst v2  }
0x77: {  	[tilespmem:$0x4040] =	vst v2  }
0x78: {  	[tilespmem:$0x4050] =	vst v2  }
0x79: {  	[tilespmem:$0x4060] =	vst v2  }
0x7a: {  	[tilespmem:$0x4070] =	vst v2  }
0x7b: {  	[tilespmem:$0x4080] =	vst v2  }
0x7c: {  	[tilespmem:$0x4090] =	vst v2  }
0x7d: {  	[tilespmem:$0x40A0] =	vst v2  }
0x7e: {  	[tilespmem:$0x40B0] =	vst v2  }
.Ltmp4:
0x7f: {  	[tilespmem:$0x40C0] =	vst v2;
	(pc) =	sbr.rel .LBB2_3-.Ltmp4, $4  }
0x80: {  	[tilespmem:$0x40D0] =	vst v2  }
0x81: {  	[tilespmem:$0x40E0] =	vst v2  }
0x82: {  	[tilespmem:$0x40F0] =	vst v2  }
0x83: {  	s5 =	simm.s32 $0x0;
	[tilespmem:$0x4100] =	vst v2  }
.LBB2_6:
0x84: {  	_ =	sdelay $0x3  }
0x85: {  	s1 =	sadd.s32 $0x10, s1;
	vm1 =	vmand vm1, vm6;
	vm15 =	vlt.s32 v14, $0x10  }
0x86: {  	[tilespmem:v8+s18+$0x0] =	vst.idx.msk vm3, v7;
	v5 =	vadd.s32 v5, v13;
	v4 =	vor.u32 s1, v1;
	vm2 =	vmand vm2, vm15  }
0x87: {  	v6 =	vadd.s32 v6, v14;
	[tilespmem:v10+s17+$0x0] =	vst.idx.msk vm7, v4  }
0x88: {  	[tilespmem:v11+s18+$0x0] =	vst.idx.msk vm8, v4;
	v4 =	vor.u32 s22, v1  }
0x89: {  	[tilespmem:v9+s17+$0x0] =	vst.idx.msk vm5, v4  }
0x8a: {  	[tilespmem:v12+s18+$0x0] =	vst.idx.msk vm4, v4;
	v4 =	vor.u32 s24, v1  }
0x8b: {  	[tilespmem:v5+s17+$0x0] =	vst.idx.msk vm1, v4  }
0x8c: {  	[tilespmem:v6+s18+$0x0] =	vst.idx.msk vm2, v4  }
.LBB2_7:
0x8d: {  	s1 =	sand.u32 $0x3FFFFFF0, s28  }
0x8e: {  	v4 =	vld [tilespmem:s1+$0x4010];
	_ =	sdelay $0x4  }
0x8f: {  	v5 =	vnsel vm0, $0x0, v4  }
0x90: {  	v5 =	vxor.u32 $0x80000000, v5  }
0x91: {  	(xrf0) =	vmax.scan.msk.u32 $0xffff, v5;
	_ =	sdelay $0x5  }
0x92: {  	v5, _, _ =	vpop (xrf0)  }
0x93: {  	(v2sf) =	vpush v5, $0xF;
	_ =	sdelay $0xe  }
0x94: {  	v5 =	vmov s25;
	s2 =	spop (v2sf)  }
0x95: {  	vm1 =	vgt.s32 v5, v1;
	s2 =	sxor.u32 $0x80000000, s2  }
0x96: {  	v4 =	vnsel vm1, s2, v4  }
0x97: {  	v4 =	vadd.s32 v0, v4  }
0x98: {  	s26 =	sand.u32 $0x3FFFFFE0, s14;
	[tilespmem:s1+$0x4010] =	vst v4  }
0x99: {  	v4 =	vld [tilespmem:s26+$0x4110];
	_ =	sdelay $0x4  }
0x9a: {  	v5 =	vnsel vm0, $0x0, v4  }
0x9b: {  	v5 =	vxor.u32 $0x80000000, v5  }
0x9c: {  	(xrf0) =	vmax.scan.msk.u32 $0xffff, v5;
	_ =	sdelay $0x5  }
0x9d: {  	v5, _, _ =	vpop (xrf0)  }
0x9e: {  	(v2sf) =	vpush v5, $0xF;
	_ =	sdelay $0xc  }
0x9f: {  	v5 =	vld [tilespmem:s26+$0x4120]  }
0xa0: {  	s5 =	sadd.s32 $0x1, s5  }
0xa1: {  	v6 =	vmov s16;
	p0 =	sne.s32 s5, $0x10;
	s28 =	spop (v2sf)  }
.Ltmp5:
0xa2: {  	vm1 =	vgt.s32 v6, v1;
	s2 =	sxor.u32 $0x80000000, s28;
	(pc) =	sbr.rel @!p0 .LBB2_8-.Ltmp5, $4  }
0xa3: {  	v4 =	vnsel vm1, s2, v4;
	vm1 =	vgt.s32 v6, v3  }
0xa4: {  	v4 =	vadd.s32 v0, v4;
	v5 =	vnsel vm1, s2, v5  }
0xa5: {  	[tilespmem:s26+$0x4110] =	vst v4;
	v4 =	vadd.s32 v0, v5  }
0xa6: {  	s0 =	sadd.s32 $0x400, s0;
	[tilespmem:s26+$0x4120] =	vst v4  }
.LBB2_3:
0xa7: {  	v4 =	vld [tilespmem:$0x4000];
	_ =	sdelay $0x3  }
0xa8: {  	v5 =	vmov s5  }
0xa9: {  	vm1 =	veq.s32 v5, v1;
	v4 =	vxor.u32 $0x80000000, v4  }
0xaa: {  	v4 =	vnsel vm1, $0x80000000, v4  }
0xab: {  	(xrf0) =	vmax.scan.msk.u32 $0xffff, v4;
	_ =	sdelay $0x5  }
0xac: {  	v4, _, _ =	vpop (xrf0)  }
0xad: {  	(v2sf) =	vpush v4, $0xF;
	_ =	sdelay $0xe  }
0xae: {  	s1 =	spop (v2sf)  }
0xaf: {  	s26 =	sxor.u32 $0x80000000, s1  }
0xb0: {  	p0 =	slt.s32 s26, $0x1  }
.Ltmp6:
0xb1: {  	_ = 	snop;
	(pc) =	sbr.rel @p0 .LBB2_7-.Ltmp6, $3  }
0xb2: {  	_ =	sdelay $0x1  }
0xb3: {  	s14 =	sshll.u32 s5, $0x5  }
0xb4: {  	s28 =	sshll.u32 s5, $0x4;
	s25 =	simm.s32 $0x0;
	s16 =	simm.s32 $0x0  }
0xb5: {  	v4 =	vmov s0;
	_ =	sdelay $0x3  }
0xb6: {  	s1 =	simm.s32 $0x0  }
0xb7: {  	v5 =	vld.idx.msk [tilespmem:v4+s1+$0x0 ss:$0x1], $0xffff;
	_ =	sdelay $0x4  }
0xb8: {  	v6 =	vand.u32 $0xFF, v5;
	v7 =	vshrl.u32 v5, $0x8  }
0xb9: {  	v8 =	vshrl.u32 v5, $0x10;
	vm7 =	vne.s32 v6, $0x0;
	v7 =	vand.u32 $0xFF, v7  }
0xba: {  	v8 =	vand.u32 $0xFF, v8;
	v9 =	vsel vm7, $0x1, v2;
	vm6 =	vne.s32 v7, $0x0  }
0xbb: {  	vm5 =	vne.s32 v8, $0x0;
	v10 =	vsel vm6, $0x1, v2;
	(xrf0) =	vadd.scan.msk.s32 $0xffff, v9  }
0xbc: {  	vm1 =	vgt.u32 v5, $0xFFFFFF;
	v9 =	vsel vm5, $0x1, v2;
	(xrf0) =	vadd.scan.msk.s32 $0xffff, v10  }
0xbd: {  	vm3 =	vgt.u32 v6, $0x1;
	vm4 =	vgt.u32 v8, $0x1;
	v8 =	vsel vm1, $0x1, v2;
	(xrf0) =	vadd.scan.msk.s32 $0xffff, v9  }
0xbe: {  	vm8 =	vgt.u32 v7, $0x1;
	v7 =	vsel vm3, $0x1, v2;
	v6 =	vsel vm4, $0x1, v2;
	(xrf0) =	vadd.scan.msk.s32 $0xffff, v8  }
0xbf: {  	(xrf0) =	vadd.scan.msk.s32 $0xffff, v6  }
0xc0: {  	(xrf0) =	vadd.scan.msk.s32 $0xffff, v7  }
0xc1: {  	v6 =	vsel vm8, $0x1, v2;
	v7, _, _ =	vpop (xrf0)  }
0xc2: {  	(xrf0) =	vadd.scan.msk.s32 $0xffff, v6;
	v8, _, _ =	vpop (xrf0)  }
0xc3: {  	(v2sf) =	vpush v7, $0xF;
	v9, _, _ =	vpop (xrf0)  }
0xc4: {  	(v2sf) =	vpush v8, $0xF;
	v12, _, _ =	vpop (xrf0)  }
0xc5: {  	(v2sf) =	vpush v9, $0xF;
	v10, _, _ =	vpop (xrf0)  }
0xc6: {  	(v2sf) =	vpush v12, $0xF;
	v11, _, _ =	vpop (xrf0)  }
0xc7: {  	(v2sf) =	vpush v11, $0xF  }
0xc8: {  	v13, _, _ =	vpop (xrf0)  }
0xc9: {  	vm2 =	vgt.u32 v5, $0x1FFFFFF;
	(v2sf) =	vpush v13, $0xF  }
0xca: {  	v5 =	vsel vm2, $0x1, v2  }
0xcb: {  	(xrf0) =	vadd.scan.msk.s32 $0xffff, v5  }
0xcc: {  	(v2sf) =	vpush v10, $0xF;
	_ =	sdelay $0x1  }
0xcd: {  	s1 =	simm.s32 $0x0  }
0xce: {  	v5 =	vmov s1  }
0xcf: {  	v5 =	vadd.s32 $0xFFFFFFFF, v5  }
0xd0: {  	v14 =	vbroadcast v5, $0x0;
	v15, _, _ =	vpop (xrf0)  }
0xd1: {  	(v2sf) =	vpush v15, $0xF;
	s16 =	spop (v2sf)  }
0xd2: {  	v6 =	vmov s28;
	v5 =	vmov s14;
	v7 =	vadd.s32 v14, v7;
	s16 =	sadd.s32 $0x0, s16;
	s22 =	spop (v2sf)  }
0xd3: {  	v11 =	vadd.s32 v14, v11;
	vm9 =	vlt.s32 v7, $0x20;
	v16 =	vmov s16;
	s7 =	spop (v2sf)  }
0xd4: {  	v17 =	vadd.s32 v5, v7;
	vm9 =	vmand vm7, vm9;
	s16 =	sadd.s32 s22, s16;
	v7 =	vadd.s32 $0xFFFFFFFF, v16;
	s24 =	spop (v2sf)  }
0xd5: {  	vm7 =	vlt.s32 v11, $0x10;
	v62 =	vmov s16;
	s16 =	sadd.s32 s7, s16;
	v14 =	vbroadcast v7, $0x0;
	s25 =	spop (v2sf)  }
0xd6: {  	vm3 =	vmand vm3, vm7;
	v16 =	vadd.s32 $0xFFFFFFFF, v62;
	v18 =	vmov s16;
	s25 =	sadd.s32 $0x0, s25  }
0xd7: {  	v16 =	vbroadcast v16, $0x0;
	s2 =	spop (v2sf);
	v14 =	vadd.s32 v8, v14;
	v8 =	vmov s25  }
0xd8: {  	v7 =	vor.u32 s1, v1;
	v18 =	vadd.s32 $0xFFFFFFFF, v18;
	s2 =	sadd.s32 s2, s25;
	v8 =	vadd.s32 $0xFFFFFFFF, v8  }
0xd9: {  	v16 =	vadd.s32 v9, v16;
	v9 =	vmov s2;
	v19 =	vbroadcast v8, $0x0  }
0xda: {  	v18 =	vbroadcast v18, $0x0;
	vm7 =	vlt.s32 v14, $0x20;
	s4 =	spop (v2sf);
	v9 =	vadd.s32 $0xFFFFFFFF, v9  }
0xdb: {  	s2 =	sadd.s32 s4, s2;
	v8 =	vadd.s32 v6, v11;
	v9 =	vbroadcast v9, $0x0;
	v11 =	vadd.s32 v13, v19  }
0xdc: {  	p0 =	sne.s32 s26, $0x1;
	vm7 =	vmand vm6, vm7;
	v13 =	vmov s2;
	vm6 =	vlt.s32 v11, $0x10  }
.Ltmp7:
0xdd: {  	v63 =	vadd.s32 v10, v9;
	v9 =	vadd.s32 v5, v16;
	v10 =	vadd.s32 v5, v14;
	(pc) =	sbr.rel @!p0 .LBB2_6-.Ltmp7, $4  }
0xde: {  	v13 =	vadd.s32 $0xFFFFFFFF, v13;
	v11 =	vadd.s32 v6, v11;
	vm8 =	vmand vm8, vm6  }
0xdf: {  	vm6 =	vlt.s32 v16, $0x20;
	v14 =	vbroadcast v13, $0x0;
	v13 =	vadd.s32 v12, v18  }
0xe0: {  	s26 =	sadd.s32 $0xFFFFFFFF, s26;
	s22 =	simm.s32 $0x20;
	s7 =	spop (v2sf);
	v12 =	vadd.s32 v6, v63;
	vm5 =	vmand vm5, vm6;
	vm6 =	vlt.s32 v63, $0x10  }
0xe1: {  	s16 =	sadd.s32 s24, s16;
	s24 =	simm.s32 $0x30;
	[tilespmem:v17+s17+$0x0] =	vst.idx.msk vm9, v7;
	s25 =	sadd.s32 s7, s2;
	vm4 =	vmand vm4, vm6;
	vm6 =	vlt.s32 v13, $0x20;
	v14 =	vadd.s32 v15, v14  }
.LBB2_5:
0xe2: {  	p0 =	sne.s32 s26, $0x1;
	s2 =	sadd.s32 $0x10, s1;
	vm1 =	vmand vm1, vm6;
	vm6 =	vlt.s32 v14, $0x10;
	s1 =	sadd.s32 $0x40, s1  }
0xe3: {  	s26 =	sadd.s32 $0xFFFFFFFF, s26;
	s4 =	sadd.s32 $0x20, s1;
	s7 =	sadd.s32 $0x30, s1;
	[tilespmem:v8+s18+$0x0] =	vst.idx.msk vm3, v7;
	v7 =	vor.u32 s2, v1;
	v8 =	vadd.s32 v5, v13;
	vm2 =	vmand vm2, vm6  }
0xe4: {  	[tilespmem:v10+s17+$0x0] =	vst.idx.msk vm7, v7;
	v10 =	vadd.s32 v6, v14  }
0xe5: {  	[tilespmem:v11+s18+$0x0] =	vst.idx.msk vm8, v7;
	v7 =	vor.u32 s22, v1;
	s22 =	smov.u32 s4  }
0xe6: {  	s2 =	sshra.s32 s1, $0x2;
	[tilespmem:v9+s17+$0x0] =	vst.idx.msk vm5, v7  }
0xe7: {  	[tilespmem:v12+s18+$0x0] =	vst.idx.msk vm4, v7;
	v7 =	vor.u32 s24, v1;
	s24 =	smov.u32 s7  }
0xe8: {  	[tilespmem:v8+s17+$0x0] =	vst.idx.msk vm1, v7  }
0xe9: {  	[tilespmem:v10+s18+$0x0] =	vst.idx.msk vm2, v7  }
0xea: {  	v7 =	vld.idx.msk [tilespmem:v4+s2+$0x0 ss:$0x1], $0xffff;
	_ =	sdelay $0x5  }
0xeb: {  	v8 =	vand.u32 $0xFF, v7;
	v9 =	vshrl.u32 v7, $0x8;
	v10 =	vshrl.u32 v7, $0x10  }
0xec: {  	vm8 =	vne.s32 v8, $0x0;
	v9 =	vand.u32 $0xFF, v9;
	v10 =	vand.u32 $0xFF, v10  }
0xed: {  	v11 =	vsel vm8, $0x1, v2;
	vm7 =	vne.s32 v9, $0x0;
	vm4 =	vgt.u32 v9, $0x1  }
0xee: {  	vm5 =	vne.s32 v10, $0x0;
	v9 =	vsel vm7, $0x1, v2;
	v12 =	vsel vm4, $0x1, v2;
	(xrf0) =	vadd.scan.msk.s32 $0xffff, v11  }
0xef: {  	vm1 =	vgt.u32 v7, $0xFFFFFF;
	vm3 =	vgt.u32 v8, $0x1;
	v8 =	vsel vm5, $0x1, v2;
	(xrf0) =	vadd.scan.msk.s32 $0xffff, v9  }
0xf0: {  	vm6 =	vgt.u32 v10, $0x1;
	v10 =	vsel vm1, $0x1, v2;
	v9 =	vsel vm3, $0x1, v2;
	(xrf0) =	vadd.scan.msk.s32 $0xffff, v8  }
0xf1: {  	v11 =	vsel vm6, $0x1, v2;
	v8 =	vmov s16;
	(xrf0) =	vadd.scan.msk.s32 $0xffff, v10  }
0xf2: {  	v8 =	vadd.s32 $0xFFFFFFFF, v8;
	(xrf0) =	vadd.scan.msk.s32 $0xffff, v11  }
0xf3: {  	v8 =	vbroadcast v8, $0x0;
	(xrf0) =	vadd.scan.msk.s32 $0xffff, v9  }
0xf4: {  	vm2 =	vgt.u32 v7, $0x1FFFFFF;
	v7, _, _ =	vpop (xrf0);
	(xrf0) =	vadd.scan.msk.s32 $0xffff, v12  }
0xf5: {  	v9 =	vsel vm2, $0x1, v2;
	v8 =	vadd.s32 v8, v7;
	(v2sf) =	vpush v7, $0xF;
	v10, _, _ =	vpop (xrf0)  }
0xf6: {  	v7 =	vmov s25;
	vm9 =	vlt.s32 v8, $0x20;
	(v2sf) =	vpush v10, $0xF;
	v11, _, _ =	vpop (xrf0);
	(xrf0) =	vadd.scan.msk.s32 $0xffff, v9  }
0xf7: {  	v7 =	vadd.s32 $0xFFFFFFFF, v7;
	vm8 =	vmand vm8, vm9;
	(v2sf) =	vpush v11, $0xF;
	v12, _, _ =	vpop (xrf0)  }
0xf8: {  	v8 =	vadd.s32 v5, v8;
	v7 =	vbroadcast v7, $0x0;
	v13, _, _ =	vpop (xrf0);
	(v2sf) =	vpush v12, $0xF  }
0xf9: {  	v9, _, _ =	vpop (xrf0)  }
0xfa: {  	v14 =	vadd.s32 v7, v9;
	(v2sf) =	vpush v9, $0xF;
	v15, _, _ =	vpop (xrf0)  }
0xfb: {  	vm9 =	vlt.s32 v14, $0x10;
	(v2sf) =	vpush v15, $0xF  }
0xfc: {  	v7 =	vor.u32 s1, v1;
	vm3 =	vmand vm3, vm9;
	(v2sf) =	vpush v13, $0xF;
	v16, _, _ =	vpop (xrf0)  }
0xfd: {  	[tilespmem:v8+s17+$0x0] =	vst.idx.msk vm8, v7;
	(v2sf) =	vpush v16, $0xF;
	_ =	sdelay $0x6  }
0xfe: {  	s2 =	spop (v2sf)  }
0xff: {  	s2 =	sadd.s32 s16, s2;
	s4 =	spop (v2sf)  }
0x100: {  	v8 =	vmov s2;
	s2 =	sadd.s32 s4, s2;
	s4 =	spop (v2sf)  }
0x101: {  	v8 =	vadd.s32 $0xFFFFFFFF, v8;
	v9 =	vmov s2;
	s2 =	sadd.s32 s4, s2;
	s4 =	spop (v2sf)  }
0x102: {  	v17 =	vbroadcast v8, $0x0;
	v8 =	vadd.s32 $0xFFFFFFFF, v9;
	v9 =	vmov s2;
	s16 =	sadd.s32 s4, s2  }
0x103: {  	v18 =	vbroadcast v8, $0x0;
	v9 =	vadd.s32 $0xFFFFFFFF, v9;
	s2 =	spop (v2sf)  }
0x104: {  	v8 =	vadd.s32 v6, v14;
	s2 =	sadd.s32 s25, s2;
	v10 =	vadd.s32 v10, v17;
	v14 =	vbroadcast v9, $0x0;
	s4 =	spop (v2sf)  }
0x105: {  	vm8 =	vlt.s32 v10, $0x20;
	v9 =	vmov s2;
	s2 =	sadd.s32 s4, s2;
	v11 =	vadd.s32 v11, v18;
	s4 =	spop (v2sf)  }
0x106: {  	v17 =	vadd.s32 $0xFFFFFFFF, v9;
	v9 =	vadd.s32 v5, v11;
	v18 =	vmov s2;
	s2 =	sadd.s32 s4, s2;
	s4 =	spop (v2sf)  }
0x107: {  	vm7 =	vmand vm7, vm8;
	v17 =	vbroadcast v17, $0x0;
	v18 =	vadd.s32 $0xFFFFFFFF, v18;
	s25 =	sadd.s32 s4, s2  }
0x108: {  	v10 =	vadd.s32 v5, v10;
	v19 =	vmov s2;
	v18 =	vbroadcast v18, $0x0  }
.Ltmp8:
0x109: {  	vm9 =	vlt.s32 v11, $0x20;
	v11 =	vadd.s32 $0xFFFFFFFF, v19;
	v15 =	vadd.s32 v15, v17;
	(pc) =	sbr.rel @p0 .LBB2_5-.Ltmp8, $4  }
0x10a: {  	vm8 =	vlt.s32 v15, $0x10;
	v17 =	vadd.s32 v13, v18;
	v18 =	vbroadcast v11, $0x0  }
0x10b: {  	vm5 =	vmand vm5, vm9;
	vm8 =	vmand vm4, vm8;
	vm4 =	vlt.s32 v17, $0x10  }
0x10c: {  	v11 =	vadd.s32 v6, v15;
	v13 =	vadd.s32 v12, v14;
	vm4 =	vmand vm6, vm4  }
0x10d: {  	v12 =	vadd.s32 v6, v17;
	vm6 =	vlt.s32 v13, $0x20;
	v14 =	vadd.s32 v16, v18  }
.Ltmp9:
0x10e: {  	_ = 	snop;
	(pc) =	sbr.rel .LBB2_6-.Ltmp9, $1  }
0x10f: {  	_ =	sdelay $0x3  }
.LBB2_10:
0x110: {  	_ =	sfence.sel $0x180000  }
0x111: {  	[bflag:$0x0] =	sbarrier.arrive $0xFFFF  }
0x112: {  	_ =	strace $0x90000053  }
0x113: {  	s0 =	stileid.u32;
	[bflag:$0x2] =	sbarrier.arrive $0xFFFF  }
0x114: {  	p0 =	sne.s32 s0, $0x0;
	s0 =	rddreg [dreg:$0x3]  }
0x115: {  	s0 =	sadd.s32 @!p0 $0x100000, s0  }
0x116: {  	[sflag:s0] =	ssyncadd.tile.s32 @!p0 $0x1;
	_ =	shalt  }
.Lfunc_end2:
_tile_overlayer_lowered:
.L_overlay_start_2:
0x117: {  	(tag) =	ssettag $0x2  }
0x118: {  	s0 =	rddreg [dreg:$0x0];
	s2 =	stileid.u32  }
0x119: {  	s1 =	rddreg [dreg:$0x1];
	p0 =	sne.s32 s2, $0x0  }
0x11a: {  	s3 =	rddreg [dreg:$0x2];
	[bflag:$0x3] =	sbarrier.arrive $0xFFFF;
	s2 =	simm.s32 @!p0 $0x1C02  }
0x11b: {  	[timem:s3], [sflag:s2] =	dma.local @!p0 [hbm:s0], s1  }
0x11c: {  	s0 =	simm.s32 @!p0 $0x2  }
0x11d: {  	_ =	swait.ge @!p0 [sflag:s0], s1  }
0x11e: {  	s1 =	ssub.s32 @!p0 $0x0, s1;
	[sflag:s0] =	ssyncset.done @!p0 $0x0  }
0x11f: {  	[sflag:s0] =	ssyncadd.s32 @!p0 s1  }
0x120: {  	[bflag:$0x3] =	sbarrier.arrive $0xFFFF  }
0x121: {  	_ =	shalt  }

// kernel: sparse-core-data-format-call.1.cloned.1.call-start
scs
called_computation.1_lowered:
.L_overlay_start_0:
0x0: {  	s1 =	sld [smem:$0x3FD9]  }
0x1: {  	s2 =	sld [smem:$0x3FFE];
	_ =	sdelay $0x1  }
0x2: {  	s3 =	srdreg.scid  }
0x3: {  	s0 =	sand.u32 $0x1, s3  }
0x4: {  	s17 =	sshll.u32 s0, $0xA;
	s1 =	sadd.s32 s2, s1  }
0x5: {  	s1 =	sadd.s32 s1, s17  }
0x6: {  	[smem:$0x3FB9] =	sst s1  }
0x7: {  	_ = 	snop  }
0x8: {  	(tm) =	ssettm $0x1  }
0x9: {  	s18 =	sld [smem:$0x3FFB];
	_ =	sdelay $0x3  }
0xa: {  	_ =	strace s18  }
0xb: {  	s1 =	sld [smem:$0x3FFC];
	_ =	sdelay $0x3  }
0xc: {  	_ =	strace s1  }
0xd: {  	s1 =	sld [smem:$0x3FFD];
	_ =	sdelay $0x3  }
0xe: {  	_ =	strace s1  }
0xf: {  	_ =	strace $0x8FFFFFFF  }
0x10: {  	s19 =	sld [smem:$0x3FDB];
	_ =	sdelay $0x1  }
0x11: {  	s20 =	simm.s32 $_scs_section_size  }
0x12: {  	s4 =	simm.s32 $_size__tile_overlayer_lowered;
	s5 =	simm.s32 $_tile_overlayer_lowered  }
0x13: {  	s23 =	simm.s32 $0x1BFF;
	s22 =	sshll.u32 s5, $0x1;
	s1 =	sadd.s32 s20, s19  }
0x14: {  	s6 =	simm.s32 $0x0;
	s21 =	sshll.u32 s4, $0x1;
	s4 =	sadd.s32 s22, s1  }
0x15: {  	[timem:s6], [sflag:s23] =	dma.local [hbm:s4], s21  }
0x16: {  	_ =	swait.ge [sflag:s23], s21  }
0x17: {  	s2 =	ssub.s32 $0x0, s21;
	[sflag:s23] =	ssyncset.done $0x0  }
0x18: {  	[sflag:s23] =	ssyncadd.s32 s2;
	_ =	sdelay $0x1  }
0x19: {  	s24 =	simm.s32 $0x1B8B  }
0x1a: {  	_ =	swait.ge [sflag:s24], $0x1  }
0x1b: {  	[sflag:s24] =	ssyncset.done $0x0  }
0x1c: {  	s26 =	simm.s32 $0x1B8E;
	s25 =	sld [smem:$0x3FFE];
	[sflag:s24] =	ssyncadd.s32 $0xFFFFFFFF  }
0x1d: {  	s27 =	simm.s32 $execute0_lowered;
	[smem:$0x3FD2] =	sst s26  }
0x1e: {  	s4 =	sshll.u32 s27, $0x1;
	_ =	strace $0x8000004C;
	[dreg:$0x1] =	wrdreg $0xFFFFFFFF  }
0x1f: {  	s28 =	simm.s32 $_size_execute0_lowered;
	s1 =	sadd.s32 s1, s4;
	[dreg:$0x0] =	wrdreg $0x0  }
0x20: {  	s4 =	sshll.u32 s28, $0x1;
	[dreg:$0x2] =	wrdreg s1  }
0x21: {  	[dreg:$0x3] =	wrdreg s4  }
0x22: {  	[dreg:$0x4] =	wrdreg $0xC0  }
0x23: {  	_ =	task [dreg:s6], $0x5FFFF  }
0x24: {  	[dreg:$0x1] =	wrdreg $0xFFFFFFFF  }
0x25: {  	[dreg:$0x0] =	wrdreg $0x60  }
0x26: {  	[dreg:$0x2] =	wrdreg s25  }
0x27: {  	[dreg:$0x3] =	wrdreg $0x9  }
0x28: {  	_ =	task.clear_ibuf [dreg:s6], $0x4FFFF;
	_ =	strace $0x9000004C  }
0x29: {  	s29 =	simm.s32 $0x9;
	_ =	strace $0x8000004E  }
0x2a: {  	_ =	swait.ge [sflag:s29], $0x1  }
0x2b: {  	[sflag:s29] =	ssyncadd.s32 $0xFFFFFFFF  }
0x2c: {  	_ =	strace $0x9000004E  }
0x2d: {  	_ =	sfence  }
0x2e: {  	s30 =	sld [smem:$0x0];
	_ =	sdelay $0x2  }
0x2f: {  	s31 =	sshll.u32 s3, $0xD;
	s3 =	sshrl.u32 s3, $0x2  }
0x30: {  	s2 =	sand.u32 $0x4000, s31;
	s1 =	sadd.s32 s3, s30  }
0x31: {  	s0 =	sor.u32 s2, s0;
	s1 =	sshll.u32 s1, $0x11  }
0x32: {  	s0 =	sor.u32 s1, s0  }
0x33: {  	s0 =	sadd.s32 $0x8F2B, s0  }
0x34: {  	[sflag:s0] =	ssyncadd.remote.s32 $0x1  }
0x35: {  	_ =	sfence.sel $0xFFFF  }
0x36: {  	[dreg:$0x0] =	wrdreg $0xFFFFFFFF;
	(pc) =	sbr.abs _section_cstart, $3  }
0x37: {  	[dreg:$0x1] =	wrdreg $0xFFFFFFFF  }
0x38: {  	_ =	task.clear_ibuf [dreg:s6], $0x2FFFF;
	_ =	strace $0x9FFFFFFF  }
0x39: {  	(tm) =	ssettm $0x7FFFFFFF  }
tec
execute0_lowered:
.L_overlay_start_1:
0x0: {  	(tag) =	ssettag $0x1  }
0x1: {  	s0 =	stileid.u32;
	s1 =	srdreg.scid  }
0x2: {  	s7 =	rddreg [dreg:$0x0];
	s31 =	simm.s32 $0x2;
	s14 =	simm.s32 $0x0  }
0x3: {  	s13 =	simm.s32 $0x0;
	s12 =	simm.s32 $0x0;
	s2 =	sshll.u32 s0, $0x7  }
0x4: {  	s3 =	sshll.u32 s0, $0x4;
	s1 =	sshll.u32 s1, $0x8;
	s2 =	sand.u32 $0x380, s2  }
0x5: {  	s3 =	sor.u32 s3, s1;
	s1 =	rddreg [dreg:$0x1];
	_ =	strace $0x8000004D  }
0x6: {  	s3 =	sand.u32 $0x180, s3;
	s4 =	ssub.s32 $0x400, s2;
	s11 =	smov.u32 s2  }
0x7: {  	s5 =	sand.u32 $0x380, s4;
	s6 =	ssub.s32 $0x2000, s3;
	s9 =	sshrl.u32 s4, $0xA  }
0x8: {  	p0 =	sne.s32 s5, $0x0;
	s5 =	simm.s32 $0x1;
	s8 =	sand.u32 $0x180, s6  }
0x9: {  	s5 =	simm.s32 @!p0 $0x0;
	p0 =	sne.s32 s8, $0x0;
	s8 =	simm.s32 $0x1  }
.Ltmp0:
0xa: {  	s6 =	sshrl.u32 s6, $0x9;
	s8 =	simm.s32 @!p0 $0x0;
	(pc) =	sbr.rel .LBB1_1-.Ltmp0, $4  }
0xb: {  	s4 =	simm.s32 $0x1;
	s5 =	sadd.s32 s5, s9;
	s6 =	sadd.s32 s8, s6  }
0xc: {  	s10 =	smov.u32 s3;
	[sflag:s4] =	ssyncpa.u1 $0x0;
	s5 =	smul.u32 s5, s6  }
0xd: {  	[sflag:s31] =	ssyncpa.u1 $0x0;
	p0 =	por $0x0, $0x0;
	s9 =	simm.s32 $0x2000  }
0xe: {  	s6 =	sadd.s32 $0xC5E00, s7;
	s7 =	sadd.s32 $0x2C5E00, s7;
	s8 =	sadd.s32 $0x1, s5  }
.LBB1_4:
0xf: {  	v5 =	vld [tilespmem:s18+$0xFFFFFFD0];
	[tilespmem:s17+$0x2040 ss:$0x81] =	vst.msk $0xffff, v1  }
0x10: {  	v58 =	vld [tilespmem:s18+$0xFFFFFFE0];
	[tilespmem:s17+$0x2850 ss:$0x81] =	vst.msk $0xffff, v2  }
0x11: {  	s19 =	sshra.s32 s19, $0x2;
	v59 =	vld [tilespmem:s18+$0xFFFFFFF0];
	[tilespmem:s17+$0x3060 ss:$0x81] =	vst.msk $0xffff, v3  }
0x12: {  	v60 =	vld [tilespmem:s18+$0x0];
	[tilespmem:s17+$0x0 ss:$0x81] =	vst.msk $0xffff, v0;
	s16 =	sadd.s32 s19, s16  }
0x13: {  	v61 =	vld [tilespmem:s18+$0x10];
	[tilespmem:s16+$0x3870 ss:$0x81] =	vst.msk $0xffff, v4  }
0x14: {  	v62 =	vld [tilespmem:s18+$0x20];
	s26 =	sshll.u32 s14, $0xA;
	s27 =	sshll.u32 s13, $0x3;
	[tilespmem:s16+$0x810 ss:$0x81] =	vst.msk $0xffff, v5  }
0x15: {  	v63 =	vld [tilespmem:s18+$0xFFFFFFC0];
	s29 =	sshll.u32 s14, $0x7;
	s17 =	sand.u32 $0x7FE000, s26;
	s28 =	sand.u32 $0x7FFC00, s27;
	[tilespmem:s16+$0x1020 ss:$0x81] =	vst.msk $0xffff, v58  }
0x16: {  	s30 =	sand.u32 $0x78, s13;
	s14 =	sand.u32 $0x380, s29;
	s17 =	sadd.s32 s28, s17;
	[tilespmem:s16+$0x1830 ss:$0x81] =	vst.msk $0xffff, v59  }
0x17: {  	s14 =	sor.u32 s30, s14;
	s17 =	sand.u32 $0x7FFC00, s17;
	[tilespmem:s16+$0x2040 ss:$0x81] =	vst.msk $0xffff, v60  }
0x18: {  	s31 =	sand.u32 $0x7, s13;
	s14 =	sor.u32 s17, s14;
	[tilespmem:s16+$0x2850 ss:$0x81] =	vst.msk $0xffff, v61  }
0x19: {  	s13 =	sshll.u32 s31, $0x12;
	[tilespmem:s16+$0x3060 ss:$0x81] =	vst.msk $0xffff, v62;
	s14 =	sshrl.u32 s14, $0x3  }
0x1a: {  	s13 =	sor.u32 $0x400, s13;
	[tilespmem:s16+$0x0 ss:$0x81] =	vst.msk $0xffff, v63;
	s14 =	sadd.s32 s7, s14  }
0x1b: {  	[hbm4b:s14+s13] =	stream.strided.scatter [tilespmem:s15], [sflag:$0x2], $0x4000, s9, s13, $0x20;
	[tilespmem:$0x10100] =	vst v63  }
.LBB1_5:
0x1c: {  	s15 =	sadd.s32 $0x200, s10  }
0x1d: {  	s13 =	sadd.s32 $0x400, s11;
	s17 =	smov.u32 s11;
	p2 =	sgt.s32 s15, $0x1FFF  }
0x1e: {  	s17 =	smov.u32 @p2 s13  }
0x1f: {  	s15 =	smov.u32 @p2 s3;
	p2 =	sgt.s32 s17, $0x3FF  }
0x20: {  	s17 =	smov.u32 @p2 s2;
	p2 =	sne.s32 s12, s8  }
.Ltmp1:
0x21: {  	p1 =	slt.u32 s12, $0x2;
	(pc) =	sbr.rel @!p2 .LBB1_6-.Ltmp1, $4  }
0x22: {  	s16 =	simm.s32 @!p1 $0x2  }
0x23: {  	s14 =	smov.u32 s10;
	p0 =	por !p0, !p0;
	_ =	swait.ge @!p1 [sflag:s16], $0x4000  }
0x24: {  	s13 =	smov.u32 s11;
	[sflag:s16] =	ssyncset.done @!p1 $0x0;
	s10 =	smov.u32 s15  }
0x25: {  	s12 =	sadd.s32 $0x1, s12;
	[sflag:s16] =	ssyncadd.s32 @!p1 $0xFFFFC000;
	s11 =	smov.u32 s17  }
.LBB1_1:
0x26: {  	p1 =	sge.u32 s12, s5;
	s31 =	sadd.s32 $0xFFFFFFFF, s12  }
0x27: {  	s15 =	sand.u32 @!p1 $0x78, s10;
	s16 =	sshll.u32 @!p1 s11, $0xD;
	s17 =	sshll.u32 @!p1 s11, $0x7  }
0x28: {  	s18 =	sshll.u32 @!p1 s10, $0x3;
	s16 =	sand.u32 @!p1 $0x7F0000, s16;
	s17 =	sand.u32 @!p1 $0x380, s17  }
0x29: {  	s16 =	sadd.s32 @!p1 s16, s18;
	s18 =	sand.u32 @!p1 $0x1C00, s18;
	s15 =	sor.u32 @!p1 s17, s15  }
0x2a: {  	s17 =	sxor.u32 @!p1 $0xFFFFFFFF, s12;
	s16 =	sand.u32 @!p1 $0x7FE000, s16;
	s15 =	sor.u32 @!p1 s18, s15  }
0x2b: {  	s17 =	sshll.u32 @!p1 s17, $0xE;
	s15 =	sor.u32 @!p1 s16, s15;
	s16 =	sand.u32 @!p1 $0x7, s10  }
0x2c: {  	s18 =	simm.s32 @!p1 $0x10000;
	s15 =	sshrl.u32 @!p1 s15, $0x3;
	s16 =	sshll.u32 @!p1 s16, $0x12  }
0x2d: {  	s17 =	sand.u32 @!p1 $0x4000, s17;
	s15 =	sadd.s32 @!p1 s6, s15;
	s16 =	sor.u32 @!p1 $0x400, s16  }
0x2e: {  	[tilespmem:s17], [sflag:$0x1] =	stream.strided.gather @!p1 [hbm4b:s15+s16], $0x4000, s18, s16, $0x38;
	[tilespmem:$0x10100] =	vst v63  }
0x2f: {  	p1 =	sge.u32 s31, s5  }
.Ltmp2:
0x30: {  	_ = 	snop;
	(pc) =	sbr.rel @p1 .LBB1_5-.Ltmp2, $1  }
0x31: {  	_ =	sdelay $0x3  }
0x32: {  	s15 =	simm.s32 $0x1  }
0x33: {  	_ =	swait.ge [sflag:s4], $0x4000;
	s15 =	simm.s32 @!p0 $0x0  }
0x34: {  	[sflag:s4] =	ssyncset.done $0x0;
	s16 =	sshll.u32 s15, $0xE  }
0x35: {  	[sflag:s4] =	ssyncadd.s32 $0xFFFFC000;
	s18 =	sor.u32 $0x40, s16  }
0x36: {  	s15 =	smul.u32 $0x10200, s15;
	v0 =	vld [tilespmem:s18+$0x30]  }
0x37: {  	v3 =	vld [tilespmem:s18+$0xFFFFFFD0]  }
0x38: {  	s15 =	sshrl.u32 s15, $0x2;
	v4 =	vld [tilespmem:s18+$0xFFFFFFE0]  }
0x39: {  	v5 =	vld [tilespmem:s18+$0xFFFFFFF0];
	s16 =	sor.u32 $0x8000, s15  }
0x3a: {  	s31 =	sand.u32 $0x1, s12;
	v1 =	vld [tilespmem:s18+$0x0];
	s17 =	sadd.s32 $0x0, s16  }
0x3b: {  	v2 =	vld [tilespmem:s18+$0x10];
	s15 =	smul.u32 $0x10200, s31;
	[tilespmem:s17+$0x3870 ss:$0x81] =	vst.msk $0xffff, v0  }
0x3c: {  	[tilespmem:s17+$0x810 ss:$0x81] =	vst.msk $0xffff, v3;
	v3 =	vld [tilespmem:s18+$0x20]  }
0x3d: {  	s15 =	sshrl.u32 s15, $0x2;
	v0 =	vld [tilespmem:s18+$0xFFFFFFC0];
	[tilespmem:s17+$0x1020 ss:$0x81] =	vst.msk $0xffff, v4;
	s18 =	sadd.s32 $0x80, s18  }
0x3e: {  	s19 =	simm.s32 $0x4;
	s20 =	simm.s32 $0x8;
	s15 =	sor.u32 $0x8000, s15;
	[tilespmem:s17+$0x1830 ss:$0x81] =	vst.msk $0xffff, v5;
	v4 =	vld [tilespmem:s18+$0x30]  }
.LBB1_3:
0x3f: {  	p1 =	sne.s32 s20, $0x1FC;
	v5 =	vld [tilespmem:s18+$0xFFFFFFD0];
	[tilespmem:s17+$0x2040 ss:$0x81] =	vst.msk $0xffff, v1  }
0x40: {  	v6 =	vld [tilespmem:s18+$0xFFFFFFE0];
	[tilespmem:s17+$0x2850 ss:$0x81] =	vst.msk $0xffff, v2  }
0x41: {  	s21 =	sshra.s32 s19, $0x2;
	s19 =	smov.u32 s20;
	v7 =	vld [tilespmem:s18+$0xFFFFFFF0];
	[tilespmem:s17+$0x3060 ss:$0x81] =	vst.msk $0xffff, v3  }
.Ltmp3:
0x42: {  	v1 =	vld [tilespmem:s18+$0x0];
	[tilespmem:s17+$0x0 ss:$0x81] =	vst.msk $0xffff, v0;
	s17 =	sadd.s32 s21, s16;
	(pc) =	sbr.rel @p1 .LBB1_3-.Ltmp3, $4  }
0x43: {  	v2 =	vld [tilespmem:s18+$0x10];
	[tilespmem:s17+$0x3870 ss:$0x81] =	vst.msk $0xffff, v4  }
0x44: {  	[tilespmem:s17+$0x810 ss:$0x81] =	vst.msk $0xffff, v5;
	v3 =	vld [tilespmem:s18+$0x20]  }
0x45: {  	v0 =	vld [tilespmem:s18+$0xFFFFFFC0];
	[tilespmem:s17+$0x1020 ss:$0x81] =	vst.msk $0xffff, v6;
	s18 =	sadd.s32 $0x80, s18  }
0x46: {  	s20 =	sadd.s32 $0x4, s20;
	v4 =	vld [tilespmem:s18+$0x30];
	[tilespmem:s17+$0x1830 ss:$0x81] =	vst.msk $0xffff, v7  }
.Ltmp4:
0x47: {  	_ = 	snop;
	(pc) =	sbr.rel .LBB1_4-.Ltmp4, $1  }
0x48: {  	_ =	sdelay $0x3  }
.LBB1_6:
0x49: {  	_ =	sfence.sel $0x180000  }
0x4a: {  	s2 =	simm.s32 $0x1;
	[bflag:$0x0] =	sbarrier.arrive $0xFFFF  }
0x4b: {  	s31 =	simm.s32 $0x2;
	[sflag:s2] =	ssyncpa.u1 $0x1  }
0x4c: {  	[sflag:s31] =	ssyncpa.u1 $0x1  }
0x4d: {  	p0 =	sne.s32 s0, $0x0;
	_ =	strace $0x9000004D  }
0x4e: {  	s0 =	sadd.s32 @!p0 $0x100000, s1;
	[bflag:$0x2] =	sbarrier.arrive $0xFFFF  }
0x4f: {  	[sflag:s0] =	ssyncadd.tile.s32 @!p0 $0x1;
	_ =	shalt  }
.Lfunc_end1:
_tile_overlayer_lowered:
.L_overlay_start_2:
0x50: {  	(tag) =	ssettag $0x2  }
0x51: {  	s0 =	rddreg [dreg:$0x0];
	s2 =	stileid.u32  }
0x52: {  	s1 =	rddreg [dreg:$0x1];
	p0 =	sne.s32 s2, $0x0  }
0x53: {  	s3 =	rddreg [dreg:$0x2];
	[bflag:$0x3] =	sbarrier.arrive $0xFFFF;
	s2 =	simm.s32 @!p0 $0x1C01  }
0x54: {  	[timem:s3], [sflag:s2] =	dma.local @!p0 [hbm:s0], s1  }
0x55: {  	s0 =	simm.s32 @!p0 $0x1  }
0x56: {  	_ =	swait.ge @!p0 [sflag:s0], s1  }
0x57: {  	s1 =	ssub.s32 @!p0 $0x0, s1;
	[sflag:s0] =	ssyncset.done @!p0 $0x0  }
0x58: {  	[sflag:s0] =	ssyncadd.s32 @!p0 s1  }
0x59: {  	[bflag:$0x3] =	sbarrier.arrive $0xFFFF  }
0x5a: {  	_ =	shalt  }

// kernel: sparse-core-data-format-call.2.cloned.1.call-start
scs
called_computation.2_lowered:
.L_overlay_start_0:
0x0: {  	s1 =	sld [smem:$0x3FD9]  }
0x1: {  	s2 =	sld [smem:$0x3FFE];
	_ =	sdelay $0x1  }
0x2: {  	s3 =	srdreg.scid  }
0x3: {  	s0 =	sand.u32 $0x1, s3  }
0x4: {  	s17 =	sshll.u32 s0, $0xA;
	s1 =	sadd.s32 s2, s1  }
0x5: {  	s1 =	sadd.s32 s1, s17  }
0x6: {  	[smem:$0x3FB9] =	sst s1  }
0x7: {  	_ = 	snop  }
0x8: {  	(tm) =	ssettm $0x1  }
0x9: {  	s18 =	sld [smem:$0x3FFB];
	_ =	sdelay $0x3  }
0xa: {  	_ =	strace s18  }
0xb: {  	s1 =	sld [smem:$0x3FFC];
	_ =	sdelay $0x3  }
0xc: {  	_ =	strace s1  }
0xd: {  	s1 =	sld [smem:$0x3FFD];
	_ =	sdelay $0x3  }
0xe: {  	_ =	strace s1  }
0xf: {  	_ =	strace $0x8FFFFFFF  }
0x10: {  	s19 =	sld [smem:$0x3FDB];
	_ =	sdelay $0x1  }
0x11: {  	s20 =	simm.s32 $_scs_section_size  }
0x12: {  	s4 =	simm.s32 $_size__tile_overlayer_lowered;
	s5 =	simm.s32 $_tile_overlayer_lowered  }
0x13: {  	s23 =	simm.s32 $0x1BFF;
	s22 =	sshll.u32 s5, $0x1;
	s1 =	sadd.s32 s20, s19  }
0x14: {  	s6 =	simm.s32 $0x0;
	s21 =	sshll.u32 s4, $0x1;
	s4 =	sadd.s32 s22, s1  }
0x15: {  	[timem:s6], [sflag:s23] =	dma.local [hbm:s4], s21  }
0x16: {  	_ =	swait.ge [sflag:s23], s21  }
0x17: {  	s2 =	ssub.s32 $0x0, s21;
	[sflag:s23] =	ssyncset.done $0x0  }
0x18: {  	[sflag:s23] =	ssyncadd.s32 s2;
	_ =	sdelay $0x1  }
0x19: {  	s24 =	simm.s32 $0x1B8B  }
0x1a: {  	_ =	swait.ge [sflag:s24], $0x1  }
0x1b: {  	[sflag:s24] =	ssyncset.done $0x0  }
0x1c: {  	s26 =	simm.s32 $0x1B8E;
	s25 =	sld [smem:$0x3FFE];
	[sflag:s24] =	ssyncadd.s32 $0xFFFFFFFF  }
0x1d: {  	s27 =	simm.s32 $execute0_lowered;
	[smem:$0x3FD2] =	sst s26  }
0x1e: {  	s4 =	sshll.u32 s27, $0x1;
	_ =	strace $0x80000049;
	[dreg:$0x1] =	wrdreg $0xFFFFFFFF  }
0x1f: {  	s28 =	simm.s32 $_size_execute0_lowered;
	s1 =	sadd.s32 s1, s4;
	[dreg:$0x0] =	wrdreg $0x0  }
0x20: {  	s4 =	sshll.u32 s28, $0x1;
	[dreg:$0x2] =	wrdreg s1  }
0x21: {  	[dreg:$0x3] =	wrdreg s4  }
0x22: {  	[dreg:$0x4] =	wrdreg $0xC0  }
0x23: {  	_ =	task [dreg:s6], $0x5FFFF  }
0x24: {  	[dreg:$0x1] =	wrdreg $0xFFFFFFFF  }
0x25: {  	[dreg:$0x0] =	wrdreg $0x60  }
0x26: {  	[dreg:$0x2] =	wrdreg s25  }
0x27: {  	[dreg:$0x3] =	wrdreg $0x9  }
0x28: {  	_ =	task.clear_ibuf [dreg:s6], $0x4FFFF;
	_ =	strace $0x90000049  }
0x29: {  	s29 =	simm.s32 $0x9;
	_ =	strace $0x8000004B  }
0x2a: {  	_ =	swait.ge [sflag:s29], $0x1  }
0x2b: {  	[sflag:s29] =	ssyncadd.s32 $0xFFFFFFFF  }
0x2c: {  	_ =	strace $0x9000004B  }
0x2d: {  	_ =	sfence  }
0x2e: {  	s30 =	sld [smem:$0x0];
	_ =	sdelay $0x2  }
0x2f: {  	s31 =	sshll.u32 s3, $0xD;
	s3 =	sshrl.u32 s3, $0x2  }
0x30: {  	s2 =	sand.u32 $0x4000, s31;
	s1 =	sadd.s32 s3, s30  }
0x31: {  	s0 =	sor.u32 s2, s0;
	s1 =	sshll.u32 s1, $0x11  }
0x32: {  	s0 =	sor.u32 s1, s0  }
0x33: {  	s0 =	sadd.s32 $0x8F2B, s0  }
0x34: {  	[sflag:s0] =	ssyncadd.remote.s32 $0x1  }
0x35: {  	_ =	sfence.sel $0xFFFF  }
0x36: {  	[dreg:$0x0] =	wrdreg $0xFFFFFFFF;
	(pc) =	sbr.abs _section_cstart, $3  }
0x37: {  	[dreg:$0x1] =	wrdreg $0xFFFFFFFF  }
0x38: {  	_ =	task.clear_ibuf [dreg:s6], $0x2FFFF;
	_ =	strace $0x9FFFFFFF  }
0x39: {  	(tm) =	ssettm $0x7FFFFFFF  }
tec
execute0_lowered:
.L_overlay_start_1:
0x0: {  	(tag) =	ssettag $0x1  }
0x1: {  	s0 =	stileid.u32;
	s1 =	srdreg.scid  }
0x2: {  	s4 =	rddreg [dreg:$0x0];
	s7 =	simm.s32 $0x1;
	s31 =	simm.s32 $0x2  }
0x3: {  	s14 =	simm.s32 $0x0;
	s2 =	sshll.u32 s0, $0x4;
	s1 =	sshll.u32 s1, $0x8  }
0x4: {  	s9 =	simm.s32 $0x2000;
	s15 =	simm.s32 $0x0;
	s1 =	sor.u32 s2, s1  }
0x5: {  	s16 =	simm.s32 $0x0;
	s10 =	simm.s32 $0x0;
	s2 =	sand.u32 $0x180, s1  }
0x6: {  	s13 =	simm.s32 $0x0;
	s3 =	sadd.s32 $0x2C5E00, s4;
	s5 =	ssub.s32 $0x400, s2  }
0x7: {  	s4 =	sadd.s32 $0x6C5E00, s4;
	s1 =	rddreg [dreg:$0x1];
	s6 =	sand.u32 $0x180, s5  }
.Ltmp0:
0x8: {  	_ =	strace $0x8000004A;
	p0 =	sne.s32 s6, $0x0;
	(pc) =	sbr.rel .LBB1_1-.Ltmp0, $4  }
0x9: {  	s11 =	smov.u32 s2;
	s8 =	sshrl.u32 s5, $0x9;
	s7 =	simm.s32 @!p0 $0x0  }
0xa: {  	s5 =	sand.u32 $0x7, s0;
	s6 =	simm.s32 $0x1;
	s7 =	sadd.s32 s7, s8  }
0xb: {  	s12 =	smov.u32 s5;
	[sflag:s6] =	ssyncpa.u1 $0x0;
	s7 =	sshll.u32 s7, $0x5  }
0xc: {  	p0 =	por $0x0, $0x0;
	[sflag:s31] =	ssyncpa.u1 $0x0;
	s8 =	sor.u32 $0x1, s7  }
.LBB1_4:
0xd: {  	v5 =	vld [tilespmem:s20+$0xFFFFFFD0];
	[tilespmem:s19+$0x2040 ss:$0x81] =	vst.msk $0xffff, v1  }
0xe: {  	v58 =	vld [tilespmem:s20+$0xFFFFFFE0];
	[tilespmem:s19+$0x2850 ss:$0x81] =	vst.msk $0xffff, v2  }
0xf: {  	s21 =	sshra.s32 s21, $0x2;
	v59 =	vld [tilespmem:s20+$0xFFFFFFF0];
	[tilespmem:s19+$0x3060 ss:$0x81] =	vst.msk $0xffff, v3  }
0x10: {  	v60 =	vld [tilespmem:s20+$0x0];
	[tilespmem:s19+$0x0 ss:$0x81] =	vst.msk $0xffff, v0;
	s18 =	sadd.s32 s21, s18  }
0x11: {  	v61 =	vld [tilespmem:s20+$0x10];
	[tilespmem:s18+$0x3870 ss:$0x81] =	vst.msk $0xffff, v4  }
0x12: {  	v62 =	vld [tilespmem:s20+$0x20];
	[tilespmem:s18+$0x810 ss:$0x81] =	vst.msk $0xffff, v5  }
0x13: {  	v63 =	vld [tilespmem:s20+$0xFFFFFFC0];
	[tilespmem:s18+$0x1020 ss:$0x81] =	vst.msk $0xffff, v58  }
0x14: {  	s16 =	sshll.u32 s16, $0x7;
	s29 =	sand.u32 $0x78, s15;
	[tilespmem:s18+$0x1830 ss:$0x81] =	vst.msk $0xffff, v59  }
0x15: {  	s30 =	sand.u32 $0x380, s15;
	s14 =	sshll.u32 s14, $0xA;
	s16 =	sand.u32 $0x380, s16;
	[tilespmem:s18+$0x2040 ss:$0x81] =	vst.msk $0xffff, v60  }
0x16: {  	s31 =	sand.u32 $0x7, s15;
	s19 =	sadd.s32 s4, s30;
	s16 =	sor.u32 s29, s16;
	[tilespmem:s18+$0x2850 ss:$0x81] =	vst.msk $0xffff, v61  }
0x17: {  	s15 =	sshll.u32 s31, $0x12;
	s14 =	sadd.s32 s14, s19;
	s16 =	sshrl.u32 s16, $0x3;
	[tilespmem:s18+$0x3060 ss:$0x81] =	vst.msk $0xffff, v62  }
0x18: {  	s15 =	sor.u32 $0x80, s15;
	s14 =	sadd.s32 s16, s14;
	[tilespmem:s18+$0x0 ss:$0x81] =	vst.msk $0xffff, v63  }
0x19: {  	[hbm4b:s14+s15] =	stream.strided.scatter [tilespmem:s17], [sflag:$0x2], $0x4000, s9, s15, $0x20;
	[tilespmem:$0x10100] =	vst v63  }
.LBB1_5:
0x1a: {  	s17 =	sadd.s32 $0x80, s10  }
0x1b: {  	s14 =	sadd.s32 $0x200, s11;
	s18 =	smov.u32 s11;
	p2 =	sgt.s32 s17, $0xFFF  }
0x1c: {  	s18 =	smov.u32 @p2 s14  }
0x1d: {  	s20 =	smov.u32 s12;
	s14 =	sadd.s32 $0x8, s12;
	p3 =	sgt.s32 s18, $0x3FF  }
0x1e: {  	s20 =	smov.u32 @p3 s14  }
0x1f: {  	s17 =	simm.s32 @p2 $0x0;
	p2 =	sgt.s32 s20, $0x7  }
0x20: {  	p1 =	slt.u32 s13, $0x2;
	s20 =	smov.u32 @p2 s5;
	p2 =	sne.s32 s13, s8  }
.Ltmp1:
0x21: {  	s19 =	simm.s32 @!p1 $0x2;
	(pc) =	sbr.rel @!p2 .LBB1_6-.Ltmp1, $4  }
0x22: {  	s15 =	smov.u32 s11;
	s16 =	smov.u32 s12;
	_ =	swait.ge @!p1 [sflag:s19], $0x4000  }
0x23: {  	p0 =	por !p0, !p0;
	[sflag:s19] =	ssyncset.done @!p1 $0x0;
	s18 =	smov.u32 @p3 s2  }
0x24: {  	s14 =	smov.u32 s10;
	[sflag:s19] =	ssyncadd.s32 @!p1 $0xFFFFC000;
	s10 =	smov.u32 s17  }
0x25: {  	s11 =	smov.u32 s18;
	s13 =	sadd.s32 $0x1, s13;
	s12 =	smov.u32 s20  }
.LBB1_1:
0x26: {  	p1 =	sge.u32 s13, s7;
	s31 =	sadd.s32 $0xFFFFFFFF, s13  }
0x27: {  	s17 =	sxor.u32 @!p1 $0xFFFFFFFF, s13;
	s18 =	sand.u32 @!p1 $0x78, s10;
	s19 =	sshll.u32 @!p1 s11, $0xC  }
0x28: {  	s20 =	sshll.u32 @!p1 s11, $0x7;
	s21 =	sshll.u32 @!p1 s10, $0x3;
	s17 =	sshll.u32 @!p1 s17, $0xE  }
0x29: {  	s19 =	sand.u32 @!p1 $0x3F8000, s19;
	s20 =	sand.u32 @!p1 $0x380, s20;
	s17 =	sand.u32 @!p1 $0x4000, s17  }
0x2a: {  	s19 =	sadd.s32 @!p1 s19, s21;
	s21 =	sand.u32 @!p1 $0xC00, s21;
	s18 =	sor.u32 @!p1 s20, s18  }
0x2b: {  	s20 =	sshll.u32 @!p1 s12, $0x13;
	s18 =	sor.u32 @!p1 s21, s18;
	s19 =	sshrl.u32 @!p1 s19, $0x3  }
0x2c: {  	s20 =	sadd.s32 @!p1 s3, s20;
	s21 =	sand.u32 @!p1 $0x7, s10;
	s19 =	sand.u32 @!p1 $0x7FE00, s19  }
0x2d: {  	s18 =	sshrl.u32 @!p1 s18, $0x3;
	s19 =	sadd.s32 @!p1 s19, s20;
	s20 =	sshll.u32 @!p1 s21, $0x12  }
0x2e: {  	s18 =	sadd.s32 @!p1 s18, s19;
	s19 =	sor.u32 @!p1 $0x400, s20;
	s20 =	simm.s32 @!p1 $0x8000  }
0x2f: {  	[tilespmem:s17], [sflag:$0x1] =	stream.strided.gather @!p1 [hbm4b:s18+s19], $0x4000, s20, s19, $0x38;
	[tilespmem:$0x10100] =	vst v63  }
0x30: {  	p1 =	sge.u32 s31, s7  }
.Ltmp2:
0x31: {  	_ = 	snop;
	(pc) =	sbr.rel @p1 .LBB1_5-.Ltmp2, $1  }
0x32: {  	_ =	sdelay $0x3  }
0x33: {  	s17 =	simm.s32 $0x1  }
0x34: {  	_ =	swait.ge [sflag:s6], $0x4000;
	s17 =	simm.s32 @!p0 $0x0  }
0x35: {  	[sflag:s6] =	ssyncset.done $0x0;
	s18 =	sshll.u32 s17, $0xE  }
0x36: {  	[sflag:s6] =	ssyncadd.s32 $0xFFFFC000;
	s20 =	sor.u32 $0x40, s18  }
0x37: {  	s17 =	smul.u32 $0x10200, s17;
	v0 =	vld [tilespmem:s20+$0x30]  }
0x38: {  	v3 =	vld [tilespmem:s20+$0xFFFFFFD0]  }
0x39: {  	s17 =	sshrl.u32 s17, $0x2;
	v4 =	vld [tilespmem:s20+$0xFFFFFFE0]  }
0x3a: {  	v5 =	vld [tilespmem:s20+$0xFFFFFFF0];
	s18 =	sor.u32 $0x8000, s17  }
0x3b: {  	s31 =	sand.u32 $0x1, s13;
	v1 =	vld [tilespmem:s20+$0x0];
	s19 =	sadd.s32 $0x0, s18  }
0x3c: {  	v2 =	vld [tilespmem:s20+$0x10];
	s17 =	smul.u32 $0x10200, s31;
	[tilespmem:s19+$0x3870 ss:$0x81] =	vst.msk $0xffff, v0  }
0x3d: {  	[tilespmem:s19+$0x810 ss:$0x81] =	vst.msk $0xffff, v3;
	v3 =	vld [tilespmem:s20+$0x20]  }
0x3e: {  	s17 =	sshrl.u32 s17, $0x2;
	v0 =	vld [tilespmem:s20+$0xFFFFFFC0];
	[tilespmem:s19+$0x1020 ss:$0x81] =	vst.msk $0xffff, v4;
	s20 =	sadd.s32 $0x80, s20  }
0x3f: {  	s21 =	simm.s32 $0x4;
	s22 =	simm.s32 $0x8;
	s17 =	sor.u32 $0x8000, s17;
	[tilespmem:s19+$0x1830 ss:$0x81] =	vst.msk $0xffff, v5;
	v4 =	vld [tilespmem:s20+$0x30]  }
.LBB1_3:
0x40: {  	p1 =	sne.s32 s22, $0x1FC;
	v5 =	vld [tilespmem:s20+$0xFFFFFFD0];
	[tilespmem:s19+$0x2040 ss:$0x81] =	vst.msk $0xffff, v1  }
0x41: {  	v6 =	vld [tilespmem:s20+$0xFFFFFFE0];
	[tilespmem:s19+$0x2850 ss:$0x81] =	vst.msk $0xffff, v2  }
0x42: {  	s23 =	sshra.s32 s21, $0x2;
	s21 =	smov.u32 s22;
	v7 =	vld [tilespmem:s20+$0xFFFFFFF0];
	[tilespmem:s19+$0x3060 ss:$0x81] =	vst.msk $0xffff, v3  }
.Ltmp3:
0x43: {  	v1 =	vld [tilespmem:s20+$0x0];
	[tilespmem:s19+$0x0 ss:$0x81] =	vst.msk $0xffff, v0;
	s19 =	sadd.s32 s23, s18;
	(pc) =	sbr.rel @p1 .LBB1_3-.Ltmp3, $4  }
0x44: {  	v2 =	vld [tilespmem:s20+$0x10];
	[tilespmem:s19+$0x3870 ss:$0x81] =	vst.msk $0xffff, v4  }
0x45: {  	[tilespmem:s19+$0x810 ss:$0x81] =	vst.msk $0xffff, v5;
	v3 =	vld [tilespmem:s20+$0x20]  }
0x46: {  	v0 =	vld [tilespmem:s20+$0xFFFFFFC0];
	[tilespmem:s19+$0x1020 ss:$0x81] =	vst.msk $0xffff, v6;
	s20 =	sadd.s32 $0x80, s20  }
0x47: {  	s22 =	sadd.s32 $0x4, s22;
	v4 =	vld [tilespmem:s20+$0x30];
	[tilespmem:s19+$0x1830 ss:$0x81] =	vst.msk $0xffff, v7  }
.Ltmp4:
0x48: {  	_ = 	snop;
	(pc) =	sbr.rel .LBB1_4-.Ltmp4, $1  }
0x49: {  	_ =	sdelay $0x3  }
.LBB1_6:
0x4a: {  	_ =	sfence.sel $0x180000  }
0x4b: {  	s2 =	simm.s32 $0x1;
	[bflag:$0x0] =	sbarrier.arrive $0xFFFF  }
0x4c: {  	s31 =	simm.s32 $0x2;
	[sflag:s2] =	ssyncpa.u1 $0x1  }
0x4d: {  	[sflag:s31] =	ssyncpa.u1 $0x1  }
0x4e: {  	p0 =	sne.s32 s0, $0x0;
	_ =	strace $0x9000004A  }
0x4f: {  	s0 =	sadd.s32 @!p0 $0x100000, s1;
	[bflag:$0x2] =	sbarrier.arrive $0xFFFF  }
0x50: {  	[sflag:s0] =	ssyncadd.tile.s32 @!p0 $0x1;
	_ =	shalt  }
.Lfunc_end1:
_tile_overlayer_lowered:
.L_overlay_start_2:
0x51: {  	(tag) =	ssettag $0x2  }
0x52: {  	s0 =	rddreg [dreg:$0x0];
	s2 =	stileid.u32  }
0x53: {  	s1 =	rddreg [dreg:$0x1];
	p0 =	sne.s32 s2, $0x0  }
0x54: {  	s3 =	rddreg [dreg:$0x2];
	[bflag:$0x3] =	sbarrier.arrive $0xFFFF;
	s2 =	simm.s32 @!p0 $0x1C01  }
0x55: {  	[timem:s3], [sflag:s2] =	dma.local @!p0 [hbm:s0], s1  }
0x56: {  	s0 =	simm.s32 @!p0 $0x1  }
0x57: {  	_ =	swait.ge @!p0 [sflag:s0], s1  }
0x58: {  	s1 =	ssub.s32 @!p0 $0x0, s1;
	[sflag:s0] =	ssyncset.done @!p0 $0x0  }
0x59: {  	[sflag:s0] =	ssyncadd.s32 @!p0 s1  }
0x5a: {  	[bflag:$0x3] =	sbarrier.arrive $0xFFFF  }
0x5b: {  	_ =	shalt  }

// kernel: sparse-core-data-format-call.cloned.1.call-start
scs
called_computation_lowered:
.L_overlay_start_0:
0x0: {  	s1 =	sld [smem:$0x3FD9]  }
0x1: {  	s2 =	sld [smem:$0x3FFE];
	_ =	sdelay $0x1  }
0x2: {  	s3 =	srdreg.scid  }
0x3: {  	s0 =	sand.u32 $0x1, s3  }
0x4: {  	s17 =	sshll.u32 s0, $0xA;
	s1 =	sadd.s32 s2, s1  }
0x5: {  	s1 =	sadd.s32 s1, s17  }
0x6: {  	[smem:$0x3FB9] =	sst s1  }
0x7: {  	_ = 	snop  }
0x8: {  	(tm) =	ssettm $0x1  }
0x9: {  	s18 =	sld [smem:$0x3FFB];
	_ =	sdelay $0x3  }
0xa: {  	_ =	strace s18  }
0xb: {  	s1 =	sld [smem:$0x3FFC];
	_ =	sdelay $0x3  }
0xc: {  	_ =	strace s1  }
0xd: {  	s1 =	sld [smem:$0x3FFD];
	_ =	sdelay $0x3  }
0xe: {  	_ =	strace s1  }
0xf: {  	_ =	strace $0x8FFFFFFF  }
0x10: {  	s19 =	sld [smem:$0x3FDB];
	_ =	sdelay $0x1  }
0x11: {  	s20 =	simm.s32 $_scs_section_size  }
0x12: {  	s4 =	simm.s32 $_size__tile_overlayer_lowered;
	s5 =	simm.s32 $_tile_overlayer_lowered  }
0x13: {  	s23 =	simm.s32 $0x1BFF;
	s22 =	sshll.u32 s5, $0x1;
	s1 =	sadd.s32 s20, s19  }
0x14: {  	s6 =	simm.s32 $0x0;
	s21 =	sshll.u32 s4, $0x1;
	s4 =	sadd.s32 s22, s1  }
0x15: {  	[timem:s6], [sflag:s23] =	dma.local [hbm:s4], s21  }
0x16: {  	_ =	swait.ge [sflag:s23], s21  }
0x17: {  	s2 =	ssub.s32 $0x0, s21;
	[sflag:s23] =	ssyncset.done $0x0  }
0x18: {  	[sflag:s23] =	ssyncadd.s32 s2;
	_ =	sdelay $0x1  }
0x19: {  	s24 =	simm.s32 $0x1B8B  }
0x1a: {  	_ =	swait.ge [sflag:s24], $0x1  }
0x1b: {  	[sflag:s24] =	ssyncset.done $0x0  }
0x1c: {  	s26 =	simm.s32 $0x1B8E;
	s25 =	sld [smem:$0x3FFE];
	[sflag:s24] =	ssyncadd.s32 $0xFFFFFFFF  }
0x1d: {  	s27 =	simm.s32 $execute0_lowered;
	[smem:$0x3FD2] =	sst s26  }
0x1e: {  	s4 =	sshll.u32 s27, $0x1;
	_ =	strace $0x8000004F;
	[dreg:$0x1] =	wrdreg $0xFFFFFFFF  }
0x1f: {  	s28 =	simm.s32 $_size_execute0_lowered;
	s1 =	sadd.s32 s1, s4;
	[dreg:$0x0] =	wrdreg $0x0  }
0x20: {  	s4 =	sshll.u32 s28, $0x1;
	[dreg:$0x2] =	wrdreg s1  }
0x21: {  	[dreg:$0x3] =	wrdreg s4  }
0x22: {  	[dreg:$0x4] =	wrdreg $0xC0  }
0x23: {  	_ =	task [dreg:s6], $0x5FFFF  }
0x24: {  	[dreg:$0x1] =	wrdreg $0xFFFFFFFF  }
0x25: {  	[dreg:$0x0] =	wrdreg $0x60  }
0x26: {  	[dreg:$0x2] =	wrdreg s25  }
0x27: {  	[dreg:$0x3] =	wrdreg $0x9  }
0x28: {  	_ =	task.clear_ibuf [dreg:s6], $0x4FFFF;
	_ =	strace $0x9000004F  }
0x29: {  	s29 =	simm.s32 $0x9;
	_ =	strace $0x80000051  }
0x2a: {  	_ =	swait.ge [sflag:s29], $0x1  }
0x2b: {  	[sflag:s29] =	ssyncadd.s32 $0xFFFFFFFF  }
0x2c: {  	_ =	strace $0x90000051  }
0x2d: {  	_ =	sfence  }
0x2e: {  	s30 =	sld [smem:$0x0];
	_ =	sdelay $0x2  }
0x2f: {  	s31 =	sshll.u32 s3, $0xD;
	s3 =	sshrl.u32 s3, $0x2  }
0x30: {  	s2 =	sand.u32 $0x4000, s31;
	s1 =	sadd.s32 s3, s30  }
0x31: {  	s0 =	sor.u32 s2, s0;
	s1 =	sshll.u32 s1, $0x11  }
0x32: {  	s0 =	sor.u32 s1, s0  }
0x33: {  	s0 =	sadd.s32 $0x8F2B, s0  }
0x34: {  	[sflag:s0] =	ssyncadd.remote.s32 $0x1  }
0x35: {  	_ =	sfence.sel $0xFFFF  }
0x36: {  	[dreg:$0x0] =	wrdreg $0xFFFFFFFF;
	(pc) =	sbr.abs _section_cstart, $3  }
0x37: {  	[dreg:$0x1] =	wrdreg $0xFFFFFFFF  }
0x38: {  	_ =	task.clear_ibuf [dreg:s6], $0x2FFFF;
	_ =	strace $0x9FFFFFFF  }
0x39: {  	(tm) =	ssettm $0x7FFFFFFF  }
tec
execute0_lowered:
.L_overlay_start_1:
0x0: {  	(tag) =	ssettag $0x1  }
0x1: {  	s0 =	srdreg.scid  }
0x2: {  	s1 =	sshll.u32 s0, $0x4  }
0x3: {  	s4 =	rddreg [dreg:$0x0];
	s0 =	stileid.u32;
	s1 =	sand.u32 $0x10, s1  }
0x4: {  	s7 =	simm.s32 $0x1;
	s8 =	simm.s32 $0x2;
	s1 =	sor.u32 s0, s1  }
0x5: {  	s9 =	simm.s32 $0x0;
	s12 =	simm.s32 $0x0;
	s2 =	sshll.u32 s1, $0x1  }
0x6: {  	s11 =	simm.s32 $0x0;
	s3 =	sadd.s32 $0xC5E00, s4;
	s6 =	ssub.s32 $0x400, s2  }
.Ltmp0:
0x7: {  	s4 =	sadd.s32 $0x2C5E00, s4;
	s5 =	sand.u32 $0x3E, s6;
	(pc) =	sbr.rel .LBB1_1-.Ltmp0, $4  }
0x8: {  	s1 =	rddreg [dreg:$0x1];
	_ =	strace $0x80000050;
	p0 =	sne.s32 s5, $0x0  }
0x9: {  	s6 =	sshrl.u32 s6, $0x6;
	s5 =	simm.s32 $0x1;
	s7 =	simm.s32 @!p0 $0x0  }
0xa: {  	s10 =	smov.u32 s2;
	[sflag:s5] =	ssyncpa.u1 $0x0;
	s6 =	sadd.s32 s7, s6  }
0xb: {  	[sflag:s8] =	ssyncpa.u1 $0x0;
	s8 =	simm.s32 $0x0;
	s7 =	sadd.s32 $0x1, s6  }
.LBB1_9:
0xc: {  	s14 =	sadd.s32 $0x40, s10  }
0xd: {  	p1 =	sgt.s32 s14, $0x3FF  }
0xe: {  	s14 =	smov.u32 @p1 s2;
	p1 =	sne.s32 s11, s7  }
.Ltmp1:
0xf: {  	p0 =	slt.u32 s11, $0x2;
	(pc) =	sbr.rel @!p1 .LBB1_10-.Ltmp1, $4  }
0x10: {  	s13 =	simm.s32 @!p0 $0x2  }
0x11: {  	s15 =	sadd.s32 $0x1, s11;
	_ =	swait.ge @!p0 [sflag:s13], $0x4000  }
0x12: {  	s12 =	smov.u32 s10;
	s9 =	sadd.s32 $0x4000, s9;
	[sflag:s13] =	ssyncset.done @!p0 $0x0  }
0x13: {  	s11 =	smov.u32 s15;
	s10 =	smov.u32 s14;
	[sflag:s13] =	ssyncadd.s32 @!p0 $0xFFFFC000  }
.LBB1_1:
0x14: {  	p0 =	sge.u32 s11, s6  }
0x15: {  	s13 =	sxor.u32 @!p0 $0xFFFFFFFF, s11  }
0x16: {  	s31 =	sadd.s32 $0xFFFFFFFF, s11;
	s14 =	sshll.u32 @!p0 s10, $0xA;
	s13 =	sshll.u32 @!p0 s13, $0xE  }
0x17: {  	s15 =	simm.s32 @!p0 $0x0;
	s14 =	sadd.s32 @!p0 s3, s14;
	s13 =	sand.u32 @!p0 $0x4000, s13  }
0x18: {  	[tilespmem:s13], [sflag:$0x1] =	stream.linear.gather @!p0 [hbm4b:s14+s15], $0x4000, $0x38;
	[tilespmem:$0x10000] =	vst v63  }
0x19: {  	p0 =	sge.u32 s31, s6  }
.Ltmp2:
0x1a: {  	_ = 	snop;
	(pc) =	sbr.rel @p0 .LBB1_9-.Ltmp2, $1  }
0x1b: {  	_ =	sdelay $0x3  }
0x1c: {  	s13 =	sshll.u32 s9, $0x2  }
0x1d: {  	_ =	swait.ge [sflag:s5], $0x4000;
	s14 =	sshll.u32 s11, $0xE;
	s16 =	simm.s32 $0x0  }
0x1e: {  	p1 =	por $0x1, $0x1;
	s13 =	sand.u32 $0x10000, s13;
	[sflag:s5] =	ssyncset.done $0x0  }
0x1f: {  	s14 =	sand.u32 $0x4000, s14;
	s15 =	sshrl.u32 s13, $0x2;
	[sflag:s5] =	ssyncadd.s32 $0xFFFFC000  }
0x20: {  	s13 =	sor.u32 $0x8000, s14;
	s14 =	sadd.s32 $0x8040, s15;
	s15 =	sadd.s32 $0x40, s15  }
.LBB1_3:
0x21: {  	s16 =	sshll.u32 s16, $0x2  }
0x22: {  	p0 =	por p1, p1;
	s17 =	sshra.s32 s16, $0x2  }
0x23: {  	s18 =	simm.s32 $0x0;
	s16 =	sadd.s32 s17, s14;
	s17 =	sadd.s32 s17, s15  }
.LBB1_4:
0x24: {  	v0 =	vmov s17;
	_ =	sdelay $0x3  }
0x25: {  	s20 =	simm.s32 $0x0  }
0x26: {  	v6 =	vld.idx.msk [tilespmem:v0+s20+$0x30 ss:$0x1], $0xffff  }
0x27: {  	v7 =	vld.idx.msk [tilespmem:v0+s20+$0xFFFFFFC0 ss:$0x1], $0xffff  }
0x28: {  	v5 =	vld.idx.msk [tilespmem:v0+s20+$0xFFFFFFD0 ss:$0x1], $0xffff  }
0x29: {  	v4 =	vld.idx.msk [tilespmem:v0+s20+$0xFFFFFFE0 ss:$0x1], $0xffff  }
0x2a: {  	v3 =	vld.idx.msk [tilespmem:v0+s20+$0xFFFFFFF0 ss:$0x1], $0xffff  }
0x2b: {  	v1 =	vld.idx.msk [tilespmem:v0+s20+$0x0 ss:$0x1], $0xffff  }
0x2c: {  	v2 =	vld.idx.msk [tilespmem:v0+s20+$0x10 ss:$0x1], $0xffff;
	[tilespmem:s16+$0x30] =	vst v6  }
0x2d: {  	s19 =	simm.s32 $0x80;
	s21 =	simm.s32 $0x400;
	[tilespmem:s16+$0xFFFFFFC0] =	vst v7;
	v6 =	vld.idx.msk [tilespmem:v0+s20+$0x20 ss:$0x1], $0xffff;
	s20 =	smov.u32 s16  }
.LBB1_5:
0x2e: {  	p1 =	sne.s32 s21, $0xE00;
	v7 =	vld.idx.msk [tilespmem:v0+s19+$0x30 ss:$0x1], $0xffff;
	[tilespmem:s20+$0xFFFFFFD0] =	vst v5  }
0x2f: {  	v8 =	vld.idx.msk [tilespmem:v0+s19+$0xFFFFFFC0 ss:$0x1], $0xffff;
	[tilespmem:s20+$0xFFFFFFE0] =	vst v4  }
0x30: {  	v5 =	vld.idx.msk [tilespmem:v0+s19+$0xFFFFFFD0 ss:$0x1], $0xffff;
	[tilespmem:s20+$0xFFFFFFF0] =	vst v3  }
.Ltmp3:
0x31: {  	v4 =	vld.idx.msk [tilespmem:v0+s19+$0xFFFFFFE0 ss:$0x1], $0xffff;
	[tilespmem:s20+$0x0] =	vst v1;
	(pc) =	sbr.rel @p1 .LBB1_5-.Ltmp3, $4  }
0x32: {  	v3 =	vld.idx.msk [tilespmem:v0+s19+$0xFFFFFFF0 ss:$0x1], $0xffff;
	[tilespmem:s20+$0x10] =	vst v2  }
0x33: {  	v1 =	vld.idx.msk [tilespmem:v0+s19+$0x0 ss:$0x1], $0xffff;
	[tilespmem:s20+$0x20] =	vst v6;
	s20 =	sadd.s32 $0x400, s20  }
0x34: {  	v2 =	vld.idx.msk [tilespmem:v0+s19+$0x10 ss:$0x1], $0xffff;
	[tilespmem:s20+$0x30] =	vst v7  }
0x35: {  	[tilespmem:s20+$0xFFFFFFC0] =	vst v8;
	v6 =	vld.idx.msk [tilespmem:v0+s19+$0x20 ss:$0x1], $0xffff;
	s19 =	sshra.s32 s21, $0x2;
	s21 =	sadd.s32 $0x200, s21  }
0x36: {  	_ =	sdelay $0x2  }
0x37: {  	[tilespmem:s20+$0xFFFFFFD0] =	vst v5  }
0x38: {  	v56 =	vld.idx.msk [tilespmem:v0+s19+$0x30 ss:$0x1], $0xffff;
	[tilespmem:s20+$0xFFFFFFE0] =	vst v4  }
0x39: {  	v57 =	vld.idx.msk [tilespmem:v0+s19+$0xFFFFFFC0 ss:$0x1], $0xffff;
	[tilespmem:s20+$0xFFFFFFF0] =	vst v3  }
0x3a: {  	v58 =	vld.idx.msk [tilespmem:v0+s19+$0xFFFFFFD0 ss:$0x1], $0xffff;
	[tilespmem:s20+$0x0] =	vst v1  }
0x3b: {  	v59 =	vld.idx.msk [tilespmem:v0+s19+$0xFFFFFFE0 ss:$0x1], $0xffff;
	[tilespmem:s20+$0x10] =	vst v2  }
0x3c: {  	v60 =	vld.idx.msk [tilespmem:v0+s19+$0xFFFFFFF0 ss:$0x1], $0xffff;
	s31 =	sadd.s32 $0x400, s20;
	[tilespmem:s20+$0x20] =	vst v6  }
0x3d: {  	v61 =	vld.idx.msk [tilespmem:v0+s19+$0x0 ss:$0x1], $0xffff;
	[tilespmem:s31+$0x30] =	vst v56  }
0x3e: {  	v62 =	vld.idx.msk [tilespmem:v0+s19+$0x10 ss:$0x1], $0xffff;
	s18 =	sadd.s32 $0x1, s18;
	[tilespmem:s31+$0xFFFFFFC0] =	vst v57  }
0x3f: {  	v63 =	vld.idx.msk [tilespmem:v0+s19+$0x20 ss:$0x1], $0xffff;
	p1 =	sne.s32 s18, $0x8;
	[tilespmem:s31+$0xFFFFFFD0] =	vst v58  }
.Ltmp4:
0x40: {  	[tilespmem:s31+$0xFFFFFFE0] =	vst v59;
	(pc) =	sbr.rel @p1 .LBB1_4-.Ltmp4, $4  }
0x41: {  	[tilespmem:s31+$0xFFFFFFF0] =	vst v60  }
0x42: {  	[tilespmem:s31+$0x0] =	vst v61  }
0x43: {  	[tilespmem:s31+$0x10] =	vst v62  }
0x44: {  	s16 =	sadd.s32 $0x80, s16;
	s17 =	sadd.s32 $0x400, s17;
	[tilespmem:s31+$0x20] =	vst v63  }
.Ltmp5:
0x45: {  	(pc) =	sbr.rel @p0 .LBB1_3-.Ltmp5, $2  }
0x46: {  	_ =	sdelay $0x2  }
0x47: {  	s16 =	simm.s32 $0x2000;
	p1 =	por $0x0, $0x0  }
.Ltmp6:
0x48: {  	(pc) =	sbr.rel .LBB1_9-.Ltmp6, $4  }
0x49: {  	_ = 	snop  }
0x4a: {  	s12 =	sshll.u32 s12, $0xA  }
0x4b: {  	s12 =	sadd.s32 s4, s12  }
0x4c: {  	[hbm4b:s12+s8] =	stream.linear.scatter [tilespmem:s13], [sflag:$0x2], $0x4000, $0x38;
	[tilespmem:$0x10000] =	vst v63  }
.LBB1_10:
0x4d: {  	_ =	sfence.sel $0x180000  }
0x4e: {  	s2 =	simm.s32 $0x1;
	[bflag:$0x0] =	sbarrier.arrive $0xFFFF  }
0x4f: {  	s31 =	simm.s32 $0x2;
	[sflag:s2] =	ssyncpa.u1 $0x1  }
0x50: {  	[sflag:s31] =	ssyncpa.u1 $0x1  }
0x51: {  	p0 =	sne.s32 s0, $0x0;
	_ =	strace $0x90000050  }
0x52: {  	s0 =	sadd.s32 @!p0 $0x100000, s1;
	[bflag:$0x2] =	sbarrier.arrive $0xFFFF  }
0x53: {  	[sflag:s0] =	ssyncadd.tile.s32 @!p0 $0x1;
	_ =	shalt  }
.Lfunc_end1:
_tile_overlayer_lowered:
.L_overlay_start_2:
0x54: {  	(tag) =	ssettag $0x2  }
0x55: {  	s0 =	rddreg [dreg:$0x0];
	s2 =	stileid.u32  }
0x56: {  	s1 =	rddreg [dreg:$0x1];
	p0 =	sne.s32 s2, $0x0  }
0x57: {  	s3 =	rddreg [dreg:$0x2];
	[bflag:$0x3] =	sbarrier.arrive $0xFFFF;
	s2 =	simm.s32 @!p0 $0x1C01  }
0x58: {  	[timem:s3], [sflag:s2] =	dma.local @!p0 [hbm:s0], s1  }
0x59: {  	s0 =	simm.s32 @!p0 $0x1  }
0x5a: {  	_ =	swait.ge @!p0 [sflag:s0], s1  }
0x5b: {  	s1 =	ssub.s32 @!p0 $0x0, s1;
	[sflag:s0] =	ssyncset.done @!p0 $0x0  }
0x5c: {  	[sflag:s0] =	ssyncadd.s32 @!p0 s1  }
0x5d: {  	[bflag:$0x3] =	sbarrier.arrive $0xFFFF  }
0x5e: {  	_ =	shalt  }

</sc_bundles>
